<compile_context>
chip_gen: v7x
topology: tpu7x:2x2x1
jax: 0.10.2.dev20260603
libtpu: 0.0.44.dev20260713+nightly
codegen_flags: <defaults>
</compile_context>

<pallas_src>
import functools

import jax
import jax.numpy as jnp
from jax import lax
from jax.experimental import pallas as pl
from jax.experimental.pallas import tpu as pltpu
from jax.experimental.pallas import tpu_sc as plsc

VOCAB = 100000
SEQ = 200
DIM = 64
BATCH = 1024
LANES = 16

NUM_CORES = 2
NUM_SUBCORES = 16
NW = NUM_CORES * NUM_SUBCORES
TOK_PER_W = BATCH * SEQ // NW
CHUNK_ROWS = 2
CHUNK = CHUNK_ROWS * SEQ
NCHUNK = TOK_PER_W // CHUNK
NBUF = 3
GROUPS = DIM // LANES

_mesh = plsc.VectorSubcoreMesh(
    core_axis_name="c", subcore_axis_name="s",
    num_cores=NUM_CORES, num_subcores=NUM_SUBCORES)


@functools.partial(
    pl.kernel,
    out_type=jax.ShapeDtypeStruct((BATCH * SEQ, DIM), jnp.float32),
    mesh=_mesh,
    scratch_types=[
        pltpu.VMEM((CHUNK, DIM), jnp.float32),
        pltpu.VMEM((TOK_PER_W,), jnp.int32),
        [pltpu.VMEM((CHUNK, DIM), jnp.float32) for _ in range(NBUF)],
        [pltpu.SemaphoreType.DMA for _ in range(NBUF)],
        [pltpu.SemaphoreType.DMA for _ in range(NBUF)],
    ],
    compiler_params=pltpu.CompilerParams(use_tc_tiling_on_sc=False),
)
def _emb_kernel(idx_hbm, table_hbm, pos_hbm, out_hbm,
                pos_v, idx_v, tok_bufs, gsems, osems):
    wid = lax.axis_index("s") * NUM_CORES + lax.axis_index("c")
    base = wid * TOK_PER_W

    pltpu.sync_copy(idx_hbm.at[pl.ds(base, TOK_PER_W)], idx_v)
    for r in range(CHUNK_ROWS):
        pltpu.sync_copy(pos_hbm, pos_v.at[pl.ds(r * SEQ, SEQ)])

    def start_gather(k, b):
        return pltpu.async_copy(
            table_hbm.at[idx_v.at[pl.ds(k * CHUNK, CHUNK)]], tok_bufs[b],
            gsems[b])

    gather = {0: start_gather(0, 0)}
    out_dma = {}
    for k in range(NCHUNK):
        cur = k % NBUF
        gather.pop(k).wait()
        if k + 1 < NCHUNK:
            nxt = (k + 1) % NBUF
            if k + 1 >= NBUF:
                out_dma.pop(k + 1 - NBUF).wait()
            gather[k + 1] = start_gather(k + 1, nxt)

        tok = tok_bufs[cur]

        @plsc.parallel_loop(0, CHUNK, unroll=8)
        def _add(s):
            for g in range(GROUPS):
                sl = pl.ds(g * LANES, LANES)
                plsc.addupdate(tok.at[s, sl], pos_v[s, sl])

        out_dma[k] = pltpu.async_copy(
            tok, out_hbm.at[pl.ds(base + k * CHUNK, CHUNK)], osems[cur])

    for k in sorted(out_dma):
        out_dma.pop(k).wait()


def kernel(inputs, token_table, pos_table):
    flat = _emb_kernel(inputs.reshape(-1).astype(jnp.int32),
                       token_table, pos_table)
    return flat.reshape(BATCH, SEQ, DIM)

# --- scband reference (transcript-rebuilt; emitter-appended) ---
"""Pipeline reference for scband-positional-embedding-39444979646621 (READ-ONLY COPY).

The authoritative reference and input builder live on the scoring server;
editing this copy changes nothing except your own understanding.
"""

import jax, jax.numpy as jnp
import numpy as np

VOCAB = 100000
SEQ_LEN = 200
DIM = 64
BATCH = 1024

def setup_inputs(seed: int = 0) -> dict:
    key = jax.random.key(seed)
    k1, k2, k3 = jax.random.split(key, 3)
    inputs = jax.random.randint(k1, (BATCH, SEQ_LEN), 0, VOCAB, dtype=jnp.int64 if jax.config.jax_enable_x64 else jnp.int32)
    token_table = jax.random.normal(k2, (VOCAB, DIM), dtype=jnp.float32) * 0.02
    pos_table = jax.random.normal(k3, (SEQ_LEN, DIM), dtype=jnp.float32) * 0.02
    return {"inputs": inputs, "token_table": token_table, "pos_table": pos_table}

def reference(inputs, token_table, pos_table):
    # token embedding lookup: gather rows from table
    embedded_tokens = jnp.take(token_table, inputs, axis=0)  # [B, L, D]
    length = inputs.shape[-1]
    positions = jnp.arange(0, length, dtype=jnp.int32)
    embedded_positions = jnp.take(pos_table, positions, axis=0)  # [L, D]
    return embedded_tokens + embedded_positions[None, :, :]

if __name__ == "__main__":
    import jax
    _d = setup_inputs()
    print(jax.jit(kernel)(*tuple(_d.values())))

</pallas_src>

<mosaic_0001>
#map = affine_map<(d0, d1) -> (0)>
#map1 = affine_map<(d0, d1) -> (0, 0)>
module attributes {stable_mosaic.version = 14 : i64} {
  func.func @_emb_kernel(%arg0: i32, %arg1: i32, %arg2: memref<204800xi32, #tpu.memory_space<hbm>>, %arg3: memref<100000x64xf32, #tpu.memory_space<hbm>>, %arg4: memref<200x64xf32, #tpu.memory_space<hbm>>, %arg5: memref<204800x64xf32, #tpu.memory_space<hbm>>, %arg6: memref<400x64xf32, #tpu.memory_space<vmem>>, %arg7: memref<6400xi32, #tpu.memory_space<vmem>>, %arg8: memref<400x64xf32, #tpu.memory_space<vmem>>, %arg9: memref<400x64xf32, #tpu.memory_space<vmem>>, %arg10: memref<400x64xf32, #tpu.memory_space<vmem>>, %arg11: memref<!tpu.dma_semaphore, #tpu.memory_space<semaphore_mem>>, %arg12: memref<!tpu.dma_semaphore, #tpu.memory_space<semaphore_mem>>, %arg13: memref<!tpu.dma_semaphore, #tpu.memory_space<semaphore_mem>>, %arg14: memref<!tpu.dma_semaphore, #tpu.memory_space<semaphore_mem>>, %arg15: memref<!tpu.dma_semaphore, #tpu.memory_space<semaphore_mem>>, %arg16: memref<!tpu.dma_semaphore, #tpu.memory_space<semaphore_mem>>) attributes {dimension_semantics = [#tpu.dimension_semantics<core_parallel>, #tpu.dimension_semantics<subcore_parallel>], iteration_bounds = array<i64: 2, 16>, scalar_prefetch = 0 : i64, scratch_operands = 11 : i64, tpu.core_type = #tpu.core_type<sc_vector_subcore>, window_params = [{transform_indices = #map}, {transform_indices = #map1}, {transform_indices = #map1}, {transform_indices = #map1}]} {
    %mul3A = arith.constant 2 : i32
    %mul3A_0 = arith.muli %arg1, %mul3A : i32
    %add3A = arith.addi %mul3A_0, %arg0 : i32
    %mul3A_1 = arith.constant 6400 : i32
    %mul3A_2 = arith.muli %add3A, %mul3A_1 : i32
    "tpu.region"() ({
      %run_scoped3A = tpu.sem_alloc : memref<!tpu.dma_semaphore, #tpu.memory_space<semaphore_mem>>
      %dma_start3A_368 = tpu.memref_slice %arg2[%mul3A_2] : memref<204800xi32, #tpu.memory_space<hbm>> -> memref<6400xi32, #tpu.memory_space<hbm>>
      %dma_start3A_369 = tpu.memref_slice %arg2[%mul3A_2] : memref<204800xi32, #tpu.memory_space<hbm>> -> memref<6400xi32, #tpu.memory_space<hbm>>
      tpu.enqueue_dma source(%dma_start3A_369 : memref<6400xi32, #tpu.memory_space<hbm>>) target(%arg7 : memref<6400xi32, #tpu.memory_space<vmem>>) target_semaphore(%run_scoped3A : memref<!tpu.dma_semaphore, #tpu.memory_space<semaphore_mem>>)
      %dma_wait3A_370 = tpu.memref_slice %arg2[%mul3A_2] : memref<204800xi32, #tpu.memory_space<hbm>> -> memref<6400xi32, #tpu.memory_space<hbm>>
      %dma_wait3A_371 = tpu.memref_slice %arg2[%mul3A_2] : memref<204800xi32, #tpu.memory_space<hbm>> -> memref<6400xi32, #tpu.memory_space<hbm>>
      tpu.wait_dma2 semaphore(%run_scoped3A : memref<!tpu.dma_semaphore, #tpu.memory_space<semaphore_mem>>) src(%dma_wait3A_371 : memref<6400xi32, #tpu.memory_space<hbm>>) dst(%arg7 : memref<6400xi32, #tpu.memory_space<vmem>>)
      tpu.yield
    }) : () -> ()
    "tpu.region"() ({
      %run_scoped3A = tpu.sem_alloc : memref<!tpu.dma_semaphore, #tpu.memory_space<semaphore_mem>>
      %dma_start3A_368 = arith.constant 0 : i32
      %dma_start3A_369 = arith.constant 0 : i32
      %dma_start3A_370 = tpu.memref_slice %arg6[%dma_start3A_368, %dma_start3A_369] : memref<400x64xf32, #tpu.memory_space<vmem>> -> memref<200x64xf32, #tpu.memory_space<vmem>>
      %dma_start3A_371 = arith.constant 0 : i32
      %dma_start3A_372 = arith.constant 0 : i32
      %dma_start3A_373 = tpu.memref_slice %arg6[%dma_start3A_371, %dma_start3A_372] : memref<400x64xf32, #tpu.memory_space<vmem>> -> memref<200x64xf32, #tpu.memory_space<vmem>>
      tpu.enqueue_dma source(%arg4 : memref<200x64xf32, #tpu.memory_space<hbm>>) target(%dma_start3A_373 : memref<200x64xf32, #tpu.memory_space<vmem>>) target_semaphore(%run_scoped3A : memref<!tpu.dma_semaphore, #tpu.memory_space<semaphore_mem>>)
      %dma_wait3A_374 = arith.constant 0 : i32
      %dma_wait3A_375 = arith.constant 0 : i32
      %dma_wait3A_376 = tpu.memref_slice %arg6[%dma_wait3A_374, %dma_wait3A_375] : memref<400x64xf32, #tpu.memory_space<vmem>> -> memref<200x64xf32, #tpu.memory_space<vmem>>
      %dma_wait3A_377 = arith.constant 0 : i32
      %dma_wait3A_378 = arith.constant 0 : i32
      %dma_wait3A_379 = tpu.memref_slice %arg6[%dma_wait3A_377, %dma_wait3A_378] : memref<400x64xf32, #tpu.memory_space<vmem>> -> memref<200x64xf32, #tpu.memory_space<vmem>>
      tpu.wait_dma2 semaphore(%run_scoped3A : memref<!tpu.dma_semaphore, #tpu.memory_space<semaphore_mem>>) src(%arg4 : memref<200x64xf32, #tpu.memory_space<hbm>>) dst(%dma_wait3A_379 : memref<200x64xf32, #tpu.memory_space<vmem>>)
      tpu.yield
    }) : () -> ()
    "tpu.region"() ({
      %run_scoped3A = tpu.sem_alloc : memref<!tpu.dma_semaphore, #tpu.memory_space<semaphore_mem>>
      %dma_start3A_368 = arith.constant 200 : i32
      %dma_start3A_369 = arith.constant 0 : i32
      %dma_start3A_370 = tpu.memref_slice %arg6[%dma_start3A_368, %dma_start3A_369] : memref<400x64xf32, #tpu.memory_space<vmem>> -> memref<200x64xf32, #tpu.memory_space<vmem>>
      %dma_start3A_371 = arith.constant 200 : i32
      %dma_start3A_372 = arith.constant 0 : i32
      %dma_start3A_373 = tpu.memref_slice %arg6[%dma_start3A_371, %dma_start3A_372] : memref<400x64xf32, #tpu.memory_space<vmem>> -> memref<200x64xf32, #tpu.memory_space<vmem>>
      tpu.enqueue_dma source(%arg4 : memref<200x64xf32, #tpu.memory_space<hbm>>) target(%dma_start3A_373 : memref<200x64xf32, #tpu.memory_space<vmem>>) target_semaphore(%run_scoped3A : memref<!tpu.dma_semaphore, #tpu.memory_space<semaphore_mem>>)
      %dma_wait3A_374 = arith.constant 200 : i32
      %dma_wait3A_375 = arith.constant 0 : i32
      %dma_wait3A_376 = tpu.memref_slice %arg6[%dma_wait3A_374, %dma_wait3A_375] : memref<400x64xf32, #tpu.memory_space<vmem>> -> memref<200x64xf32, #tpu.memory_space<vmem>>
      %dma_wait3A_377 = arith.constant 200 : i32
      %dma_wait3A_378 = arith.constant 0 : i32
      %dma_wait3A_379 = tpu.memref_slice %arg6[%dma_wait3A_377, %dma_wait3A_378] : memref<400x64xf32, #tpu.memory_space<vmem>> -> memref<200x64xf32, #tpu.memory_space<vmem>>
      tpu.wait_dma2 semaphore(%run_scoped3A : memref<!tpu.dma_semaphore, #tpu.memory_space<semaphore_mem>>) src(%arg4 : memref<200x64xf32, #tpu.memory_space<hbm>>) dst(%dma_wait3A_379 : memref<200x64xf32, #tpu.memory_space<vmem>>)
      tpu.yield
    }) : () -> ()
    %dma_start3A = arith.constant 0 : i32
    %dma_start3A_3 = tpu.memref_slice %arg7[%dma_start3A] : memref<6400xi32, #tpu.memory_space<vmem>> -> memref<400xi32, #tpu.memory_space<vmem>>
    %dma_start3A_4 = arith.constant 0 : i32
    %dma_start3A_5 = arith.constant 0 : i32
    %dma_start3A_6 = tpu.memref_slice %arg3[%dma_start3A_4, %dma_start3A_5] : memref<100000x64xf32, #tpu.memory_space<hbm>> -> memref<100000x64xf32, #tpu.memory_space<hbm>>
    tpu.enqueue_indirect_dma source(%dma_start3A_6 : memref<100000x64xf32, #tpu.memory_space<hbm>>) target(%arg8 : memref<400x64xf32, #tpu.memory_space<vmem>>) offsets(%dma_start3A_3 : memref<400xi32, #tpu.memory_space<vmem>>) semaphore(%arg11 : memref<!tpu.dma_semaphore, #tpu.memory_space<semaphore_mem>>)
    %dma_wait3A = arith.constant 0 : i32
    %dma_wait3A_7 = tpu.memref_slice %arg7[%dma_wait3A] : memref<6400xi32, #tpu.memory_space<vmem>> -> memref<400xi32, #tpu.memory_space<vmem>>
    %dma_wait3A_8 = arith.constant 0 : i32
    %dma_wait3A_9 = arith.constant 0 : i32
    %dma_wait3A_10 = tpu.memref_slice %arg3[%dma_wait3A_8, %dma_wait3A_9] : memref<100000x64xf32, #tpu.memory_space<hbm>> -> memref<100000x64xf32, #tpu.memory_space<hbm>>
    tpu.wait_indirect_dma semaphore(%arg11 : memref<!tpu.dma_semaphore, #tpu.memory_space<semaphore_mem>>) src(%dma_wait3A_10 : memref<100000x64xf32, #tpu.memory_space<hbm>>) dst(%arg8 : memref<400x64xf32, #tpu.memory_space<vmem>>)
    %dma_start3A_11 = arith.constant 400 : i32
    %dma_start3A_12 = tpu.memref_slice %arg7[%dma_start3A_11] : memref<6400xi32, #tpu.memory_space<vmem>> -> memref<400xi32, #tpu.memory_space<vmem>>
    %dma_start3A_13 = arith.constant 0 : i32
    %dma_start3A_14 = arith.constant 0 : i32
    %dma_start3A_15 = tpu.memref_slice %arg3[%dma_start3A_13, %dma_start3A_14] : memref<100000x64xf32, #tpu.memory_space<hbm>> -> memref<100000x64xf32, #tpu.memory_space<hbm>>
    tpu.enqueue_indirect_dma source(%dma_start3A_15 : memref<100000x64xf32, #tpu.memory_space<hbm>>) target(%arg9 : memref<400x64xf32, #tpu.memory_space<vmem>>) offsets(%dma_start3A_12 : memref<400xi32, #tpu.memory_space<vmem>>) semaphore(%arg12 : memref<!tpu.dma_semaphore, #tpu.memory_space<semaphore_mem>>)
    %parallel_loop3A = arith.constant 0 : i32
    %parallel_loop3A_16 = arith.constant 400 : i32
    %parallel_loop3A_17 = arith.constant 1 : i32
    scf.for %parallel_loop3A_368 = %parallel_loop3A to %parallel_loop3A_16 step %parallel_loop3A_17  : i32 {
      %parallel_loop3A_369 = arith.index_cast %parallel_loop3A_368 : i32 to index
      %parallel_loop3A_370 = arith.constant 0 : index
      %parallel_loop3A_371 = tpu.vector_load %arg6[%parallel_loop3A_369, %parallel_loop3A_370] {strides = array<i32>} : memref<400x64xf32, #tpu.memory_space<vmem>>, vector<1x16xf32>,
      %parallel_loop3A_372 = vector.shape_cast %parallel_loop3A_371 : vector<1x16xf32> to vector<16xf32>
      %parallel_loop3A_373 = arith.index_cast %parallel_loop3A_368 : i32 to index
      %parallel_loop3A_374 = arith.constant 0 : index
      %parallel_loop3A_375 = tpu.vector_load %arg8[%parallel_loop3A_373, %parallel_loop3A_374] {strides = array<i32>} : memref<400x64xf32, #tpu.memory_space<vmem>>, vector<1x16xf32>,
      %parallel_loop3A_376 = vector.shape_cast %parallel_loop3A_375 : vector<1x16xf32> to vector<16xf32>
      %parallel_loop3A_377 = vector.shape_cast %parallel_loop3A_372 : vector<16xf32> to vector<1x16xf32>
      tpu.vector_store %arg8[%parallel_loop3A_373, %parallel_loop3A_374], %parallel_loop3A_377 {add = true, strides = array<i32>} : memref<400x64xf32, #tpu.memory_space<vmem>>, vector<1x16xf32>,
      %parallel_loop3A_378 = arith.index_cast %parallel_loop3A_368 : i32 to index
      %parallel_loop3A_379 = arith.constant 16 : index
      %parallel_loop3A_380 = tpu.vector_load %arg6[%parallel_loop3A_378, %parallel_loop3A_379] {strides = array<i32>} : memref<400x64xf32, #tpu.memory_space<vmem>>, vector<1x16xf32>,
      %parallel_loop3A_381 = vector.shape_cast %parallel_loop3A_380 : vector<1x16xf32> to vector<16xf32>
      %parallel_loop3A_382 = arith.index_cast %parallel_loop3A_368 : i32 to index
      %parallel_loop3A_383 = arith.constant 16 : index
      %parallel_loop3A_384 = tpu.vector_load %arg8[%parallel_loop3A_382, %parallel_loop3A_383] {strides = array<i32>} : memref<400x64xf32, #tpu.memory_space<vmem>>, vector<1x16xf32>,
      %parallel_loop3A_385 = vector.shape_cast %parallel_loop3A_384 : vector<1x16xf32> to vector<16xf32>
      %parallel_loop3A_386 = vector.shape_cast %parallel_loop3A_381 : vector<16xf32> to vector<1x16xf32>
      tpu.vector_store %arg8[%parallel_loop3A_382, %parallel_loop3A_383], %parallel_loop3A_386 {add = true, strides = array<i32>} : memref<400x64xf32, #tpu.memory_space<vmem>>, vector<1x16xf32>,
      %parallel_loop3A_387 = arith.index_cast %parallel_loop3A_368 : i32 to index
      %parallel_loop3A_388 = arith.constant 32 : index
      %parallel_loop3A_389 = tpu.vector_load %arg6[%parallel_loop3A_387, %parallel_loop3A_388] {strides = array<i32>} : memref<400x64xf32, #tpu.memory_space<vmem>>, vector<1x16xf32>,
      %parallel_loop3A_390 = vector.shape_cast %parallel_loop3A_389 : vector<1x16xf32> to vector<16xf32>
      %parallel_loop3A_391 = arith.index_cast %parallel_loop3A_368 : i32 to index
      %parallel_loop3A_392 = arith.constant 32 : index
      %parallel_loop3A_393 = tpu.vector_load %arg8[%parallel_loop3A_391, %parallel_loop3A_392] {strides = array<i32>} : memref<400x64xf32, #tpu.memory_space<vmem>>, vector<1x16xf32>,
      %parallel_loop3A_394 = vector.shape_cast %parallel_loop3A_393 : vector<1x16xf32> to vector<16xf32>
      %parallel_loop3A_395 = vector.shape_cast %parallel_loop3A_390 : vector<16xf32> to vector<1x16xf32>
      tpu.vector_store %arg8[%parallel_loop3A_391, %parallel_loop3A_392], %parallel_loop3A_395 {add = true, strides = array<i32>} : memref<400x64xf32, #tpu.memory_space<vmem>>, vector<1x16xf32>,
      %parallel_loop3A_396 = arith.index_cast %parallel_loop3A_368 : i32 to index
      %parallel_loop3A_397 = arith.constant 48 : index
      %parallel_loop3A_398 = tpu.vector_load %arg6[%parallel_loop3A_396, %parallel_loop3A_397] {strides = array<i32>} : memref<400x64xf32, #tpu.memory_space<vmem>>, vector<1x16xf32>,
      %parallel_loop3A_399 = vector.shape_cast %parallel_loop3A_398 : vector<1x16xf32> to vector<16xf32>
      %parallel_loop3A_400 = arith.index_cast %parallel_loop3A_368 : i32 to index
      %parallel_loop3A_401 = arith.constant 48 : index
      %parallel_loop3A_402 = tpu.vector_load %arg8[%parallel_loop3A_400, %parallel_loop3A_401] {strides = array<i32>} : memref<400x64xf32, #tpu.memory_space<vmem>>, vector<1x16xf32>,
      %parallel_loop3A_403 = vector.shape_cast %parallel_loop3A_402 : vector<1x16xf32> to vector<16xf32>
      %parallel_loop3A_404 = vector.shape_cast %parallel_loop3A_399 : vector<16xf32> to vector<1x16xf32>
      tpu.vector_store %arg8[%parallel_loop3A_400, %parallel_loop3A_401], %parallel_loop3A_404 {add = true, strides = array<i32>} : memref<400x64xf32, #tpu.memory_space<vmem>>, vector<1x16xf32>,
    } {sc.loop_unroll_factor = 8 : i64, sc.parallel_access}
    %add3A_18 = arith.constant 0 : i32
    %add3A_19 = arith.addi %mul3A_2, %add3A_18 : i32
    %dma_start3A_20 = arith.constant 0 : i32
    %dma_start3A_21 = tpu.memref_slice %arg5[%add3A_19, %dma_start3A_20] : memref<204800x64xf32, #tpu.memory_space<hbm>> -> memref<400x64xf32, #tpu.memory_space<hbm>>
    %dma_start3A_22 = arith.constant 0 : i32
    %dma_start3A_23 = tpu.memref_slice %arg5[%add3A_19, %dma_start3A_22] : memref<204800x64xf32, #tpu.memory_space<hbm>> -> memref<400x64xf32, #tpu.memory_space<hbm>>
    tpu.enqueue_dma source(%arg8 : memref<400x64xf32, #tpu.memory_space<vmem>>) target(%dma_start3A_23 : memref<400x64xf32, #tpu.memory_space<hbm>>) target_semaphore(%arg14 : memref<!tpu.dma_semaphore, #tpu.memory_space<semaphore_mem>>)
    %dma_wait3A_24 = arith.constant 400 : i32
    %dma_wait3A_25 = tpu.memref_slice %arg7[%dma_wait3A_24] : memref<6400xi32, #tpu.memory_space<vmem>> -> memref<400xi32, #tpu.memory_space<vmem>>
    %dma_wait3A_26 = arith.constant 0 : i32
    %dma_wait3A_27 = arith.constant 0 : i32
    %dma_wait3A_28 = tpu.memref_slice %arg3[%dma_wait3A_26, %dma_wait3A_27] : memref<100000x64xf32, #tpu.memory_space<hbm>> -> memref<100000x64xf32, #tpu.memory_space<hbm>>
    tpu.wait_indirect_dma semaphore(%arg12 : memref<!tpu.dma_semaphore, #tpu.memory_space<semaphore_mem>>) src(%dma_wait3A_28 : memref<100000x64xf32, #tpu.memory_space<hbm>>) dst(%arg9 : memref<400x64xf32, #tpu.memory_space<vmem>>)
    %dma_start3A_29 = arith.constant 800 : i32
    %dma_start3A_30 = tpu.memref_slice %arg7[%dma_start3A_29] : memref<6400xi32, #tpu.memory_space<vmem>> -> memref<400xi32, #tpu.memory_space<vmem>>
    %dma_start3A_31 = arith.constant 0 : i32
    %dma_start3A_32 = arith.constant 0 : i32
    %dma_start3A_33 = tpu.memref_slice %arg3[%dma_start3A_31, %dma_start3A_32] : memref<100000x64xf32, #tpu.memory_space<hbm>> -> memref<100000x64xf32, #tpu.memory_space<hbm>>
    tpu.enqueue_indirect_dma source(%dma_start3A_33 : memref<100000x64xf32, #tpu.memory_space<hbm>>) target(%arg10 : memref<400x64xf32, #tpu.memory_space<vmem>>) offsets(%dma_start3A_30 : memref<400xi32, #tpu.memory_space<vmem>>) semaphore(%arg13 : memref<!tpu.dma_semaphore, #tpu.memory_space<semaphore_mem>>)
    %parallel_loop3A_34 = arith.constant 0 : i32
    %parallel_loop3A_35 = arith.constant 400 : i32
    %parallel_loop3A_36 = arith.constant 1 : i32
    scf.for %parallel_loop3A_368 = %parallel_loop3A_34 to %parallel_loop3A_35 step %parallel_loop3A_36  : i32 {
      %parallel_loop3A_369 = arith.index_cast %parallel_loop3A_368 : i32 to index
      %parallel_loop3A_370 = arith.constant 0 : index
      %parallel_loop3A_371 = tpu.vector_load %arg6[%parallel_loop3A_369, %parallel_loop3A_370] {strides = array<i32>} : memref<400x64xf32, #tpu.memory_space<vmem>>, vector<1x16xf32>,
      %parallel_loop3A_372 = vector.shape_cast %parallel_loop3A_371 : vector<1x16xf32> to vector<16xf32>
      %parallel_loop3A_373 = arith.index_cast %parallel_loop3A_368 : i32 to index
      %parallel_loop3A_374 = arith.constant 0 : index
      %parallel_loop3A_375 = tpu.vector_load %arg9[%parallel_loop3A_373, %parallel_loop3A_374] {strides = array<i32>} : memref<400x64xf32, #tpu.memory_space<vmem>>, vector<1x16xf32>,
      %parallel_loop3A_376 = vector.shape_cast %parallel_loop3A_375 : vector<1x16xf32> to vector<16xf32>
      %parallel_loop3A_377 = vector.shape_cast %parallel_loop3A_372 : vector<16xf32> to vector<1x16xf32>
      tpu.vector_store %arg9[%parallel_loop3A_373, %parallel_loop3A_374], %parallel_loop3A_377 {add = true, strides = array<i32>} : memref<400x64xf32, #tpu.memory_space<vmem>>, vector<1x16xf32>,
      %parallel_loop3A_378 = arith.index_cast %parallel_loop3A_368 : i32 to index
      %parallel_loop3A_379 = arith.constant 16 : index
      %parallel_loop3A_380 = tpu.vector_load %arg6[%parallel_loop3A_378, %parallel_loop3A_379] {strides = array<i32>} : memref<400x64xf32, #tpu.memory_space<vmem>>, vector<1x16xf32>,
      %parallel_loop3A_381 = vector.shape_cast %parallel_loop3A_380 : vector<1x16xf32> to vector<16xf32>
      %parallel_loop3A_382 = arith.index_cast %parallel_loop3A_368 : i32 to index
      %parallel_loop3A_383 = arith.constant 16 : index
      %parallel_loop3A_384 = tpu.vector_load %arg9[%parallel_loop3A_382, %parallel_loop3A_383] {strides = array<i32>} : memref<400x64xf32, #tpu.memory_space<vmem>>, vector<1x16xf32>,
      %parallel_loop3A_385 = vector.shape_cast %parallel_loop3A_384 : vector<1x16xf32> to vector<16xf32>
      %parallel_loop3A_386 = vector.shape_cast %parallel_loop3A_381 : vector<16xf32> to vector<1x16xf32>
      tpu.vector_store %arg9[%parallel_loop3A_382, %parallel_loop3A_383], %parallel_loop3A_386 {add = true, strides = array<i32>} : memref<400x64xf32, #tpu.memory_space<vmem>>, vector<1x16xf32>,
      %parallel_loop3A_387 = arith.index_cast %parallel_loop3A_368 : i32 to index
      %parallel_loop3A_388 = arith.constant 32 : index
      %parallel_loop3A_389 = tpu.vector_load %arg6[%parallel_loop3A_387, %parallel_loop3A_388] {strides = array<i32>} : memref<400x64xf32, #tpu.memory_space<vmem>>, vector<1x16xf32>,
      %parallel_loop3A_390 = vector.shape_cast %parallel_loop3A_389 : vector<1x16xf32> to vector<16xf32>
      %parallel_loop3A_391 = arith.index_cast %parallel_loop3A_368 : i32 to index
      %parallel_loop3A_392 = arith.constant 32 : index
      %parallel_loop3A_393 = tpu.vector_load %arg9[%parallel_loop3A_391, %parallel_loop3A_392] {strides = array<i32>} : memref<400x64xf32, #tpu.memory_space<vmem>>, vector<1x16xf32>,
      %parallel_loop3A_394 = vector.shape_cast %parallel_loop3A_393 : vector<1x16xf32> to vector<16xf32>
      %parallel_loop3A_395 = vector.shape_cast %parallel_loop3A_390 : vector<16xf32> to vector<1x16xf32>
      tpu.vector_store %arg9[%parallel_loop3A_391, %parallel_loop3A_392], %parallel_loop3A_395 {add = true, strides = array<i32>} : memref<400x64xf32, #tpu.memory_space<vmem>>, vector<1x16xf32>,
      %parallel_loop3A_396 = arith.index_cast %parallel_loop3A_368 : i32 to index
      %parallel_loop3A_397 = arith.constant 48 : index
      %parallel_loop3A_398 = tpu.vector_load %arg6[%parallel_loop3A_396, %parallel_loop3A_397] {strides = array<i32>} : memref<400x64xf32, #tpu.memory_space<vmem>>, vector<1x16xf32>,
      %parallel_loop3A_399 = vector.shape_cast %parallel_loop3A_398 : vector<1x16xf32> to vector<16xf32>
      %parallel_loop3A_400 = arith.index_cast %parallel_loop3A_368 : i32 to index
      %parallel_loop3A_401 = arith.constant 48 : index
      %parallel_loop3A_402 = tpu.vector_load %arg9[%parallel_loop3A_400, %parallel_loop3A_401] {strides = array<i32>} : memref<400x64xf32, #tpu.memory_space<vmem>>, vector<1x16xf32>,
      %parallel_loop3A_403 = vector.shape_cast %parallel_loop3A_402 : vector<1x16xf32> to vector<16xf32>
      %parallel_loop3A_404 = vector.shape_cast %parallel_loop3A_399 : vector<16xf32> to vector<1x16xf32>
      tpu.vector_store %arg9[%parallel_loop3A_400, %parallel_loop3A_401], %parallel_loop3A_404 {add = true, strides = array<i32>} : memref<400x64xf32, #tpu.memory_space<vmem>>, vector<1x16xf32>,
    } {sc.loop_unroll_factor = 8 : i64, sc.parallel_access}
    %add3A_37 = arith.constant 400 : i32
    %add3A_38 = arith.addi %mul3A_2, %add3A_37 : i32
    %dma_start3A_39 = arith.constant 0 : i32
    %dma_start3A_40 = tpu.memref_slice %arg5[%add3A_38, %dma_start3A_39] : memref<204800x64xf32, #tpu.memory_space<hbm>> -> memref<400x64xf32, #tpu.memory_space<hbm>>
    %dma_start3A_41 = arith.constant 0 : i32
    %dma_start3A_42 = tpu.memref_slice %arg5[%add3A_38, %dma_start3A_41] : memref<204800x64xf32, #tpu.memory_space<hbm>> -> memref<400x64xf32, #tpu.memory_space<hbm>>
    tpu.enqueue_dma source(%arg9 : memref<400x64xf32, #tpu.memory_space<vmem>>) target(%dma_start3A_42 : memref<400x64xf32, #tpu.memory_space<hbm>>) target_semaphore(%arg15 : memref<!tpu.dma_semaphore, #tpu.memory_space<semaphore_mem>>)
    %dma_wait3A_43 = arith.constant 800 : i32
    %dma_wait3A_44 = tpu.memref_slice %arg7[%dma_wait3A_43] : memref<6400xi32, #tpu.memory_space<vmem>> -> memref<400xi32, #tpu.memory_space<vmem>>
    %dma_wait3A_45 = arith.constant 0 : i32
    %dma_wait3A_46 = arith.constant 0 : i32
    %dma_wait3A_47 = tpu.memref_slice %arg3[%dma_wait3A_45, %dma_wait3A_46] : memref<100000x64xf32, #tpu.memory_space<hbm>> -> memref<100000x64xf32, #tpu.memory_space<hbm>>
    tpu.wait_indirect_dma semaphore(%arg13 : memref<!tpu.dma_semaphore, #tpu.memory_space<semaphore_mem>>) src(%dma_wait3A_47 : memref<100000x64xf32, #tpu.memory_space<hbm>>) dst(%arg10 : memref<400x64xf32, #tpu.memory_space<vmem>>)
    %dma_wait3A_48 = arith.constant 0 : i32
    %dma_wait3A_49 = tpu.memref_slice %arg5[%add3A_19, %dma_wait3A_48] : memref<204800x64xf32, #tpu.memory_space<hbm>> -> memref<400x64xf32, #tpu.memory_space<hbm>>
    %dma_wait3A_50 = arith.constant 0 : i32
    %dma_wait3A_51 = tpu.memref_slice %arg5[%add3A_19, %dma_wait3A_50] : memref<204800x64xf32, #tpu.memory_space<hbm>> -> memref<400x64xf32, #tpu.memory_space<hbm>>
    tpu.wait_dma2 semaphore(%arg14 : memref<!tpu.dma_semaphore, #tpu.memory_space<semaphore_mem>>) src(%arg8 : memref<400x64xf32, #tpu.memory_space<vmem>>) dst(%dma_wait3A_51 : memref<400x64xf32, #tpu.memory_space<hbm>>)
    %dma_start3A_52 = arith.constant 1200 : i32
    %dma_start3A_53 = tpu.memref_slice %arg7[%dma_start3A_52] : memref<6400xi32, #tpu.memory_space<vmem>> -> memref<400xi32, #tpu.memory_space<vmem>>
    %dma_start3A_54 = arith.constant 0 : i32
    %dma_start3A_55 = arith.constant 0 : i32
    %dma_start3A_56 = tpu.memref_slice %arg3[%dma_start3A_54, %dma_start3A_55] : memref<100000x64xf32, #tpu.memory_space<hbm>> -> memref<100000x64xf32, #tpu.memory_space<hbm>>
    tpu.enqueue_indirect_dma source(%dma_start3A_56 : memref<100000x64xf32, #tpu.memory_space<hbm>>) target(%arg8 : memref<400x64xf32, #tpu.memory_space<vmem>>) offsets(%dma_start3A_53 : memref<400xi32, #tpu.memory_space<vmem>>) semaphore(%arg11 : memref<!tpu.dma_semaphore, #tpu.memory_space<semaphore_mem>>)
    %parallel_loop3A_57 = arith.constant 0 : i32
    %parallel_loop3A_58 = arith.constant 400 : i32
    %parallel_loop3A_59 = arith.constant 1 : i32
    scf.for %parallel_loop3A_368 = %parallel_loop3A_57 to %parallel_loop3A_58 step %parallel_loop3A_59  : i32 {
      %parallel_loop3A_369 = arith.index_cast %parallel_loop3A_368 : i32 to index
      %parallel_loop3A_370 = arith.constant 0 : index
      %parallel_loop3A_371 = tpu.vector_load %arg6[%parallel_loop3A_369, %parallel_loop3A_370] {strides = array<i32>} : memref<400x64xf32, #tpu.memory_space<vmem>>, vector<1x16xf32>,
      %parallel_loop3A_372 = vector.shape_cast %parallel_loop3A_371 : vector<1x16xf32> to vector<16xf32>
      %parallel_loop3A_373 = arith.index_cast %parallel_loop3A_368 : i32 to index
      %parallel_loop3A_374 = arith.constant 0 : index
      %parallel_loop3A_375 = tpu.vector_load %arg10[%parallel_loop3A_373, %parallel_loop3A_374] {strides = array<i32>} : memref<400x64xf32, #tpu.memory_space<vmem>>, vector<1x16xf32>,
      %parallel_loop3A_376 = vector.shape_cast %parallel_loop3A_375 : vector<1x16xf32> to vector<16xf32>
      %parallel_loop3A_377 = vector.shape_cast %parallel_loop3A_372 : vector<16xf32> to vector<1x16xf32>
      tpu.vector_store %arg10[%parallel_loop3A_373, %parallel_loop3A_374], %parallel_loop3A_377 {add = true, strides = array<i32>} : memref<400x64xf32, #tpu.memory_space<vmem>>, vector<1x16xf32>,
      %parallel_loop3A_378 = arith.index_cast %parallel_loop3A_368 : i32 to index
      %parallel_loop3A_379 = arith.constant 16 : index
      %parallel_loop3A_380 = tpu.vector_load %arg6[%parallel_loop3A_378, %parallel_loop3A_379] {strides = array<i32>} : memref<400x64xf32, #tpu.memory_space<vmem>>, vector<1x16xf32>,
      %parallel_loop3A_381 = vector.shape_cast %parallel_loop3A_380 : vector<1x16xf32> to vector<16xf32>
      %parallel_loop3A_382 = arith.index_cast %parallel_loop3A_368 : i32 to index
      %parallel_loop3A_383 = arith.constant 16 : index
      %parallel_loop3A_384 = tpu.vector_load %arg10[%parallel_loop3A_382, %parallel_loop3A_383] {strides = array<i32>} : memref<400x64xf32, #tpu.memory_space<vmem>>, vector<1x16xf32>,
      %parallel_loop3A_385 = vector.shape_cast %parallel_loop3A_384 : vector<1x16xf32> to vector<16xf32>
      %parallel_loop3A_386 = vector.shape_cast %parallel_loop3A_381 : vector<16xf32> to vector<1x16xf32>
      tpu.vector_store %arg10[%parallel_loop3A_382, %parallel_loop3A_383], %parallel_loop3A_386 {add = true, strides = array<i32>} : memref<400x64xf32, #tpu.memory_space<vmem>>, vector<1x16xf32>,
      %parallel_loop3A_387 = arith.index_cast %parallel_loop3A_368 : i32 to index
      %parallel_loop3A_388 = arith.constant 32 : index
      %parallel_loop3A_389 = tpu.vector_load %arg6[%parallel_loop3A_387, %parallel_loop3A_388] {strides = array<i32>} : memref<400x64xf32, #tpu.memory_space<vmem>>, vector<1x16xf32>,
      %parallel_loop3A_390 = vector.shape_cast %parallel_loop3A_389 : vector<1x16xf32> to vector<16xf32>
      %parallel_loop3A_391 = arith.index_cast %parallel_loop3A_368 : i32 to index
      %parallel_loop3A_392 = arith.constant 32 : index
      %parallel_loop3A_393 = tpu.vector_load %arg10[%parallel_loop3A_391, %parallel_loop3A_392] {strides = array<i32>} : memref<400x64xf32, #tpu.memory_space<vmem>>, vector<1x16xf32>,
      %parallel_loop3A_394 = vector.shape_cast %parallel_loop3A_393 : vector<1x16xf32> to vector<16xf32>
      %parallel_loop3A_395 = vector.shape_cast %parallel_loop3A_390 : vector<16xf32> to vector<1x16xf32>
      tpu.vector_store %arg10[%parallel_loop3A_391, %parallel_loop3A_392], %parallel_loop3A_395 {add = true, strides = array<i32>} : memref<400x64xf32, #tpu.memory_space<vmem>>, vector<1x16xf32>,
      %parallel_loop3A_396 = arith.index_cast %parallel_loop3A_368 : i32 to index
      %parallel_loop3A_397 = arith.constant 48 : index
      %parallel_loop3A_398 = tpu.vector_load %arg6[%parallel_loop3A_396, %parallel_loop3A_397] {strides = array<i32>} : memref<400x64xf32, #tpu.memory_space<vmem>>, vector<1x16xf32>,
      %parallel_loop3A_399 = vector.shape_cast %parallel_loop3A_398 : vector<1x16xf32> to vector<16xf32>
      %parallel_loop3A_400 = arith.index_cast %parallel_loop3A_368 : i32 to index
      %parallel_loop3A_401 = arith.constant 48 : index
      %parallel_loop3A_402 = tpu.vector_load %arg10[%parallel_loop3A_400, %parallel_loop3A_401] {strides = array<i32>} : memref<400x64xf32, #tpu.memory_space<vmem>>, vector<1x16xf32>,
      %parallel_loop3A_403 = vector.shape_cast %parallel_loop3A_402 : vector<1x16xf32> to vector<16xf32>
      %parallel_loop3A_404 = vector.shape_cast %parallel_loop3A_399 : vector<16xf32> to vector<1x16xf32>
      tpu.vector_store %arg10[%parallel_loop3A_400, %parallel_loop3A_401], %parallel_loop3A_404 {add = true, strides = array<i32>} : memref<400x64xf32, #tpu.memory_space<vmem>>, vector<1x16xf32>,
    } {sc.loop_unroll_factor = 8 : i64, sc.parallel_access}
    %add3A_60 = arith.constant 800 : i32
    %add3A_61 = arith.addi %mul3A_2, %add3A_60 : i32
    %dma_start3A_62 = arith.constant 0 : i32
    %dma_start3A_63 = tpu.memref_slice %arg5[%add3A_61, %dma_start3A_62] : memref<204800x64xf32, #tpu.memory_space<hbm>> -> memref<400x64xf32, #tpu.memory_space<hbm>>
    %dma_start3A_64 = arith.constant 0 : i32
    %dma_start3A_65 = tpu.memref_slice %arg5[%add3A_61, %dma_start3A_64] : memref<204800x64xf32, #tpu.memory_space<hbm>> -> memref<400x64xf32, #tpu.memory_space<hbm>>
    tpu.enqueue_dma source(%arg10 : memref<400x64xf32, #tpu.memory_space<vmem>>) target(%dma_start3A_65 : memref<400x64xf32, #tpu.memory_space<hbm>>) target_semaphore(%arg16 : memref<!tpu.dma_semaphore, #tpu.memory_space<semaphore_mem>>)
    %dma_wait3A_66 = arith.constant 1200 : i32
    %dma_wait3A_67 = tpu.memref_slice %arg7[%dma_wait3A_66] : memref<6400xi32, #tpu.memory_space<vmem>> -> memref<400xi32, #tpu.memory_space<vmem>>
    %dma_wait3A_68 = arith.constant 0 : i32
    %dma_wait3A_69 = arith.constant 0 : i32
    %dma_wait3A_70 = tpu.memref_slice %arg3[%dma_wait3A_68, %dma_wait3A_69] : memref<100000x64xf32, #tpu.memory_space<hbm>> -> memref<100000x64xf32, #tpu.memory_space<hbm>>
    tpu.wait_indirect_dma semaphore(%arg11 : memref<!tpu.dma_semaphore, #tpu.memory_space<semaphore_mem>>) src(%dma_wait3A_70 : memref<100000x64xf32, #tpu.memory_space<hbm>>) dst(%arg8 : memref<400x64xf32, #tpu.memory_space<vmem>>)
    %dma_wait3A_71 = arith.constant 0 : i32
    %dma_wait3A_72 = tpu.memref_slice %arg5[%add3A_38, %dma_wait3A_71] : memref<204800x64xf32, #tpu.memory_space<hbm>> -> memref<400x64xf32, #tpu.memory_space<hbm>>
    %dma_wait3A_73 = arith.constant 0 : i32
    %dma_wait3A_74 = tpu.memref_slice %arg5[%add3A_38, %dma_wait3A_73] : memref<204800x64xf32, #tpu.memory_space<hbm>> -> memref<400x64xf32, #tpu.memory_space<hbm>>
    tpu.wait_dma2 semaphore(%arg15 : memref<!tpu.dma_semaphore, #tpu.memory_space<semaphore_mem>>) src(%arg9 : memref<400x64xf32, #tpu.memory_space<vmem>>) dst(%dma_wait3A_74 : memref<400x64xf32, #tpu.memory_space<hbm>>)
    %dma_start3A_75 = arith.constant 1600 : i32
    %dma_start3A_76 = tpu.memref_slice %arg7[%dma_start3A_75] : memref<6400xi32, #tpu.memory_space<vmem>> -> memref<400xi32, #tpu.memory_space<vmem>>
    %dma_start3A_77 = arith.constant 0 : i32
    %dma_start3A_78 = arith.constant 0 : i32
    %dma_start3A_79 = tpu.memref_slice %arg3[%dma_start3A_77, %dma_start3A_78] : memref<100000x64xf32, #tpu.memory_space<hbm>> -> memref<100000x64xf32, #tpu.memory_space<hbm>>
    tpu.enqueue_indirect_dma source(%dma_start3A_79 : memref<100000x64xf32, #tpu.memory_space<hbm>>) target(%arg9 : memref<400x64xf32, #tpu.memory_space<vmem>>) offsets(%dma_start3A_76 : memref<400xi32, #tpu.memory_space<vmem>>) semaphore(%arg12 : memref<!tpu.dma_semaphore, #tpu.memory_space<semaphore_mem>>)
    %parallel_loop3A_80 = arith.constant 0 : i32
    %parallel_loop3A_81 = arith.constant 400 : i32
    %parallel_loop3A_82 = arith.constant 1 : i32
    scf.for %parallel_loop3A_368 = %parallel_loop3A_80 to %parallel_loop3A_81 step %parallel_loop3A_82  : i32 {
      %parallel_loop3A_369 = arith.index_cast %parallel_loop3A_368 : i32 to index
      %parallel_loop3A_370 = arith.constant 0 : index
      %parallel_loop3A_371 = tpu.vector_load %arg6[%parallel_loop3A_369, %parallel_loop3A_370] {strides = array<i32>} : memref<400x64xf32, #tpu.memory_space<vmem>>, vector<1x16xf32>,
      %parallel_loop3A_372 = vector.shape_cast %parallel_loop3A_371 : vector<1x16xf32> to vector<16xf32>
      %parallel_loop3A_373 = arith.index_cast %parallel_loop3A_368 : i32 to index
      %parallel_loop3A_374 = arith.constant 0 : index
      %parallel_loop3A_375 = tpu.vector_load %arg8[%parallel_loop3A_373, %parallel_loop3A_374] {strides = array<i32>} : memref<400x64xf32, #tpu.memory_space<vmem>>, vector<1x16xf32>,
      %parallel_loop3A_376 = vector.shape_cast %parallel_loop3A_375 : vector<1x16xf32> to vector<16xf32>
      %parallel_loop3A_377 = vector.shape_cast %parallel_loop3A_372 : vector<16xf32> to vector<1x16xf32>
      tpu.vector_store %arg8[%parallel_loop3A_373, %parallel_loop3A_374], %parallel_loop3A_377 {add = true, strides = array<i32>} : memref<400x64xf32, #tpu.memory_space<vmem>>, vector<1x16xf32>,
      %parallel_loop3A_378 = arith.index_cast %parallel_loop3A_368 : i32 to index
      %parallel_loop3A_379 = arith.constant 16 : index
      %parallel_loop3A_380 = tpu.vector_load %arg6[%parallel_loop3A_378, %parallel_loop3A_379] {strides = array<i32>} : memref<400x64xf32, #tpu.memory_space<vmem>>, vector<1x16xf32>,
      %parallel_loop3A_381 = vector.shape_cast %parallel_loop3A_380 : vector<1x16xf32> to vector<16xf32>
      %parallel_loop3A_382 = arith.index_cast %parallel_loop3A_368 : i32 to index
      %parallel_loop3A_383 = arith.constant 16 : index
      %parallel_loop3A_384 = tpu.vector_load %arg8[%parallel_loop3A_382, %parallel_loop3A_383] {strides = array<i32>} : memref<400x64xf32, #tpu.memory_space<vmem>>, vector<1x16xf32>,
      %parallel_loop3A_385 = vector.shape_cast %parallel_loop3A_384 : vector<1x16xf32> to vector<16xf32>
      %parallel_loop3A_386 = vector.shape_cast %parallel_loop3A_381 : vector<16xf32> to vector<1x16xf32>
      tpu.vector_store %arg8[%parallel_loop3A_382, %parallel_loop3A_383], %parallel_loop3A_386 {add = true, strides = array<i32>} : memref<400x64xf32, #tpu.memory_space<vmem>>, vector<1x16xf32>,
      %parallel_loop3A_387 = arith.index_cast %parallel_loop3A_368 : i32 to index
      %parallel_loop3A_388 = arith.constant 32 : index
      %parallel_loop3A_389 = tpu.vector_load %arg6[%parallel_loop3A_387, %parallel_loop3A_388] {strides = array<i32>} : memref<400x64xf32, #tpu.memory_space<vmem>>, vector<1x16xf32>,
      %parallel_loop3A_390 = vector.shape_cast %parallel_loop3A_389 : vector<1x16xf32> to vector<16xf32>
      %parallel_loop3A_391 = arith.index_cast %parallel_loop3A_368 : i32 to index
      %parallel_loop3A_392 = arith.constant 32 : index
      %parallel_loop3A_393 = tpu.vector_load %arg8[%parallel_loop3A_391, %parallel_loop3A_392] {strides = array<i32>} : memref<400x64xf32, #tpu.memory_space<vmem>>, vector<1x16xf32>,
      %parallel_loop3A_394 = vector.shape_cast %parallel_loop3A_393 : vector<1x16xf32> to vector<16xf32>
      %parallel_loop3A_395 = vector.shape_cast %parallel_loop3A_390 : vector<16xf32> to vector<1x16xf32>
      tpu.vector_store %arg8[%parallel_loop3A_391, %parallel_loop3A_392], %parallel_loop3A_395 {add = true, strides = array<i32>} : memref<400x64xf32, #tpu.memory_space<vmem>>, vector<1x16xf32>,
      %parallel_loop3A_396 = arith.index_cast %parallel_loop3A_368 : i32 to index
      %parallel_loop3A_397 = arith.constant 48 : index
      %parallel_loop3A_398 = tpu.vector_load %arg6[%parallel_loop3A_396, %parallel_loop3A_397] {strides = array<i32>} : memref<400x64xf32, #tpu.memory_space<vmem>>, vector<1x16xf32>,
      %parallel_loop3A_399 = vector.shape_cast %parallel_loop3A_398 : vector<1x16xf32> to vector<16xf32>
      %parallel_loop3A_400 = arith.index_cast %parallel_loop3A_368 : i32 to index
      %parallel_loop3A_401 = arith.constant 48 : index
      %parallel_loop3A_402 = tpu.vector_load %arg8[%parallel_loop3A_400, %parallel_loop3A_401] {strides = array<i32>} : memref<400x64xf32, #tpu.memory_space<vmem>>, vector<1x16xf32>,
      %parallel_loop3A_403 = vector.shape_cast %parallel_loop3A_402 : vector<1x16xf32> to vector<16xf32>
      %parallel_loop3A_404 = vector.shape_cast %parallel_loop3A_399 : vector<16xf32> to vector<1x16xf32>
      tpu.vector_store %arg8[%parallel_loop3A_400, %parallel_loop3A_401], %parallel_loop3A_404 {add = true, strides = array<i32>} : memref<400x64xf32, #tpu.memory_space<vmem>>, vector<1x16xf32>,
    } {sc.loop_unroll_factor = 8 : i64, sc.parallel_access}
    %add3A_83 = arith.constant 1200 : i32
    %add3A_84 = arith.addi %mul3A_2, %add3A_83 : i32
    %dma_start3A_85 = arith.constant 0 : i32
    %dma_start3A_86 = tpu.memref_slice %arg5[%add3A_84, %dma_start3A_85] : memref<204800x64xf32, #tpu.memory_space<hbm>> -> memref<400x64xf32, #tpu.memory_space<hbm>>
    %dma_start3A_87 = arith.constant 0 : i32
    %dma_start3A_88 = tpu.memref_slice %arg5[%add3A_84, %dma_start3A_87] : memref<204800x64xf32, #tpu.memory_space<hbm>> -> memref<400x64xf32, #tpu.memory_space<hbm>>
    tpu.enqueue_dma source(%arg8 : memref<400x64xf32, #tpu.memory_space<vmem>>) target(%dma_start3A_88 : memref<400x64xf32, #tpu.memory_space<hbm>>) target_semaphore(%arg14 : memref<!tpu.dma_semaphore, #tpu.memory_space<semaphore_mem>>)
    %dma_wait3A_89 = arith.constant 1600 : i32
    %dma_wait3A_90 = tpu.memref_slice %arg7[%dma_wait3A_89] : memref<6400xi32, #tpu.memory_space<vmem>> -> memref<400xi32, #tpu.memory_space<vmem>>
    %dma_wait3A_91 = arith.constant 0 : i32
    %dma_wait3A_92 = arith.constant 0 : i32
    %dma_wait3A_93 = tpu.memref_slice %arg3[%dma_wait3A_91, %dma_wait3A_92] : memref<100000x64xf32, #tpu.memory_space<hbm>> -> memref<100000x64xf32, #tpu.memory_space<hbm>>
    tpu.wait_indirect_dma semaphore(%arg12 : memref<!tpu.dma_semaphore, #tpu.memory_space<semaphore_mem>>) src(%dma_wait3A_93 : memref<100000x64xf32, #tpu.memory_space<hbm>>) dst(%arg9 : memref<400x64xf32, #tpu.memory_space<vmem>>)
    %dma_wait3A_94 = arith.constant 0 : i32
    %dma_wait3A_95 = tpu.memref_slice %arg5[%add3A_61, %dma_wait3A_94] : memref<204800x64xf32, #tpu.memory_space<hbm>> -> memref<400x64xf32, #tpu.memory_space<hbm>>
    %dma_wait3A_96 = arith.constant 0 : i32
    %dma_wait3A_97 = tpu.memref_slice %arg5[%add3A_61, %dma_wait3A_96] : memref<204800x64xf32, #tpu.memory_space<hbm>> -> memref<400x64xf32, #tpu.memory_space<hbm>>
    tpu.wait_dma2 semaphore(%arg16 : memref<!tpu.dma_semaphore, #tpu.memory_space<semaphore_mem>>) src(%arg10 : memref<400x64xf32, #tpu.memory_space<vmem>>) dst(%dma_wait3A_97 : memref<400x64xf32, #tpu.memory_space<hbm>>)
    %dma_start3A_98 = arith.constant 2000 : i32
    %dma_start3A_99 = tpu.memref_slice %arg7[%dma_start3A_98] : memref<6400xi32, #tpu.memory_space<vmem>> -> memref<400xi32, #tpu.memory_space<vmem>>
    %dma_start3A_100 = arith.constant 0 : i32
    %dma_start3A_101 = arith.constant 0 : i32
    %dma_start3A_102 = tpu.memref_slice %arg3[%dma_start3A_100, %dma_start3A_101] : memref<100000x64xf32, #tpu.memory_space<hbm>> -> memref<100000x64xf32, #tpu.memory_space<hbm>>
    tpu.enqueue_indirect_dma source(%dma_start3A_102 : memref<100000x64xf32, #tpu.memory_space<hbm>>) target(%arg10 : memref<400x64xf32, #tpu.memory_space<vmem>>) offsets(%dma_start3A_99 : memref<400xi32, #tpu.memory_space<vmem>>) semaphore(%arg13 : memref<!tpu.dma_semaphore, #tpu.memory_space<semaphore_mem>>)
    %parallel_loop3A_103 = arith.constant 0 : i32
    %parallel_loop3A_104 = arith.constant 400 : i32
    %parallel_loop3A_105 = arith.constant 1 : i32
    scf.for %parallel_loop3A_368 = %parallel_loop3A_103 to %parallel_loop3A_104 step %parallel_loop3A_105  : i32 {
      %parallel_loop3A_369 = arith.index_cast %parallel_loop3A_368 : i32 to index
      %parallel_loop3A_370 = arith.constant 0 : index
      %parallel_loop3A_371 = tpu.vector_load %arg6[%parallel_loop3A_369, %parallel_loop3A_370] {strides = array<i32>} : memref<400x64xf32, #tpu.memory_space<vmem>>, vector<1x16xf32>,
      %parallel_loop3A_372 = vector.shape_cast %parallel_loop3A_371 : vector<1x16xf32> to vector<16xf32>
      %parallel_loop3A_373 = arith.index_cast %parallel_loop3A_368 : i32 to index
      %parallel_loop3A_374 = arith.constant 0 : index
      %parallel_loop3A_375 = tpu.vector_load %arg9[%parallel_loop3A_373, %parallel_loop3A_374] {strides = array<i32>} : memref<400x64xf32, #tpu.memory_space<vmem>>, vector<1x16xf32>,
      %parallel_loop3A_376 = vector.shape_cast %parallel_loop3A_375 : vector<1x16xf32> to vector<16xf32>
      %parallel_loop3A_377 = vector.shape_cast %parallel_loop3A_372 : vector<16xf32> to vector<1x16xf32>
      tpu.vector_store %arg9[%parallel_loop3A_373, %parallel_loop3A_374], %parallel_loop3A_377 {add = true, strides = array<i32>} : memref<400x64xf32, #tpu.memory_space<vmem>>, vector<1x16xf32>,
      %parallel_loop3A_378 = arith.index_cast %parallel_loop3A_368 : i32 to index
      %parallel_loop3A_379 = arith.constant 16 : index
      %parallel_loop3A_380 = tpu.vector_load %arg6[%parallel_loop3A_378, %parallel_loop3A_379] {strides = array<i32>} : memref<400x64xf32, #tpu.memory_space<vmem>>, vector<1x16xf32>,
      %parallel_loop3A_381 = vector.shape_cast %parallel_loop3A_380 : vector<1x16xf32> to vector<16xf32>
      %parallel_loop3A_382 = arith.index_cast %parallel_loop3A_368 : i32 to index
      %parallel_loop3A_383 = arith.constant 16 : index
      %parallel_loop3A_384 = tpu.vector_load %arg9[%parallel_loop3A_382, %parallel_loop3A_383] {strides = array<i32>} : memref<400x64xf32, #tpu.memory_space<vmem>>, vector<1x16xf32>,
      %parallel_loop3A_385 = vector.shape_cast %parallel_loop3A_384 : vector<1x16xf32> to vector<16xf32>
      %parallel_loop3A_386 = vector.shape_cast %parallel_loop3A_381 : vector<16xf32> to vector<1x16xf32>
      tpu.vector_store %arg9[%parallel_loop3A_382, %parallel_loop3A_383], %parallel_loop3A_386 {add = true, strides = array<i32>} : memref<400x64xf32, #tpu.memory_space<vmem>>, vector<1x16xf32>,
      %parallel_loop3A_387 = arith.index_cast %parallel_loop3A_368 : i32 to index
      %parallel_loop3A_388 = arith.constant 32 : index
      %parallel_loop3A_389 = tpu.vector_load %arg6[%parallel_loop3A_387, %parallel_loop3A_388] {strides = array<i32>} : memref<400x64xf32, #tpu.memory_space<vmem>>, vector<1x16xf32>,
      %parallel_loop3A_390 = vector.shape_cast %parallel_loop3A_389 : vector<1x16xf32> to vector<16xf32>
      %parallel_loop3A_391 = arith.index_cast %parallel_loop3A_368 : i32 to index
      %parallel_loop3A_392 = arith.constant 32 : index
      %parallel_loop3A_393 = tpu.vector_load %arg9[%parallel_loop3A_391, %parallel_loop3A_392] {strides = array<i32>} : memref<400x64xf32, #tpu.memory_space<vmem>>, vector<1x16xf32>,
      %parallel_loop3A_394 = vector.shape_cast %parallel_loop3A_393 : vector<1x16xf32> to vector<16xf32>
      %parallel_loop3A_395 = vector.shape_cast %parallel_loop3A_390 : vector<16xf32> to vector<1x16xf32>
      tpu.vector_store %arg9[%parallel_loop3A_391, %parallel_loop3A_392], %parallel_loop3A_395 {add = true, strides = array<i32>} : memref<400x64xf32, #tpu.memory_space<vmem>>, vector<1x16xf32>,
      %parallel_loop3A_396 = arith.index_cast %parallel_loop3A_368 : i32 to index
      %parallel_loop3A_397 = arith.constant 48 : index
      %parallel_loop3A_398 = tpu.vector_load %arg6[%parallel_loop3A_396, %parallel_loop3A_397] {strides = array<i32>} : memref<400x64xf32, #tpu.memory_space<vmem>>, vector<1x16xf32>,
      %parallel_loop3A_399 = vector.shape_cast %parallel_loop3A_398 : vector<1x16xf32> to vector<16xf32>
      %parallel_loop3A_400 = arith.index_cast %parallel_loop3A_368 : i32 to index
      %parallel_loop3A_401 = arith.constant 48 : index
      %parallel_loop3A_402 = tpu.vector_load %arg9[%parallel_loop3A_400, %parallel_loop3A_401] {strides = array<i32>} : memref<400x64xf32, #tpu.memory_space<vmem>>, vector<1x16xf32>,
      %parallel_loop3A_403 = vector.shape_cast %parallel_loop3A_402 : vector<1x16xf32> to vector<16xf32>
      %parallel_loop3A_404 = vector.shape_cast %parallel_loop3A_399 : vector<16xf32> to vector<1x16xf32>
      tpu.vector_store %arg9[%parallel_loop3A_400, %parallel_loop3A_401], %parallel_loop3A_404 {add = true, strides = array<i32>} : memref<400x64xf32, #tpu.memory_space<vmem>>, vector<1x16xf32>,
    } {sc.loop_unroll_factor = 8 : i64, sc.parallel_access}
    %add3A_106 = arith.constant 1600 : i32
    %add3A_107 = arith.addi %mul3A_2, %add3A_106 : i32
    %dma_start3A_108 = arith.constant 0 : i32
    %dma_start3A_109 = tpu.memref_slice %arg5[%add3A_107, %dma_start3A_108] : memref<204800x64xf32, #tpu.memory_space<hbm>> -> memref<400x64xf32, #tpu.memory_space<hbm>>
    %dma_start3A_110 = arith.constant 0 : i32
    %dma_start3A_111 = tpu.memref_slice %arg5[%add3A_107, %dma_start3A_110] : memref<204800x64xf32, #tpu.memory_space<hbm>> -> memref<400x64xf32, #tpu.memory_space<hbm>>
    tpu.enqueue_dma source(%arg9 : memref<400x64xf32, #tpu.memory_space<vmem>>) target(%dma_start3A_111 : memref<400x64xf32, #tpu.memory_space<hbm>>) target_semaphore(%arg15 : memref<!tpu.dma_semaphore, #tpu.memory_space<semaphore_mem>>)
    %dma_wait3A_112 = arith.constant 2000 : i32
    %dma_wait3A_113 = tpu.memref_slice %arg7[%dma_wait3A_112] : memref<6400xi32, #tpu.memory_space<vmem>> -> memref<400xi32, #tpu.memory_space<vmem>>
    %dma_wait3A_114 = arith.constant 0 : i32
    %dma_wait3A_115 = arith.constant 0 : i32
    %dma_wait3A_116 = tpu.memref_slice %arg3[%dma_wait3A_114, %dma_wait3A_115] : memref<100000x64xf32, #tpu.memory_space<hbm>> -> memref<100000x64xf32, #tpu.memory_space<hbm>>
    tpu.wait_indirect_dma semaphore(%arg13 : memref<!tpu.dma_semaphore, #tpu.memory_space<semaphore_mem>>) src(%dma_wait3A_116 : memref<100000x64xf32, #tpu.memory_space<hbm>>) dst(%arg10 : memref<400x64xf32, #tpu.memory_space<vmem>>)
    %dma_wait3A_117 = arith.constant 0 : i32
    %dma_wait3A_118 = tpu.memref_slice %arg5[%add3A_84, %dma_wait3A_117] : memref<204800x64xf32, #tpu.memory_space<hbm>> -> memref<400x64xf32, #tpu.memory_space<hbm>>
    %dma_wait3A_119 = arith.constant 0 : i32
    %dma_wait3A_120 = tpu.memref_slice %arg5[%add3A_84, %dma_wait3A_119] : memref<204800x64xf32, #tpu.memory_space<hbm>> -> memref<400x64xf32, #tpu.memory_space<hbm>>
    tpu.wait_dma2 semaphore(%arg14 : memref<!tpu.dma_semaphore, #tpu.memory_space<semaphore_mem>>) src(%arg8 : memref<400x64xf32, #tpu.memory_space<vmem>>) dst(%dma_wait3A_120 : memref<400x64xf32, #tpu.memory_space<hbm>>)
    %dma_start3A_121 = arith.constant 2400 : i32
    %dma_start3A_122 = tpu.memref_slice %arg7[%dma_start3A_121] : memref<6400xi32, #tpu.memory_space<vmem>> -> memref<400xi32, #tpu.memory_space<vmem>>
    %dma_start3A_123 = arith.constant 0 : i32
    %dma_start3A_124 = arith.constant 0 : i32
    %dma_start3A_125 = tpu.memref_slice %arg3[%dma_start3A_123, %dma_start3A_124] : memref<100000x64xf32, #tpu.memory_space<hbm>> -> memref<100000x64xf32, #tpu.memory_space<hbm>>
    tpu.enqueue_indirect_dma source(%dma_start3A_125 : memref<100000x64xf32, #tpu.memory_space<hbm>>) target(%arg8 : memref<400x64xf32, #tpu.memory_space<vmem>>) offsets(%dma_start3A_122 : memref<400xi32, #tpu.memory_space<vmem>>) semaphore(%arg11 : memref<!tpu.dma_semaphore, #tpu.memory_space<semaphore_mem>>)
    %parallel_loop3A_126 = arith.constant 0 : i32
    %parallel_loop3A_127 = arith.constant 400 : i32
    %parallel_loop3A_128 = arith.constant 1 : i32
    scf.for %parallel_loop3A_368 = %parallel_loop3A_126 to %parallel_loop3A_127 step %parallel_loop3A_128  : i32 {
      %parallel_loop3A_369 = arith.index_cast %parallel_loop3A_368 : i32 to index
      %parallel_loop3A_370 = arith.constant 0 : index
      %parallel_loop3A_371 = tpu.vector_load %arg6[%parallel_loop3A_369, %parallel_loop3A_370] {strides = array<i32>} : memref<400x64xf32, #tpu.memory_space<vmem>>, vector<1x16xf32>,
      %parallel_loop3A_372 = vector.shape_cast %parallel_loop3A_371 : vector<1x16xf32> to vector<16xf32>
      %parallel_loop3A_373 = arith.index_cast %parallel_loop3A_368 : i32 to index
      %parallel_loop3A_374 = arith.constant 0 : index
      %parallel_loop3A_375 = tpu.vector_load %arg10[%parallel_loop3A_373, %parallel_loop3A_374] {strides = array<i32>} : memref<400x64xf32, #tpu.memory_space<vmem>>, vector<1x16xf32>,
      %parallel_loop3A_376 = vector.shape_cast %parallel_loop3A_375 : vector<1x16xf32> to vector<16xf32>
      %parallel_loop3A_377 = vector.shape_cast %parallel_loop3A_372 : vector<16xf32> to vector<1x16xf32>
      tpu.vector_store %arg10[%parallel_loop3A_373, %parallel_loop3A_374], %parallel_loop3A_377 {add = true, strides = array<i32>} : memref<400x64xf32, #tpu.memory_space<vmem>>, vector<1x16xf32>,
      %parallel_loop3A_378 = arith.index_cast %parallel_loop3A_368 : i32 to index
      %parallel_loop3A_379 = arith.constant 16 : index
      %parallel_loop3A_380 = tpu.vector_load %arg6[%parallel_loop3A_378, %parallel_loop3A_379] {strides = array<i32>} : memref<400x64xf32, #tpu.memory_space<vmem>>, vector<1x16xf32>,
      %parallel_loop3A_381 = vector.shape_cast %parallel_loop3A_380 : vector<1x16xf32> to vector<16xf32>
      %parallel_loop3A_382 = arith.index_cast %parallel_loop3A_368 : i32 to index
      %parallel_loop3A_383 = arith.constant 16 : index
      %parallel_loop3A_384 = tpu.vector_load %arg10[%parallel_loop3A_382, %parallel_loop3A_383] {strides = array<i32>} : memref<400x64xf32, #tpu.memory_space<vmem>>, vector<1x16xf32>,
      %parallel_loop3A_385 = vector.shape_cast %parallel_loop3A_384 : vector<1x16xf32> to vector<16xf32>
      %parallel_loop3A_386 = vector.shape_cast %parallel_loop3A_381 : vector<16xf32> to vector<1x16xf32>
      tpu.vector_store %arg10[%parallel_loop3A_382, %parallel_loop3A_383], %parallel_loop3A_386 {add = true, strides = array<i32>} : memref<400x64xf32, #tpu.memory_space<vmem>>, vector<1x16xf32>,
      %parallel_loop3A_387 = arith.index_cast %parallel_loop3A_368 : i32 to index
      %parallel_loop3A_388 = arith.constant 32 : index
      %parallel_loop3A_389 = tpu.vector_load %arg6[%parallel_loop3A_387, %parallel_loop3A_388] {strides = array<i32>} : memref<400x64xf32, #tpu.memory_space<vmem>>, vector<1x16xf32>,
      %parallel_loop3A_390 = vector.shape_cast %parallel_loop3A_389 : vector<1x16xf32> to vector<16xf32>
      %parallel_loop3A_391 = arith.index_cast %parallel_loop3A_368 : i32 to index
      %parallel_loop3A_392 = arith.constant 32 : index
      %parallel_loop3A_393 = tpu.vector_load %arg10[%parallel_loop3A_391, %parallel_loop3A_392] {strides = array<i32>} : memref<400x64xf32, #tpu.memory_space<vmem>>, vector<1x16xf32>,
      %parallel_loop3A_394 = vector.shape_cast %parallel_loop3A_393 : vector<1x16xf32> to vector<16xf32>
      %parallel_loop3A_395 = vector.shape_cast %parallel_loop3A_390 : vector<16xf32> to vector<1x16xf32>
      tpu.vector_store %arg10[%parallel_loop3A_391, %parallel_loop3A_392], %parallel_loop3A_395 {add = true, strides = array<i32>} : memref<400x64xf32, #tpu.memory_space<vmem>>, vector<1x16xf32>,
      %parallel_loop3A_396 = arith.index_cast %parallel_loop3A_368 : i32 to index
      %parallel_loop3A_397 = arith.constant 48 : index
      %parallel_loop3A_398 = tpu.vector_load %arg6[%parallel_loop3A_396, %parallel_loop3A_397] {strides = array<i32>} : memref<400x64xf32, #tpu.memory_space<vmem>>, vector<1x16xf32>,
      %parallel_loop3A_399 = vector.shape_cast %parallel_loop3A_398 : vector<1x16xf32> to vector<16xf32>
      %parallel_loop3A_400 = arith.index_cast %parallel_loop3A_368 : i32 to index
      %parallel_loop3A_401 = arith.constant 48 : index
      %parallel_loop3A_402 = tpu.vector_load %arg10[%parallel_loop3A_400, %parallel_loop3A_401] {strides = array<i32>} : memref<400x64xf32, #tpu.memory_space<vmem>>, vector<1x16xf32>,
      %parallel_loop3A_403 = vector.shape_cast %parallel_loop3A_402 : vector<1x16xf32> to vector<16xf32>
      %parallel_loop3A_404 = vector.shape_cast %parallel_loop3A_399 : vector<16xf32> to vector<1x16xf32>
      tpu.vector_store %arg10[%parallel_loop3A_400, %parallel_loop3A_401], %parallel_loop3A_404 {add = true, strides = array<i32>} : memref<400x64xf32, #tpu.memory_space<vmem>>, vector<1x16xf32>,
    } {sc.loop_unroll_factor = 8 : i64, sc.parallel_access}
    %add3A_129 = arith.constant 2000 : i32
    %add3A_130 = arith.addi %mul3A_2, %add3A_129 : i32
    %dma_start3A_131 = arith.constant 0 : i32
    %dma_start3A_132 = tpu.memref_slice %arg5[%add3A_130, %dma_start3A_131] : memref<204800x64xf32, #tpu.memory_space<hbm>> -> memref<400x64xf32, #tpu.memory_space<hbm>>
    %dma_start3A_133 = arith.constant 0 : i32
    %dma_start3A_134 = tpu.memref_slice %arg5[%add3A_130, %dma_start3A_133] : memref<204800x64xf32, #tpu.memory_space<hbm>> -> memref<400x64xf32, #tpu.memory_space<hbm>>
    tpu.enqueue_dma source(%arg10 : memref<400x64xf32, #tpu.memory_space<vmem>>) target(%dma_start3A_134 : memref<400x64xf32, #tpu.memory_space<hbm>>) target_semaphore(%arg16 : memref<!tpu.dma_semaphore, #tpu.memory_space<semaphore_mem>>)
    %dma_wait3A_135 = arith.constant 2400 : i32
    %dma_wait3A_136 = tpu.memref_slice %arg7[%dma_wait3A_135] : memref<6400xi32, #tpu.memory_space<vmem>> -> memref<400xi32, #tpu.memory_space<vmem>>
    %dma_wait3A_137 = arith.constant 0 : i32
    %dma_wait3A_138 = arith.constant 0 : i32
    %dma_wait3A_139 = tpu.memref_slice %arg3[%dma_wait3A_137, %dma_wait3A_138] : memref<100000x64xf32, #tpu.memory_space<hbm>> -> memref<100000x64xf32, #tpu.memory_space<hbm>>
    tpu.wait_indirect_dma semaphore(%arg11 : memref<!tpu.dma_semaphore, #tpu.memory_space<semaphore_mem>>) src(%dma_wait3A_139 : memref<100000x64xf32, #tpu.memory_space<hbm>>) dst(%arg8 : memref<400x64xf32, #tpu.memory_space<vmem>>)
    %dma_wait3A_140 = arith.constant 0 : i32
    %dma_wait3A_141 = tpu.memref_slice %arg5[%add3A_107, %dma_wait3A_140] : memref<204800x64xf32, #tpu.memory_space<hbm>> -> memref<400x64xf32, #tpu.memory_space<hbm>>
    %dma_wait3A_142 = arith.constant 0 : i32
    %dma_wait3A_143 = tpu.memref_slice %arg5[%add3A_107, %dma_wait3A_142] : memref<204800x64xf32, #tpu.memory_space<hbm>> -> memref<400x64xf32, #tpu.memory_space<hbm>>
    tpu.wait_dma2 semaphore(%arg15 : memref<!tpu.dma_semaphore, #tpu.memory_space<semaphore_mem>>) src(%arg9 : memref<400x64xf32, #tpu.memory_space<vmem>>) dst(%dma_wait3A_143 : memref<400x64xf32, #tpu.memory_space<hbm>>)
    %dma_start3A_144 = arith.constant 2800 : i32
    %dma_start3A_145 = tpu.memref_slice %arg7[%dma_start3A_144] : memref<6400xi32, #tpu.memory_space<vmem>> -> memref<400xi32, #tpu.memory_space<vmem>>
    %dma_start3A_146 = arith.constant 0 : i32
    %dma_start3A_147 = arith.constant 0 : i32
    %dma_start3A_148 = tpu.memref_slice %arg3[%dma_start3A_146, %dma_start3A_147] : memref<100000x64xf32, #tpu.memory_space<hbm>> -> memref<100000x64xf32, #tpu.memory_space<hbm>>
    tpu.enqueue_indirect_dma source(%dma_start3A_148 : memref<100000x64xf32, #tpu.memory_space<hbm>>) target(%arg9 : memref<400x64xf32, #tpu.memory_space<vmem>>) offsets(%dma_start3A_145 : memref<400xi32, #tpu.memory_space<vmem>>) semaphore(%arg12 : memref<!tpu.dma_semaphore, #tpu.memory_space<semaphore_mem>>)
    %parallel_loop3A_149 = arith.constant 0 : i32
    %parallel_loop3A_150 = arith.constant 400 : i32
    %parallel_loop3A_151 = arith.constant 1 : i32
    scf.for %parallel_loop3A_368 = %parallel_loop3A_149 to %parallel_loop3A_150 step %parallel_loop3A_151  : i32 {
      %parallel_loop3A_369 = arith.index_cast %parallel_loop3A_368 : i32 to index
      %parallel_loop3A_370 = arith.constant 0 : index
      %parallel_loop3A_371 = tpu.vector_load %arg6[%parallel_loop3A_369, %parallel_loop3A_370] {strides = array<i32>} : memref<400x64xf32, #tpu.memory_space<vmem>>, vector<1x16xf32>,
      %parallel_loop3A_372 = vector.shape_cast %parallel_loop3A_371 : vector<1x16xf32> to vector<16xf32>
      %parallel_loop3A_373 = arith.index_cast %parallel_loop3A_368 : i32 to index
      %parallel_loop3A_374 = arith.constant 0 : index
      %parallel_loop3A_375 = tpu.vector_load %arg8[%parallel_loop3A_373, %parallel_loop3A_374] {strides = array<i32>} : memref<400x64xf32, #tpu.memory_space<vmem>>, vector<1x16xf32>,
      %parallel_loop3A_376 = vector.shape_cast %parallel_loop3A_375 : vector<1x16xf32> to vector<16xf32>
      %parallel_loop3A_377 = vector.shape_cast %parallel_loop3A_372 : vector<16xf32> to vector<1x16xf32>
      tpu.vector_store %arg8[%parallel_loop3A_373, %parallel_loop3A_374], %parallel_loop3A_377 {add = true, strides = array<i32>} : memref<400x64xf32, #tpu.memory_space<vmem>>, vector<1x16xf32>,
      %parallel_loop3A_378 = arith.index_cast %parallel_loop3A_368 : i32 to index
      %parallel_loop3A_379 = arith.constant 16 : index
      %parallel_loop3A_380 = tpu.vector_load %arg6[%parallel_loop3A_378, %parallel_loop3A_379] {strides = array<i32>} : memref<400x64xf32, #tpu.memory_space<vmem>>, vector<1x16xf32>,
      %parallel_loop3A_381 = vector.shape_cast %parallel_loop3A_380 : vector<1x16xf32> to vector<16xf32>
      %parallel_loop3A_382 = arith.index_cast %parallel_loop3A_368 : i32 to index
      %parallel_loop3A_383 = arith.constant 16 : index
      %parallel_loop3A_384 = tpu.vector_load %arg8[%parallel_loop3A_382, %parallel_loop3A_383] {strides = array<i32>} : memref<400x64xf32, #tpu.memory_space<vmem>>, vector<1x16xf32>,
      %parallel_loop3A_385 = vector.shape_cast %parallel_loop3A_384 : vector<1x16xf32> to vector<16xf32>
      %parallel_loop3A_386 = vector.shape_cast %parallel_loop3A_381 : vector<16xf32> to vector<1x16xf32>
      tpu.vector_store %arg8[%parallel_loop3A_382, %parallel_loop3A_383], %parallel_loop3A_386 {add = true, strides = array<i32>} : memref<400x64xf32, #tpu.memory_space<vmem>>, vector<1x16xf32>,
      %parallel_loop3A_387 = arith.index_cast %parallel_loop3A_368 : i32 to index
      %parallel_loop3A_388 = arith.constant 32 : index
      %parallel_loop3A_389 = tpu.vector_load %arg6[%parallel_loop3A_387, %parallel_loop3A_388] {strides = array<i32>} : memref<400x64xf32, #tpu.memory_space<vmem>>, vector<1x16xf32>,
      %parallel_loop3A_390 = vector.shape_cast %parallel_loop3A_389 : vector<1x16xf32> to vector<16xf32>
      %parallel_loop3A_391 = arith.index_cast %parallel_loop3A_368 : i32 to index
      %parallel_loop3A_392 = arith.constant 32 : index
      %parallel_loop3A_393 = tpu.vector_load %arg8[%parallel_loop3A_391, %parallel_loop3A_392] {strides = array<i32>} : memref<400x64xf32, #tpu.memory_space<vmem>>, vector<1x16xf32>,
      %parallel_loop3A_394 = vector.shape_cast %parallel_loop3A_393 : vector<1x16xf32> to vector<16xf32>
      %parallel_loop3A_395 = vector.shape_cast %parallel_loop3A_390 : vector<16xf32> to vector<1x16xf32>
      tpu.vector_store %arg8[%parallel_loop3A_391, %parallel_loop3A_392], %parallel_loop3A_395 {add = true, strides = array<i32>} : memref<400x64xf32, #tpu.memory_space<vmem>>, vector<1x16xf32>,
      %parallel_loop3A_396 = arith.index_cast %parallel_loop3A_368 : i32 to index
      %parallel_loop3A_397 = arith.constant 48 : index
      %parallel_loop3A_398 = tpu.vector_load %arg6[%parallel_loop3A_396, %parallel_loop3A_397] {strides = array<i32>} : memref<400x64xf32, #tpu.memory_space<vmem>>, vector<1x16xf32>,
      %parallel_loop3A_399 = vector.shape_cast %parallel_loop3A_398 : vector<1x16xf32> to vector<16xf32>
      %parallel_loop3A_400 = arith.index_cast %parallel_loop3A_368 : i32 to index
      %parallel_loop3A_401 = arith.constant 48 : index
      %parallel_loop3A_402 = tpu.vector_load %arg8[%parallel_loop3A_400, %parallel_loop3A_401] {strides = array<i32>} : memref<400x64xf32, #tpu.memory_space<vmem>>, vector<1x16xf32>,
      %parallel_loop3A_403 = vector.shape_cast %parallel_loop3A_402 : vector<1x16xf32> to vector<16xf32>
      %parallel_loop3A_404 = vector.shape_cast %parallel_loop3A_399 : vector<16xf32> to vector<1x16xf32>
      tpu.vector_store %arg8[%parallel_loop3A_400, %parallel_loop3A_401], %parallel_loop3A_404 {add = true, strides = array<i32>} : memref<400x64xf32, #tpu.memory_space<vmem>>, vector<1x16xf32>,
    } {sc.loop_unroll_factor = 8 : i64, sc.parallel_access}
    %add3A_152 = arith.constant 2400 : i32
    %add3A_153 = arith.addi %mul3A_2, %add3A_152 : i32
    %dma_start3A_154 = arith.constant 0 : i32
    %dma_start3A_155 = tpu.memref_slice %arg5[%add3A_153, %dma_start3A_154] : memref<204800x64xf32, #tpu.memory_space<hbm>> -> memref<400x64xf32, #tpu.memory_space<hbm>>
    %dma_start3A_156 = arith.constant 0 : i32
    %dma_start3A_157 = tpu.memref_slice %arg5[%add3A_153, %dma_start3A_156] : memref<204800x64xf32, #tpu.memory_space<hbm>> -> memref<400x64xf32, #tpu.memory_space<hbm>>
    tpu.enqueue_dma source(%arg8 : memref<400x64xf32, #tpu.memory_space<vmem>>) target(%dma_start3A_157 : memref<400x64xf32, #tpu.memory_space<hbm>>) target_semaphore(%arg14 : memref<!tpu.dma_semaphore, #tpu.memory_space<semaphore_mem>>)
    %dma_wait3A_158 = arith.constant 2800 : i32
    %dma_wait3A_159 = tpu.memref_slice %arg7[%dma_wait3A_158] : memref<6400xi32, #tpu.memory_space<vmem>> -> memref<400xi32, #tpu.memory_space<vmem>>
    %dma_wait3A_160 = arith.constant 0 : i32
    %dma_wait3A_161 = arith.constant 0 : i32
    %dma_wait3A_162 = tpu.memref_slice %arg3[%dma_wait3A_160, %dma_wait3A_161] : memref<100000x64xf32, #tpu.memory_space<hbm>> -> memref<100000x64xf32, #tpu.memory_space<hbm>>
    tpu.wait_indirect_dma semaphore(%arg12 : memref<!tpu.dma_semaphore, #tpu.memory_space<semaphore_mem>>) src(%dma_wait3A_162 : memref<100000x64xf32, #tpu.memory_space<hbm>>) dst(%arg9 : memref<400x64xf32, #tpu.memory_space<vmem>>)
    %dma_wait3A_163 = arith.constant 0 : i32
    %dma_wait3A_164 = tpu.memref_slice %arg5[%add3A_130, %dma_wait3A_163] : memref<204800x64xf32, #tpu.memory_space<hbm>> -> memref<400x64xf32, #tpu.memory_space<hbm>>
    %dma_wait3A_165 = arith.constant 0 : i32
    %dma_wait3A_166 = tpu.memref_slice %arg5[%add3A_130, %dma_wait3A_165] : memref<204800x64xf32, #tpu.memory_space<hbm>> -> memref<400x64xf32, #tpu.memory_space<hbm>>
    tpu.wait_dma2 semaphore(%arg16 : memref<!tpu.dma_semaphore, #tpu.memory_space<semaphore_mem>>) src(%arg10 : memref<400x64xf32, #tpu.memory_space<vmem>>) dst(%dma_wait3A_166 : memref<400x64xf32, #tpu.memory_space<hbm>>)
    %dma_start3A_167 = arith.constant 3200 : i32
    %dma_start3A_168 = tpu.memref_slice %arg7[%dma_start3A_167] : memref<6400xi32, #tpu.memory_space<vmem>> -> memref<400xi32, #tpu.memory_space<vmem>>
    %dma_start3A_169 = arith.constant 0 : i32
    %dma_start3A_170 = arith.constant 0 : i32
    %dma_start3A_171 = tpu.memref_slice %arg3[%dma_start3A_169, %dma_start3A_170] : memref<100000x64xf32, #tpu.memory_space<hbm>> -> memref<100000x64xf32, #tpu.memory_space<hbm>>
    tpu.enqueue_indirect_dma source(%dma_start3A_171 : memref<100000x64xf32, #tpu.memory_space<hbm>>) target(%arg10 : memref<400x64xf32, #tpu.memory_space<vmem>>) offsets(%dma_start3A_168 : memref<400xi32, #tpu.memory_space<vmem>>) semaphore(%arg13 : memref<!tpu.dma_semaphore, #tpu.memory_space<semaphore_mem>>)
    %parallel_loop3A_172 = arith.constant 0 : i32
    %parallel_loop3A_173 = arith.constant 400 : i32
    %parallel_loop3A_174 = arith.constant 1 : i32
    scf.for %parallel_loop3A_368 = %parallel_loop3A_172 to %parallel_loop3A_173 step %parallel_loop3A_174  : i32 {
      %parallel_loop3A_369 = arith.index_cast %parallel_loop3A_368 : i32 to index
      %parallel_loop3A_370 = arith.constant 0 : index
      %parallel_loop3A_371 = tpu.vector_load %arg6[%parallel_loop3A_369, %parallel_loop3A_370] {strides = array<i32>} : memref<400x64xf32, #tpu.memory_space<vmem>>, vector<1x16xf32>,
      %parallel_loop3A_372 = vector.shape_cast %parallel_loop3A_371 : vector<1x16xf32> to vector<16xf32>
      %parallel_loop3A_373 = arith.index_cast %parallel_loop3A_368 : i32 to index
      %parallel_loop3A_374 = arith.constant 0 : index
      %parallel_loop3A_375 = tpu.vector_load %arg9[%parallel_loop3A_373, %parallel_loop3A_374] {strides = array<i32>} : memref<400x64xf32, #tpu.memory_space<vmem>>, vector<1x16xf32>,
      %parallel_loop3A_376 = vector.shape_cast %parallel_loop3A_375 : vector<1x16xf32> to vector<16xf32>
      %parallel_loop3A_377 = vector.shape_cast %parallel_loop3A_372 : vector<16xf32> to vector<1x16xf32>
      tpu.vector_store %arg9[%parallel_loop3A_373, %parallel_loop3A_374], %parallel_loop3A_377 {add = true, strides = array<i32>} : memref<400x64xf32, #tpu.memory_space<vmem>>, vector<1x16xf32>,
      %parallel_loop3A_378 = arith.index_cast %parallel_loop3A_368 : i32 to index
      %parallel_loop3A_379 = arith.constant 16 : index
      %parallel_loop3A_380 = tpu.vector_load %arg6[%parallel_loop3A_378, %parallel_loop3A_379] {strides = array<i32>} : memref<400x64xf32, #tpu.memory_space<vmem>>, vector<1x16xf32>,
      %parallel_loop3A_381 = vector.shape_cast %parallel_loop3A_380 : vector<1x16xf32> to vector<16xf32>
      %parallel_loop3A_382 = arith.index_cast %parallel_loop3A_368 : i32 to index
      %parallel_loop3A_383 = arith.constant 16 : index
      %parallel_loop3A_384 = tpu.vector_load %arg9[%parallel_loop3A_382, %parallel_loop3A_383] {strides = array<i32>} : memref<400x64xf32, #tpu.memory_space<vmem>>, vector<1x16xf32>,
      %parallel_loop3A_385 = vector.shape_cast %parallel_loop3A_384 : vector<1x16xf32> to vector<16xf32>
      %parallel_loop3A_386 = vector.shape_cast %parallel_loop3A_381 : vector<16xf32> to vector<1x16xf32>
      tpu.vector_store %arg9[%parallel_loop3A_382, %parallel_loop3A_383], %parallel_loop3A_386 {add = true, strides = array<i32>} : memref<400x64xf32, #tpu.memory_space<vmem>>, vector<1x16xf32>,
      %parallel_loop3A_387 = arith.index_cast %parallel_loop3A_368 : i32 to index
      %parallel_loop3A_388 = arith.constant 32 : index
      %parallel_loop3A_389 = tpu.vector_load %arg6[%parallel_loop3A_387, %parallel_loop3A_388] {strides = array<i32>} : memref<400x64xf32, #tpu.memory_space<vmem>>, vector<1x16xf32>,
      %parallel_loop3A_390 = vector.shape_cast %parallel_loop3A_389 : vector<1x16xf32> to vector<16xf32>
      %parallel_loop3A_391 = arith.index_cast %parallel_loop3A_368 : i32 to index
      %parallel_loop3A_392 = arith.constant 32 : index
      %parallel_loop3A_393 = tpu.vector_load %arg9[%parallel_loop3A_391, %parallel_loop3A_392] {strides = array<i32>} : memref<400x64xf32, #tpu.memory_space<vmem>>, vector<1x16xf32>,
      %parallel_loop3A_394 = vector.shape_cast %parallel_loop3A_393 : vector<1x16xf32> to vector<16xf32>
      %parallel_loop3A_395 = vector.shape_cast %parallel_loop3A_390 : vector<16xf32> to vector<1x16xf32>
      tpu.vector_store %arg9[%parallel_loop3A_391, %parallel_loop3A_392], %parallel_loop3A_395 {add = true, strides = array<i32>} : memref<400x64xf32, #tpu.memory_space<vmem>>, vector<1x16xf32>,
      %parallel_loop3A_396 = arith.index_cast %parallel_loop3A_368 : i32 to index
      %parallel_loop3A_397 = arith.constant 48 : index
      %parallel_loop3A_398 = tpu.vector_load %arg6[%parallel_loop3A_396, %parallel_loop3A_397] {strides = array<i32>} : memref<400x64xf32, #tpu.memory_space<vmem>>, vector<1x16xf32>,
      %parallel_loop3A_399 = vector.shape_cast %parallel_loop3A_398 : vector<1x16xf32> to vector<16xf32>
      %parallel_loop3A_400 = arith.index_cast %parallel_loop3A_368 : i32 to index
      %parallel_loop3A_401 = arith.constant 48 : index
      %parallel_loop3A_402 = tpu.vector_load %arg9[%parallel_loop3A_400, %parallel_loop3A_401] {strides = array<i32>} : memref<400x64xf32, #tpu.memory_space<vmem>>, vector<1x16xf32>,
      %parallel_loop3A_403 = vector.shape_cast %parallel_loop3A_402 : vector<1x16xf32> to vector<16xf32>
      %parallel_loop3A_404 = vector.shape_cast %parallel_loop3A_399 : vector<16xf32> to vector<1x16xf32>
      tpu.vector_store %arg9[%parallel_loop3A_400, %parallel_loop3A_401], %parallel_loop3A_404 {add = true, strides = array<i32>} : memref<400x64xf32, #tpu.memory_space<vmem>>, vector<1x16xf32>,
    } {sc.loop_unroll_factor = 8 : i64, sc.parallel_access}
    %add3A_175 = arith.constant 2800 : i32
    %add3A_176 = arith.addi %mul3A_2, %add3A_175 : i32
    %dma_start3A_177 = arith.constant 0 : i32
    %dma_start3A_178 = tpu.memref_slice %arg5[%add3A_176, %dma_start3A_177] : memref<204800x64xf32, #tpu.memory_space<hbm>> -> memref<400x64xf32, #tpu.memory_space<hbm>>
    %dma_start3A_179 = arith.constant 0 : i32
    %dma_start3A_180 = tpu.memref_slice %arg5[%add3A_176, %dma_start3A_179] : memref<204800x64xf32, #tpu.memory_space<hbm>> -> memref<400x64xf32, #tpu.memory_space<hbm>>
    tpu.enqueue_dma source(%arg9 : memref<400x64xf32, #tpu.memory_space<vmem>>) target(%dma_start3A_180 : memref<400x64xf32, #tpu.memory_space<hbm>>) target_semaphore(%arg15 : memref<!tpu.dma_semaphore, #tpu.memory_space<semaphore_mem>>)
    %dma_wait3A_181 = arith.constant 3200 : i32
    %dma_wait3A_182 = tpu.memref_slice %arg7[%dma_wait3A_181] : memref<6400xi32, #tpu.memory_space<vmem>> -> memref<400xi32, #tpu.memory_space<vmem>>
    %dma_wait3A_183 = arith.constant 0 : i32
    %dma_wait3A_184 = arith.constant 0 : i32
    %dma_wait3A_185 = tpu.memref_slice %arg3[%dma_wait3A_183, %dma_wait3A_184] : memref<100000x64xf32, #tpu.memory_space<hbm>> -> memref<100000x64xf32, #tpu.memory_space<hbm>>
    tpu.wait_indirect_dma semaphore(%arg13 : memref<!tpu.dma_semaphore, #tpu.memory_space<semaphore_mem>>) src(%dma_wait3A_185 : memref<100000x64xf32, #tpu.memory_space<hbm>>) dst(%arg10 : memref<400x64xf32, #tpu.memory_space<vmem>>)
    %dma_wait3A_186 = arith.constant 0 : i32
    %dma_wait3A_187 = tpu.memref_slice %arg5[%add3A_153, %dma_wait3A_186] : memref<204800x64xf32, #tpu.memory_space<hbm>> -> memref<400x64xf32, #tpu.memory_space<hbm>>
    %dma_wait3A_188 = arith.constant 0 : i32
    %dma_wait3A_189 = tpu.memref_slice %arg5[%add3A_153, %dma_wait3A_188] : memref<204800x64xf32, #tpu.memory_space<hbm>> -> memref<400x64xf32, #tpu.memory_space<hbm>>
    tpu.wait_dma2 semaphore(%arg14 : memref<!tpu.dma_semaphore, #tpu.memory_space<semaphore_mem>>) src(%arg8 : memref<400x64xf32, #tpu.memory_space<vmem>>) dst(%dma_wait3A_189 : memref<400x64xf32, #tpu.memory_space<hbm>>)
    %dma_start3A_190 = arith.constant 3600 : i32
    %dma_start3A_191 = tpu.memref_slice %arg7[%dma_start3A_190] : memref<6400xi32, #tpu.memory_space<vmem>> -> memref<400xi32, #tpu.memory_space<vmem>>
    %dma_start3A_192 = arith.constant 0 : i32
    %dma_start3A_193 = arith.constant 0 : i32
    %dma_start3A_194 = tpu.memref_slice %arg3[%dma_start3A_192, %dma_start3A_193] : memref<100000x64xf32, #tpu.memory_space<hbm>> -> memref<100000x64xf32, #tpu.memory_space<hbm>>
    tpu.enqueue_indirect_dma source(%dma_start3A_194 : memref<100000x64xf32, #tpu.memory_space<hbm>>) target(%arg8 : memref<400x64xf32, #tpu.memory_space<vmem>>) offsets(%dma_start3A_191 : memref<400xi32, #tpu.memory_space<vmem>>) semaphore(%arg11 : memref<!tpu.dma_semaphore, #tpu.memory_space<semaphore_mem>>)
    %parallel_loop3A_195 = arith.constant 0 : i32
    %parallel_loop3A_196 = arith.constant 400 : i32
    %parallel_loop3A_197 = arith.constant 1 : i32
    scf.for %parallel_loop3A_368 = %parallel_loop3A_195 to %parallel_loop3A_196 step %parallel_loop3A_197  : i32 {
      %parallel_loop3A_369 = arith.index_cast %parallel_loop3A_368 : i32 to index
      %parallel_loop3A_370 = arith.constant 0 : index
      %parallel_loop3A_371 = tpu.vector_load %arg6[%parallel_loop3A_369, %parallel_loop3A_370] {strides = array<i32>} : memref<400x64xf32, #tpu.memory_space<vmem>>, vector<1x16xf32>,
      %parallel_loop3A_372 = vector.shape_cast %parallel_loop3A_371 : vector<1x16xf32> to vector<16xf32>
      %parallel_loop3A_373 = arith.index_cast %parallel_loop3A_368 : i32 to index
      %parallel_loop3A_374 = arith.constant 0 : index
      %parallel_loop3A_375 = tpu.vector_load %arg10[%parallel_loop3A_373, %parallel_loop3A_374] {strides = array<i32>} : memref<400x64xf32, #tpu.memory_space<vmem>>, vector<1x16xf32>,
      %parallel_loop3A_376 = vector.shape_cast %parallel_loop3A_375 : vector<1x16xf32> to vector<16xf32>
      %parallel_loop3A_377 = vector.shape_cast %parallel_loop3A_372 : vector<16xf32> to vector<1x16xf32>
      tpu.vector_store %arg10[%parallel_loop3A_373, %parallel_loop3A_374], %parallel_loop3A_377 {add = true, strides = array<i32>} : memref<400x64xf32, #tpu.memory_space<vmem>>, vector<1x16xf32>,
      %parallel_loop3A_378 = arith.index_cast %parallel_loop3A_368 : i32 to index
      %parallel_loop3A_379 = arith.constant 16 : index
      %parallel_loop3A_380 = tpu.vector_load %arg6[%parallel_loop3A_378, %parallel_loop3A_379] {strides = array<i32>} : memref<400x64xf32, #tpu.memory_space<vmem>>, vector<1x16xf32>,
      %parallel_loop3A_381 = vector.shape_cast %parallel_loop3A_380 : vector<1x16xf32> to vector<16xf32>
      %parallel_loop3A_382 = arith.index_cast %parallel_loop3A_368 : i32 to index
      %parallel_loop3A_383 = arith.constant 16 : index
      %parallel_loop3A_384 = tpu.vector_load %arg10[%parallel_loop3A_382, %parallel_loop3A_383] {strides = array<i32>} : memref<400x64xf32, #tpu.memory_space<vmem>>, vector<1x16xf32>,
      %parallel_loop3A_385 = vector.shape_cast %parallel_loop3A_384 : vector<1x16xf32> to vector<16xf32>
      %parallel_loop3A_386 = vector.shape_cast %parallel_loop3A_381 : vector<16xf32> to vector<1x16xf32>
      tpu.vector_store %arg10[%parallel_loop3A_382, %parallel_loop3A_383], %parallel_loop3A_386 {add = true, strides = array<i32>} : memref<400x64xf32, #tpu.memory_space<vmem>>, vector<1x16xf32>,
      %parallel_loop3A_387 = arith.index_cast %parallel_loop3A_368 : i32 to index
      %parallel_loop3A_388 = arith.constant 32 : index
      %parallel_loop3A_389 = tpu.vector_load %arg6[%parallel_loop3A_387, %parallel_loop3A_388] {strides = array<i32>} : memref<400x64xf32, #tpu.memory_space<vmem>>, vector<1x16xf32>,
      %parallel_loop3A_390 = vector.shape_cast %parallel_loop3A_389 : vector<1x16xf32> to vector<16xf32>
      %parallel_loop3A_391 = arith.index_cast %parallel_loop3A_368 : i32 to index
      %parallel_loop3A_392 = arith.constant 32 : index
      %parallel_loop3A_393 = tpu.vector_load %arg10[%parallel_loop3A_391, %parallel_loop3A_392] {strides = array<i32>} : memref<400x64xf32, #tpu.memory_space<vmem>>, vector<1x16xf32>,
      %parallel_loop3A_394 = vector.shape_cast %parallel_loop3A_393 : vector<1x16xf32> to vector<16xf32>
      %parallel_loop3A_395 = vector.shape_cast %parallel_loop3A_390 : vector<16xf32> to vector<1x16xf32>
      tpu.vector_store %arg10[%parallel_loop3A_391, %parallel_loop3A_392], %parallel_loop3A_395 {add = true, strides = array<i32>} : memref<400x64xf32, #tpu.memory_space<vmem>>, vector<1x16xf32>,
      %parallel_loop3A_396 = arith.index_cast %parallel_loop3A_368 : i32 to index
      %parallel_loop3A_397 = arith.constant 48 : index
      %parallel_loop3A_398 = tpu.vector_load %arg6[%parallel_loop3A_396, %parallel_loop3A_397] {strides = array<i32>} : memref<400x64xf32, #tpu.memory_space<vmem>>, vector<1x16xf32>,
      %parallel_loop3A_399 = vector.shape_cast %parallel_loop3A_398 : vector<1x16xf32> to vector<16xf32>
      %parallel_loop3A_400 = arith.index_cast %parallel_loop3A_368 : i32 to index
      %parallel_loop3A_401 = arith.constant 48 : index
      %parallel_loop3A_402 = tpu.vector_load %arg10[%parallel_loop3A_400, %parallel_loop3A_401] {strides = array<i32>} : memref<400x64xf32, #tpu.memory_space<vmem>>, vector<1x16xf32>,
      %parallel_loop3A_403 = vector.shape_cast %parallel_loop3A_402 : vector<1x16xf32> to vector<16xf32>
      %parallel_loop3A_404 = vector.shape_cast %parallel_loop3A_399 : vector<16xf32> to vector<1x16xf32>
      tpu.vector_store %arg10[%parallel_loop3A_400, %parallel_loop3A_401], %parallel_loop3A_404 {add = true, strides = array<i32>} : memref<400x64xf32, #tpu.memory_space<vmem>>, vector<1x16xf32>,
    } {sc.loop_unroll_factor = 8 : i64, sc.parallel_access}
    %add3A_198 = arith.constant 3200 : i32
    %add3A_199 = arith.addi %mul3A_2, %add3A_198 : i32
    %dma_start3A_200 = arith.constant 0 : i32
    %dma_start3A_201 = tpu.memref_slice %arg5[%add3A_199, %dma_start3A_200] : memref<204800x64xf32, #tpu.memory_space<hbm>> -> memref<400x64xf32, #tpu.memory_space<hbm>>
    %dma_start3A_202 = arith.constant 0 : i32
    %dma_start3A_203 = tpu.memref_slice %arg5[%add3A_199, %dma_start3A_202] : memref<204800x64xf32, #tpu.memory_space<hbm>> -> memref<400x64xf32, #tpu.memory_space<hbm>>
    tpu.enqueue_dma source(%arg10 : memref<400x64xf32, #tpu.memory_space<vmem>>) target(%dma_start3A_203 : memref<400x64xf32, #tpu.memory_space<hbm>>) target_semaphore(%arg16 : memref<!tpu.dma_semaphore, #tpu.memory_space<semaphore_mem>>)
    %dma_wait3A_204 = arith.constant 3600 : i32
    %dma_wait3A_205 = tpu.memref_slice %arg7[%dma_wait3A_204] : memref<6400xi32, #tpu.memory_space<vmem>> -> memref<400xi32, #tpu.memory_space<vmem>>
    %dma_wait3A_206 = arith.constant 0 : i32
    %dma_wait3A_207 = arith.constant 0 : i32
    %dma_wait3A_208 = tpu.memref_slice %arg3[%dma_wait3A_206, %dma_wait3A_207] : memref<100000x64xf32, #tpu.memory_space<hbm>> -> memref<100000x64xf32, #tpu.memory_space<hbm>>
    tpu.wait_indirect_dma semaphore(%arg11 : memref<!tpu.dma_semaphore, #tpu.memory_space<semaphore_mem>>) src(%dma_wait3A_208 : memref<100000x64xf32, #tpu.memory_space<hbm>>) dst(%arg8 : memref<400x64xf32, #tpu.memory_space<vmem>>)
    %dma_wait3A_209 = arith.constant 0 : i32
    %dma_wait3A_210 = tpu.memref_slice %arg5[%add3A_176, %dma_wait3A_209] : memref<204800x64xf32, #tpu.memory_space<hbm>> -> memref<400x64xf32, #tpu.memory_space<hbm>>
    %dma_wait3A_211 = arith.constant 0 : i32
    %dma_wait3A_212 = tpu.memref_slice %arg5[%add3A_176, %dma_wait3A_211] : memref<204800x64xf32, #tpu.memory_space<hbm>> -> memref<400x64xf32, #tpu.memory_space<hbm>>
    tpu.wait_dma2 semaphore(%arg15 : memref<!tpu.dma_semaphore, #tpu.memory_space<semaphore_mem>>) src(%arg9 : memref<400x64xf32, #tpu.memory_space<vmem>>) dst(%dma_wait3A_212 : memref<400x64xf32, #tpu.memory_space<hbm>>)
    %dma_start3A_213 = arith.constant 4000 : i32
    %dma_start3A_214 = tpu.memref_slice %arg7[%dma_start3A_213] : memref<6400xi32, #tpu.memory_space<vmem>> -> memref<400xi32, #tpu.memory_space<vmem>>
    %dma_start3A_215 = arith.constant 0 : i32
    %dma_start3A_216 = arith.constant 0 : i32
    %dma_start3A_217 = tpu.memref_slice %arg3[%dma_start3A_215, %dma_start3A_216] : memref<100000x64xf32, #tpu.memory_space<hbm>> -> memref<100000x64xf32, #tpu.memory_space<hbm>>
    tpu.enqueue_indirect_dma source(%dma_start3A_217 : memref<100000x64xf32, #tpu.memory_space<hbm>>) target(%arg9 : memref<400x64xf32, #tpu.memory_space<vmem>>) offsets(%dma_start3A_214 : memref<400xi32, #tpu.memory_space<vmem>>) semaphore(%arg12 : memref<!tpu.dma_semaphore, #tpu.memory_space<semaphore_mem>>)
    %parallel_loop3A_218 = arith.constant 0 : i32
    %parallel_loop3A_219 = arith.constant 400 : i32
    %parallel_loop3A_220 = arith.constant 1 : i32
    scf.for %parallel_loop3A_368 = %parallel_loop3A_218 to %parallel_loop3A_219 step %parallel_loop3A_220  : i32 {
      %parallel_loop3A_369 = arith.index_cast %parallel_loop3A_368 : i32 to index
      %parallel_loop3A_370 = arith.constant 0 : index
      %parallel_loop3A_371 = tpu.vector_load %arg6[%parallel_loop3A_369, %parallel_loop3A_370] {strides = array<i32>} : memref<400x64xf32, #tpu.memory_space<vmem>>, vector<1x16xf32>,
      %parallel_loop3A_372 = vector.shape_cast %parallel_loop3A_371 : vector<1x16xf32> to vector<16xf32>
      %parallel_loop3A_373 = arith.index_cast %parallel_loop3A_368 : i32 to index
      %parallel_loop3A_374 = arith.constant 0 : index
      %parallel_loop3A_375 = tpu.vector_load %arg8[%parallel_loop3A_373, %parallel_loop3A_374] {strides = array<i32>} : memref<400x64xf32, #tpu.memory_space<vmem>>, vector<1x16xf32>,
      %parallel_loop3A_376 = vector.shape_cast %parallel_loop3A_375 : vector<1x16xf32> to vector<16xf32>
      %parallel_loop3A_377 = vector.shape_cast %parallel_loop3A_372 : vector<16xf32> to vector<1x16xf32>
      tpu.vector_store %arg8[%parallel_loop3A_373, %parallel_loop3A_374], %parallel_loop3A_377 {add = true, strides = array<i32>} : memref<400x64xf32, #tpu.memory_space<vmem>>, vector<1x16xf32>,
      %parallel_loop3A_378 = arith.index_cast %parallel_loop3A_368 : i32 to index
      %parallel_loop3A_379 = arith.constant 16 : index
      %parallel_loop3A_380 = tpu.vector_load %arg6[%parallel_loop3A_378, %parallel_loop3A_379] {strides = array<i32>} : memref<400x64xf32, #tpu.memory_space<vmem>>, vector<1x16xf32>,
      %parallel_loop3A_381 = vector.shape_cast %parallel_loop3A_380 : vector<1x16xf32> to vector<16xf32>
      %parallel_loop3A_382 = arith.index_cast %parallel_loop3A_368 : i32 to index
      %parallel_loop3A_383 = arith.constant 16 : index
      %parallel_loop3A_384 = tpu.vector_load %arg8[%parallel_loop3A_382, %parallel_loop3A_383] {strides = array<i32>} : memref<400x64xf32, #tpu.memory_space<vmem>>, vector<1x16xf32>,
      %parallel_loop3A_385 = vector.shape_cast %parallel_loop3A_384 : vector<1x16xf32> to vector<16xf32>
      %parallel_loop3A_386 = vector.shape_cast %parallel_loop3A_381 : vector<16xf32> to vector<1x16xf32>
      tpu.vector_store %arg8[%parallel_loop3A_382, %parallel_loop3A_383], %parallel_loop3A_386 {add = true, strides = array<i32>} : memref<400x64xf32, #tpu.memory_space<vmem>>, vector<1x16xf32>,
      %parallel_loop3A_387 = arith.index_cast %parallel_loop3A_368 : i32 to index
      %parallel_loop3A_388 = arith.constant 32 : index
      %parallel_loop3A_389 = tpu.vector_load %arg6[%parallel_loop3A_387, %parallel_loop3A_388] {strides = array<i32>} : memref<400x64xf32, #tpu.memory_space<vmem>>, vector<1x16xf32>,
      %parallel_loop3A_390 = vector.shape_cast %parallel_loop3A_389 : vector<1x16xf32> to vector<16xf32>
      %parallel_loop3A_391 = arith.index_cast %parallel_loop3A_368 : i32 to index
      %parallel_loop3A_392 = arith.constant 32 : index
      %parallel_loop3A_393 = tpu.vector_load %arg8[%parallel_loop3A_391, %parallel_loop3A_392] {strides = array<i32>} : memref<400x64xf32, #tpu.memory_space<vmem>>, vector<1x16xf32>,
      %parallel_loop3A_394 = vector.shape_cast %parallel_loop3A_393 : vector<1x16xf32> to vector<16xf32>
      %parallel_loop3A_395 = vector.shape_cast %parallel_loop3A_390 : vector<16xf32> to vector<1x16xf32>
      tpu.vector_store %arg8[%parallel_loop3A_391, %parallel_loop3A_392], %parallel_loop3A_395 {add = true, strides = array<i32>} : memref<400x64xf32, #tpu.memory_space<vmem>>, vector<1x16xf32>,
      %parallel_loop3A_396 = arith.index_cast %parallel_loop3A_368 : i32 to index
      %parallel_loop3A_397 = arith.constant 48 : index
      %parallel_loop3A_398 = tpu.vector_load %arg6[%parallel_loop3A_396, %parallel_loop3A_397] {strides = array<i32>} : memref<400x64xf32, #tpu.memory_space<vmem>>, vector<1x16xf32>,
      %parallel_loop3A_399 = vector.shape_cast %parallel_loop3A_398 : vector<1x16xf32> to vector<16xf32>
      %parallel_loop3A_400 = arith.index_cast %parallel_loop3A_368 : i32 to index
      %parallel_loop3A_401 = arith.constant 48 : index
      %parallel_loop3A_402 = tpu.vector_load %arg8[%parallel_loop3A_400, %parallel_loop3A_401] {strides = array<i32>} : memref<400x64xf32, #tpu.memory_space<vmem>>, vector<1x16xf32>,
      %parallel_loop3A_403 = vector.shape_cast %parallel_loop3A_402 : vector<1x16xf32> to vector<16xf32>
      %parallel_loop3A_404 = vector.shape_cast %parallel_loop3A_399 : vector<16xf32> to vector<1x16xf32>
      tpu.vector_store %arg8[%parallel_loop3A_400, %parallel_loop3A_401], %parallel_loop3A_404 {add = true, strides = array<i32>} : memref<400x64xf32, #tpu.memory_space<vmem>>, vector<1x16xf32>,
    } {sc.loop_unroll_factor = 8 : i64, sc.parallel_access}
    %add3A_221 = arith.constant 3600 : i32
    %add3A_222 = arith.addi %mul3A_2, %add3A_221 : i32
    %dma_start3A_223 = arith.constant 0 : i32
    %dma_start3A_224 = tpu.memref_slice %arg5[%add3A_222, %dma_start3A_223] : memref<204800x64xf32, #tpu.memory_space<hbm>> -> memref<400x64xf32, #tpu.memory_space<hbm>>
    %dma_start3A_225 = arith.constant 0 : i32
    %dma_start3A_226 = tpu.memref_slice %arg5[%add3A_222, %dma_start3A_225] : memref<204800x64xf32, #tpu.memory_space<hbm>> -> memref<400x64xf32, #tpu.memory_space<hbm>>
    tpu.enqueue_dma source(%arg8 : memref<400x64xf32, #tpu.memory_space<vmem>>) target(%dma_start3A_226 : memref<400x64xf32, #tpu.memory_space<hbm>>) target_semaphore(%arg14 : memref<!tpu.dma_semaphore, #tpu.memory_space<semaphore_mem>>)
    %dma_wait3A_227 = arith.constant 4000 : i32
    %dma_wait3A_228 = tpu.memref_slice %arg7[%dma_wait3A_227] : memref<6400xi32, #tpu.memory_space<vmem>> -> memref<400xi32, #tpu.memory_space<vmem>>
    %dma_wait3A_229 = arith.constant 0 : i32
    %dma_wait3A_230 = arith.constant 0 : i32
    %dma_wait3A_231 = tpu.memref_slice %arg3[%dma_wait3A_229, %dma_wait3A_230] : memref<100000x64xf32, #tpu.memory_space<hbm>> -> memref<100000x64xf32, #tpu.memory_space<hbm>>
    tpu.wait_indirect_dma semaphore(%arg12 : memref<!tpu.dma_semaphore, #tpu.memory_space<semaphore_mem>>) src(%dma_wait3A_231 : memref<100000x64xf32, #tpu.memory_space<hbm>>) dst(%arg9 : memref<400x64xf32, #tpu.memory_space<vmem>>)
    %dma_wait3A_232 = arith.constant 0 : i32
    %dma_wait3A_233 = tpu.memref_slice %arg5[%add3A_199, %dma_wait3A_232] : memref<204800x64xf32, #tpu.memory_space<hbm>> -> memref<400x64xf32, #tpu.memory_space<hbm>>
    %dma_wait3A_234 = arith.constant 0 : i32
    %dma_wait3A_235 = tpu.memref_slice %arg5[%add3A_199, %dma_wait3A_234] : memref<204800x64xf32, #tpu.memory_space<hbm>> -> memref<400x64xf32, #tpu.memory_space<hbm>>
    tpu.wait_dma2 semaphore(%arg16 : memref<!tpu.dma_semaphore, #tpu.memory_space<semaphore_mem>>) src(%arg10 : memref<400x64xf32, #tpu.memory_space<vmem>>) dst(%dma_wait3A_235 : memref<400x64xf32, #tpu.memory_space<hbm>>)
    %dma_start3A_236 = arith.constant 4400 : i32
    %dma_start3A_237 = tpu.memref_slice %arg7[%dma_start3A_236] : memref<6400xi32, #tpu.memory_space<vmem>> -> memref<400xi32, #tpu.memory_space<vmem>>
    %dma_start3A_238 = arith.constant 0 : i32
    %dma_start3A_239 = arith.constant 0 : i32
    %dma_start3A_240 = tpu.memref_slice %arg3[%dma_start3A_238, %dma_start3A_239] : memref<100000x64xf32, #tpu.memory_space<hbm>> -> memref<100000x64xf32, #tpu.memory_space<hbm>>
    tpu.enqueue_indirect_dma source(%dma_start3A_240 : memref<100000x64xf32, #tpu.memory_space<hbm>>) target(%arg10 : memref<400x64xf32, #tpu.memory_space<vmem>>) offsets(%dma_start3A_237 : memref<400xi32, #tpu.memory_space<vmem>>) semaphore(%arg13 : memref<!tpu.dma_semaphore, #tpu.memory_space<semaphore_mem>>)
    %parallel_loop3A_241 = arith.constant 0 : i32
    %parallel_loop3A_242 = arith.constant 400 : i32
    %parallel_loop3A_243 = arith.constant 1 : i32
    scf.for %parallel_loop3A_368 = %parallel_loop3A_241 to %parallel_loop3A_242 step %parallel_loop3A_243  : i32 {
      %parallel_loop3A_369 = arith.index_cast %parallel_loop3A_368 : i32 to index
      %parallel_loop3A_370 = arith.constant 0 : index
      %parallel_loop3A_371 = tpu.vector_load %arg6[%parallel_loop3A_369, %parallel_loop3A_370] {strides = array<i32>} : memref<400x64xf32, #tpu.memory_space<vmem>>, vector<1x16xf32>,
      %parallel_loop3A_372 = vector.shape_cast %parallel_loop3A_371 : vector<1x16xf32> to vector<16xf32>
      %parallel_loop3A_373 = arith.index_cast %parallel_loop3A_368 : i32 to index
      %parallel_loop3A_374 = arith.constant 0 : index
      %parallel_loop3A_375 = tpu.vector_load %arg9[%parallel_loop3A_373, %parallel_loop3A_374] {strides = array<i32>} : memref<400x64xf32, #tpu.memory_space<vmem>>, vector<1x16xf32>,
      %parallel_loop3A_376 = vector.shape_cast %parallel_loop3A_375 : vector<1x16xf32> to vector<16xf32>
      %parallel_loop3A_377 = vector.shape_cast %parallel_loop3A_372 : vector<16xf32> to vector<1x16xf32>
      tpu.vector_store %arg9[%parallel_loop3A_373, %parallel_loop3A_374], %parallel_loop3A_377 {add = true, strides = array<i32>} : memref<400x64xf32, #tpu.memory_space<vmem>>, vector<1x16xf32>,
      %parallel_loop3A_378 = arith.index_cast %parallel_loop3A_368 : i32 to index
      %parallel_loop3A_379 = arith.constant 16 : index
      %parallel_loop3A_380 = tpu.vector_load %arg6[%parallel_loop3A_378, %parallel_loop3A_379] {strides = array<i32>} : memref<400x64xf32, #tpu.memory_space<vmem>>, vector<1x16xf32>,
      %parallel_loop3A_381 = vector.shape_cast %parallel_loop3A_380 : vector<1x16xf32> to vector<16xf32>
      %parallel_loop3A_382 = arith.index_cast %parallel_loop3A_368 : i32 to index
      %parallel_loop3A_383 = arith.constant 16 : index
      %parallel_loop3A_384 = tpu.vector_load %arg9[%parallel_loop3A_382, %parallel_loop3A_383] {strides = array<i32>} : memref<400x64xf32, #tpu.memory_space<vmem>>, vector<1x16xf32>,
      %parallel_loop3A_385 = vector.shape_cast %parallel_loop3A_384 : vector<1x16xf32> to vector<16xf32>
      %parallel_loop3A_386 = vector.shape_cast %parallel_loop3A_381 : vector<16xf32> to vector<1x16xf32>
      tpu.vector_store %arg9[%parallel_loop3A_382, %parallel_loop3A_383], %parallel_loop3A_386 {add = true, strides = array<i32>} : memref<400x64xf32, #tpu.memory_space<vmem>>, vector<1x16xf32>,
      %parallel_loop3A_387 = arith.index_cast %parallel_loop3A_368 : i32 to index
      %parallel_loop3A_388 = arith.constant 32 : index
      %parallel_loop3A_389 = tpu.vector_load %arg6[%parallel_loop3A_387, %parallel_loop3A_388] {strides = array<i32>} : memref<400x64xf32, #tpu.memory_space<vmem>>, vector<1x16xf32>,
      %parallel_loop3A_390 = vector.shape_cast %parallel_loop3A_389 : vector<1x16xf32> to vector<16xf32>
      %parallel_loop3A_391 = arith.index_cast %parallel_loop3A_368 : i32 to index
      %parallel_loop3A_392 = arith.constant 32 : index
      %parallel_loop3A_393 = tpu.vector_load %arg9[%parallel_loop3A_391, %parallel_loop3A_392] {strides = array<i32>} : memref<400x64xf32, #tpu.memory_space<vmem>>, vector<1x16xf32>,
      %parallel_loop3A_394 = vector.shape_cast %parallel_loop3A_393 : vector<1x16xf32> to vector<16xf32>
      %parallel_loop3A_395 = vector.shape_cast %parallel_loop3A_390 : vector<16xf32> to vector<1x16xf32>
      tpu.vector_store %arg9[%parallel_loop3A_391, %parallel_loop3A_392], %parallel_loop3A_395 {add = true, strides = array<i32>} : memref<400x64xf32, #tpu.memory_space<vmem>>, vector<1x16xf32>,
      %parallel_loop3A_396 = arith.index_cast %parallel_loop3A_368 : i32 to index
      %parallel_loop3A_397 = arith.constant 48 : index
      %parallel_loop3A_398 = tpu.vector_load %arg6[%parallel_loop3A_396, %parallel_loop3A_397] {strides = array<i32>} : memref<400x64xf32, #tpu.memory_space<vmem>>, vector<1x16xf32>,
      %parallel_loop3A_399 = vector.shape_cast %parallel_loop3A_398 : vector<1x16xf32> to vector<16xf32>
      %parallel_loop3A_400 = arith.index_cast %parallel_loop3A_368 : i32 to index
      %parallel_loop3A_401 = arith.constant 48 : index
      %parallel_loop3A_402 = tpu.vector_load %arg9[%parallel_loop3A_400, %parallel_loop3A_401] {strides = array<i32>} : memref<400x64xf32, #tpu.memory_space<vmem>>, vector<1x16xf32>,
      %parallel_loop3A_403 = vector.shape_cast %parallel_loop3A_402 : vector<1x16xf32> to vector<16xf32>
      %parallel_loop3A_404 = vector.shape_cast %parallel_loop3A_399 : vector<16xf32> to vector<1x16xf32>
      tpu.vector_store %arg9[%parallel_loop3A_400, %parallel_loop3A_401], %parallel_loop3A_404 {add = true, strides = array<i32>} : memref<400x64xf32, #tpu.memory_space<vmem>>, vector<1x16xf32>,
    } {sc.loop_unroll_factor = 8 : i64, sc.parallel_access}
    %add3A_244 = arith.constant 4000 : i32
    %add3A_245 = arith.addi %mul3A_2, %add3A_244 : i32
    %dma_start3A_246 = arith.constant 0 : i32
    %dma_start3A_247 = tpu.memref_slice %arg5[%add3A_245, %dma_start3A_246] : memref<204800x64xf32, #tpu.memory_space<hbm>> -> memref<400x64xf32, #tpu.memory_space<hbm>>
    %dma_start3A_248 = arith.constant 0 : i32
    %dma_start3A_249 = tpu.memref_slice %arg5[%add3A_245, %dma_start3A_248] : memref<204800x64xf32, #tpu.memory_space<hbm>> -> memref<400x64xf32, #tpu.memory_space<hbm>>
    tpu.enqueue_dma source(%arg9 : memref<400x64xf32, #tpu.memory_space<vmem>>) target(%dma_start3A_249 : memref<400x64xf32, #tpu.memory_space<hbm>>) target_semaphore(%arg15 : memref<!tpu.dma_semaphore, #tpu.memory_space<semaphore_mem>>)
    %dma_wait3A_250 = arith.constant 4400 : i32
    %dma_wait3A_251 = tpu.memref_slice %arg7[%dma_wait3A_250] : memref<6400xi32, #tpu.memory_space<vmem>> -> memref<400xi32, #tpu.memory_space<vmem>>
    %dma_wait3A_252 = arith.constant 0 : i32
    %dma_wait3A_253 = arith.constant 0 : i32
    %dma_wait3A_254 = tpu.memref_slice %arg3[%dma_wait3A_252, %dma_wait3A_253] : memref<100000x64xf32, #tpu.memory_space<hbm>> -> memref<100000x64xf32, #tpu.memory_space<hbm>>
    tpu.wait_indirect_dma semaphore(%arg13 : memref<!tpu.dma_semaphore, #tpu.memory_space<semaphore_mem>>) src(%dma_wait3A_254 : memref<100000x64xf32, #tpu.memory_space<hbm>>) dst(%arg10 : memref<400x64xf32, #tpu.memory_space<vmem>>)
    %dma_wait3A_255 = arith.constant 0 : i32
    %dma_wait3A_256 = tpu.memref_slice %arg5[%add3A_222, %dma_wait3A_255] : memref<204800x64xf32, #tpu.memory_space<hbm>> -> memref<400x64xf32, #tpu.memory_space<hbm>>
    %dma_wait3A_257 = arith.constant 0 : i32
    %dma_wait3A_258 = tpu.memref_slice %arg5[%add3A_222, %dma_wait3A_257] : memref<204800x64xf32, #tpu.memory_space<hbm>> -> memref<400x64xf32, #tpu.memory_space<hbm>>
    tpu.wait_dma2 semaphore(%arg14 : memref<!tpu.dma_semaphore, #tpu.memory_space<semaphore_mem>>) src(%arg8 : memref<400x64xf32, #tpu.memory_space<vmem>>) dst(%dma_wait3A_258 : memref<400x64xf32, #tpu.memory_space<hbm>>)
    %dma_start3A_259 = arith.constant 4800 : i32
    %dma_start3A_260 = tpu.memref_slice %arg7[%dma_start3A_259] : memref<6400xi32, #tpu.memory_space<vmem>> -> memref<400xi32, #tpu.memory_space<vmem>>
    %dma_start3A_261 = arith.constant 0 : i32
    %dma_start3A_262 = arith.constant 0 : i32
    %dma_start3A_263 = tpu.memref_slice %arg3[%dma_start3A_261, %dma_start3A_262] : memref<100000x64xf32, #tpu.memory_space<hbm>> -> memref<100000x64xf32, #tpu.memory_space<hbm>>
    tpu.enqueue_indirect_dma source(%dma_start3A_263 : memref<100000x64xf32, #tpu.memory_space<hbm>>) target(%arg8 : memref<400x64xf32, #tpu.memory_space<vmem>>) offsets(%dma_start3A_260 : memref<400xi32, #tpu.memory_space<vmem>>) semaphore(%arg11 : memref<!tpu.dma_semaphore, #tpu.memory_space<semaphore_mem>>)
    %parallel_loop3A_264 = arith.constant 0 : i32
    %parallel_loop3A_265 = arith.constant 400 : i32
    %parallel_loop3A_266 = arith.constant 1 : i32
    scf.for %parallel_loop3A_368 = %parallel_loop3A_264 to %parallel_loop3A_265 step %parallel_loop3A_266  : i32 {
      %parallel_loop3A_369 = arith.index_cast %parallel_loop3A_368 : i32 to index
      %parallel_loop3A_370 = arith.constant 0 : index
      %parallel_loop3A_371 = tpu.vector_load %arg6[%parallel_loop3A_369, %parallel_loop3A_370] {strides = array<i32>} : memref<400x64xf32, #tpu.memory_space<vmem>>, vector<1x16xf32>,
      %parallel_loop3A_372 = vector.shape_cast %parallel_loop3A_371 : vector<1x16xf32> to vector<16xf32>
      %parallel_loop3A_373 = arith.index_cast %parallel_loop3A_368 : i32 to index
      %parallel_loop3A_374 = arith.constant 0 : index
      %parallel_loop3A_375 = tpu.vector_load %arg10[%parallel_loop3A_373, %parallel_loop3A_374] {strides = array<i32>} : memref<400x64xf32, #tpu.memory_space<vmem>>, vector<1x16xf32>,
      %parallel_loop3A_376 = vector.shape_cast %parallel_loop3A_375 : vector<1x16xf32> to vector<16xf32>
      %parallel_loop3A_377 = vector.shape_cast %parallel_loop3A_372 : vector<16xf32> to vector<1x16xf32>
      tpu.vector_store %arg10[%parallel_loop3A_373, %parallel_loop3A_374], %parallel_loop3A_377 {add = true, strides = array<i32>} : memref<400x64xf32, #tpu.memory_space<vmem>>, vector<1x16xf32>,
      %parallel_loop3A_378 = arith.index_cast %parallel_loop3A_368 : i32 to index
      %parallel_loop3A_379 = arith.constant 16 : index
      %parallel_loop3A_380 = tpu.vector_load %arg6[%parallel_loop3A_378, %parallel_loop3A_379] {strides = array<i32>} : memref<400x64xf32, #tpu.memory_space<vmem>>, vector<1x16xf32>,
      %parallel_loop3A_381 = vector.shape_cast %parallel_loop3A_380 : vector<1x16xf32> to vector<16xf32>
      %parallel_loop3A_382 = arith.index_cast %parallel_loop3A_368 : i32 to index
      %parallel_loop3A_383 = arith.constant 16 : index
      %parallel_loop3A_384 = tpu.vector_load %arg10[%parallel_loop3A_382, %parallel_loop3A_383] {strides = array<i32>} : memref<400x64xf32, #tpu.memory_space<vmem>>, vector<1x16xf32>,
      %parallel_loop3A_385 = vector.shape_cast %parallel_loop3A_384 : vector<1x16xf32> to vector<16xf32>
      %parallel_loop3A_386 = vector.shape_cast %parallel_loop3A_381 : vector<16xf32> to vector<1x16xf32>
      tpu.vector_store %arg10[%parallel_loop3A_382, %parallel_loop3A_383], %parallel_loop3A_386 {add = true, strides = array<i32>} : memref<400x64xf32, #tpu.memory_space<vmem>>, vector<1x16xf32>,
      %parallel_loop3A_387 = arith.index_cast %parallel_loop3A_368 : i32 to index
      %parallel_loop3A_388 = arith.constant 32 : index
      %parallel_loop3A_389 = tpu.vector_load %arg6[%parallel_loop3A_387, %parallel_loop3A_388] {strides = array<i32>} : memref<400x64xf32, #tpu.memory_space<vmem>>, vector<1x16xf32>,
      %parallel_loop3A_390 = vector.shape_cast %parallel_loop3A_389 : vector<1x16xf32> to vector<16xf32>
      %parallel_loop3A_391 = arith.index_cast %parallel_loop3A_368 : i32 to index
      %parallel_loop3A_392 = arith.constant 32 : index
      %parallel_loop3A_393 = tpu.vector_load %arg10[%parallel_loop3A_391, %parallel_loop3A_392] {strides = array<i32>} : memref<400x64xf32, #tpu.memory_space<vmem>>, vector<1x16xf32>,
      %parallel_loop3A_394 = vector.shape_cast %parallel_loop3A_393 : vector<1x16xf32> to vector<16xf32>
      %parallel_loop3A_395 = vector.shape_cast %parallel_loop3A_390 : vector<16xf32> to vector<1x16xf32>
      tpu.vector_store %arg10[%parallel_loop3A_391, %parallel_loop3A_392], %parallel_loop3A_395 {add = true, strides = array<i32>} : memref<400x64xf32, #tpu.memory_space<vmem>>, vector<1x16xf32>,
      %parallel_loop3A_396 = arith.index_cast %parallel_loop3A_368 : i32 to index
      %parallel_loop3A_397 = arith.constant 48 : index
      %parallel_loop3A_398 = tpu.vector_load %arg6[%parallel_loop3A_396, %parallel_loop3A_397] {strides = array<i32>} : memref<400x64xf32, #tpu.memory_space<vmem>>, vector<1x16xf32>,
      %parallel_loop3A_399 = vector.shape_cast %parallel_loop3A_398 : vector<1x16xf32> to vector<16xf32>
      %parallel_loop3A_400 = arith.index_cast %parallel_loop3A_368 : i32 to index
      %parallel_loop3A_401 = arith.constant 48 : index
      %parallel_loop3A_402 = tpu.vector_load %arg10[%parallel_loop3A_400, %parallel_loop3A_401] {strides = array<i32>} : memref<400x64xf32, #tpu.memory_space<vmem>>, vector<1x16xf32>,
      %parallel_loop3A_403 = vector.shape_cast %parallel_loop3A_402 : vector<1x16xf32> to vector<16xf32>
      %parallel_loop3A_404 = vector.shape_cast %parallel_loop3A_399 : vector<16xf32> to vector<1x16xf32>
      tpu.vector_store %arg10[%parallel_loop3A_400, %parallel_loop3A_401], %parallel_loop3A_404 {add = true, strides = array<i32>} : memref<400x64xf32, #tpu.memory_space<vmem>>, vector<1x16xf32>,
    } {sc.loop_unroll_factor = 8 : i64, sc.parallel_access}
    %add3A_267 = arith.constant 4400 : i32
    %add3A_268 = arith.addi %mul3A_2, %add3A_267 : i32
    %dma_start3A_269 = arith.constant 0 : i32
    %dma_start3A_270 = tpu.memref_slice %arg5[%add3A_268, %dma_start3A_269] : memref<204800x64xf32, #tpu.memory_space<hbm>> -> memref<400x64xf32, #tpu.memory_space<hbm>>
    %dma_start3A_271 = arith.constant 0 : i32
    %dma_start3A_272 = tpu.memref_slice %arg5[%add3A_268, %dma_start3A_271] : memref<204800x64xf32, #tpu.memory_space<hbm>> -> memref<400x64xf32, #tpu.memory_space<hbm>>
    tpu.enqueue_dma source(%arg10 : memref<400x64xf32, #tpu.memory_space<vmem>>) target(%dma_start3A_272 : memref<400x64xf32, #tpu.memory_space<hbm>>) target_semaphore(%arg16 : memref<!tpu.dma_semaphore, #tpu.memory_space<semaphore_mem>>)
    %dma_wait3A_273 = arith.constant 4800 : i32
    %dma_wait3A_274 = tpu.memref_slice %arg7[%dma_wait3A_273] : memref<6400xi32, #tpu.memory_space<vmem>> -> memref<400xi32, #tpu.memory_space<vmem>>
    %dma_wait3A_275 = arith.constant 0 : i32
    %dma_wait3A_276 = arith.constant 0 : i32
    %dma_wait3A_277 = tpu.memref_slice %arg3[%dma_wait3A_275, %dma_wait3A_276] : memref<100000x64xf32, #tpu.memory_space<hbm>> -> memref<100000x64xf32, #tpu.memory_space<hbm>>
    tpu.wait_indirect_dma semaphore(%arg11 : memref<!tpu.dma_semaphore, #tpu.memory_space<semaphore_mem>>) src(%dma_wait3A_277 : memref<100000x64xf32, #tpu.memory_space<hbm>>) dst(%arg8 : memref<400x64xf32, #tpu.memory_space<vmem>>)
    %dma_wait3A_278 = arith.constant 0 : i32
    %dma_wait3A_279 = tpu.memref_slice %arg5[%add3A_245, %dma_wait3A_278] : memref<204800x64xf32, #tpu.memory_space<hbm>> -> memref<400x64xf32, #tpu.memory_space<hbm>>
    %dma_wait3A_280 = arith.constant 0 : i32
    %dma_wait3A_281 = tpu.memref_slice %arg5[%add3A_245, %dma_wait3A_280] : memref<204800x64xf32, #tpu.memory_space<hbm>> -> memref<400x64xf32, #tpu.memory_space<hbm>>
    tpu.wait_dma2 semaphore(%arg15 : memref<!tpu.dma_semaphore, #tpu.memory_space<semaphore_mem>>) src(%arg9 : memref<400x64xf32, #tpu.memory_space<vmem>>) dst(%dma_wait3A_281 : memref<400x64xf32, #tpu.memory_space<hbm>>)
    %dma_start3A_282 = arith.constant 5200 : i32
    %dma_start3A_283 = tpu.memref_slice %arg7[%dma_start3A_282] : memref<6400xi32, #tpu.memory_space<vmem>> -> memref<400xi32, #tpu.memory_space<vmem>>
    %dma_start3A_284 = arith.constant 0 : i32
    %dma_start3A_285 = arith.constant 0 : i32
    %dma_start3A_286 = tpu.memref_slice %arg3[%dma_start3A_284, %dma_start3A_285] : memref<100000x64xf32, #tpu.memory_space<hbm>> -> memref<100000x64xf32, #tpu.memory_space<hbm>>
    tpu.enqueue_indirect_dma source(%dma_start3A_286 : memref<100000x64xf32, #tpu.memory_space<hbm>>) target(%arg9 : memref<400x64xf32, #tpu.memory_space<vmem>>) offsets(%dma_start3A_283 : memref<400xi32, #tpu.memory_space<vmem>>) semaphore(%arg12 : memref<!tpu.dma_semaphore, #tpu.memory_space<semaphore_mem>>)
    %parallel_loop3A_287 = arith.constant 0 : i32
    %parallel_loop3A_288 = arith.constant 400 : i32
    %parallel_loop3A_289 = arith.constant 1 : i32
    scf.for %parallel_loop3A_368 = %parallel_loop3A_287 to %parallel_loop3A_288 step %parallel_loop3A_289  : i32 {
      %parallel_loop3A_369 = arith.index_cast %parallel_loop3A_368 : i32 to index
      %parallel_loop3A_370 = arith.constant 0 : index
      %parallel_loop3A_371 = tpu.vector_load %arg6[%parallel_loop3A_369, %parallel_loop3A_370] {strides = array<i32>} : memref<400x64xf32, #tpu.memory_space<vmem>>, vector<1x16xf32>,
      %parallel_loop3A_372 = vector.shape_cast %parallel_loop3A_371 : vector<1x16xf32> to vector<16xf32>
      %parallel_loop3A_373 = arith.index_cast %parallel_loop3A_368 : i32 to index
      %parallel_loop3A_374 = arith.constant 0 : index
      %parallel_loop3A_375 = tpu.vector_load %arg8[%parallel_loop3A_373, %parallel_loop3A_374] {strides = array<i32>} : memref<400x64xf32, #tpu.memory_space<vmem>>, vector<1x16xf32>,
      %parallel_loop3A_376 = vector.shape_cast %parallel_loop3A_375 : vector<1x16xf32> to vector<16xf32>
      %parallel_loop3A_377 = vector.shape_cast %parallel_loop3A_372 : vector<16xf32> to vector<1x16xf32>
      tpu.vector_store %arg8[%parallel_loop3A_373, %parallel_loop3A_374], %parallel_loop3A_377 {add = true, strides = array<i32>} : memref<400x64xf32, #tpu.memory_space<vmem>>, vector<1x16xf32>,
      %parallel_loop3A_378 = arith.index_cast %parallel_loop3A_368 : i32 to index
      %parallel_loop3A_379 = arith.constant 16 : index
      %parallel_loop3A_380 = tpu.vector_load %arg6[%parallel_loop3A_378, %parallel_loop3A_379] {strides = array<i32>} : memref<400x64xf32, #tpu.memory_space<vmem>>, vector<1x16xf32>,
      %parallel_loop3A_381 = vector.shape_cast %parallel_loop3A_380 : vector<1x16xf32> to vector<16xf32>
      %parallel_loop3A_382 = arith.index_cast %parallel_loop3A_368 : i32 to index
      %parallel_loop3A_383 = arith.constant 16 : index
      %parallel_loop3A_384 = tpu.vector_load %arg8[%parallel_loop3A_382, %parallel_loop3A_383] {strides = array<i32>} : memref<400x64xf32, #tpu.memory_space<vmem>>, vector<1x16xf32>,
      %parallel_loop3A_385 = vector.shape_cast %parallel_loop3A_384 : vector<1x16xf32> to vector<16xf32>
      %parallel_loop3A_386 = vector.shape_cast %parallel_loop3A_381 : vector<16xf32> to vector<1x16xf32>
      tpu.vector_store %arg8[%parallel_loop3A_382, %parallel_loop3A_383], %parallel_loop3A_386 {add = true, strides = array<i32>} : memref<400x64xf32, #tpu.memory_space<vmem>>, vector<1x16xf32>,
      %parallel_loop3A_387 = arith.index_cast %parallel_loop3A_368 : i32 to index
      %parallel_loop3A_388 = arith.constant 32 : index
      %parallel_loop3A_389 = tpu.vector_load %arg6[%parallel_loop3A_387, %parallel_loop3A_388] {strides = array<i32>} : memref<400x64xf32, #tpu.memory_space<vmem>>, vector<1x16xf32>,
      %parallel_loop3A_390 = vector.shape_cast %parallel_loop3A_389 : vector<1x16xf32> to vector<16xf32>
      %parallel_loop3A_391 = arith.index_cast %parallel_loop3A_368 : i32 to index
      %parallel_loop3A_392 = arith.constant 32 : index
      %parallel_loop3A_393 = tpu.vector_load %arg8[%parallel_loop3A_391, %parallel_loop3A_392] {strides = array<i32>} : memref<400x64xf32, #tpu.memory_space<vmem>>, vector<1x16xf32>,
      %parallel_loop3A_394 = vector.shape_cast %parallel_loop3A_393 : vector<1x16xf32> to vector<16xf32>
      %parallel_loop3A_395 = vector.shape_cast %parallel_loop3A_390 : vector<16xf32> to vector<1x16xf32>
      tpu.vector_store %arg8[%parallel_loop3A_391, %parallel_loop3A_392], %parallel_loop3A_395 {add = true, strides = array<i32>} : memref<400x64xf32, #tpu.memory_space<vmem>>, vector<1x16xf32>,
      %parallel_loop3A_396 = arith.index_cast %parallel_loop3A_368 : i32 to index
      %parallel_loop3A_397 = arith.constant 48 : index
      %parallel_loop3A_398 = tpu.vector_load %arg6[%parallel_loop3A_396, %parallel_loop3A_397] {strides = array<i32>} : memref<400x64xf32, #tpu.memory_space<vmem>>, vector<1x16xf32>,
      %parallel_loop3A_399 = vector.shape_cast %parallel_loop3A_398 : vector<1x16xf32> to vector<16xf32>
      %parallel_loop3A_400 = arith.index_cast %parallel_loop3A_368 : i32 to index
      %parallel_loop3A_401 = arith.constant 48 : index
      %parallel_loop3A_402 = tpu.vector_load %arg8[%parallel_loop3A_400, %parallel_loop3A_401] {strides = array<i32>} : memref<400x64xf32, #tpu.memory_space<vmem>>, vector<1x16xf32>,
      %parallel_loop3A_403 = vector.shape_cast %parallel_loop3A_402 : vector<1x16xf32> to vector<16xf32>
      %parallel_loop3A_404 = vector.shape_cast %parallel_loop3A_399 : vector<16xf32> to vector<1x16xf32>
      tpu.vector_store %arg8[%parallel_loop3A_400, %parallel_loop3A_401], %parallel_loop3A_404 {add = true, strides = array<i32>} : memref<400x64xf32, #tpu.memory_space<vmem>>, vector<1x16xf32>,
    } {sc.loop_unroll_factor = 8 : i64, sc.parallel_access}
    %add3A_290 = arith.constant 4800 : i32
    %add3A_291 = arith.addi %mul3A_2, %add3A_290 : i32
    %dma_start3A_292 = arith.constant 0 : i32
    %dma_start3A_293 = tpu.memref_slice %arg5[%add3A_291, %dma_start3A_292] : memref<204800x64xf32, #tpu.memory_space<hbm>> -> memref<400x64xf32, #tpu.memory_space<hbm>>
    %dma_start3A_294 = arith.constant 0 : i32
    %dma_start3A_295 = tpu.memref_slice %arg5[%add3A_291, %dma_start3A_294] : memref<204800x64xf32, #tpu.memory_space<hbm>> -> memref<400x64xf32, #tpu.memory_space<hbm>>
    tpu.enqueue_dma source(%arg8 : memref<400x64xf32, #tpu.memory_space<vmem>>) target(%dma_start3A_295 : memref<400x64xf32, #tpu.memory_space<hbm>>) target_semaphore(%arg14 : memref<!tpu.dma_semaphore, #tpu.memory_space<semaphore_mem>>)
    %dma_wait3A_296 = arith.constant 5200 : i32
    %dma_wait3A_297 = tpu.memref_slice %arg7[%dma_wait3A_296] : memref<6400xi32, #tpu.memory_space<vmem>> -> memref<400xi32, #tpu.memory_space<vmem>>
    %dma_wait3A_298 = arith.constant 0 : i32
    %dma_wait3A_299 = arith.constant 0 : i32
    %dma_wait3A_300 = tpu.memref_slice %arg3[%dma_wait3A_298, %dma_wait3A_299] : memref<100000x64xf32, #tpu.memory_space<hbm>> -> memref<100000x64xf32, #tpu.memory_space<hbm>>
    tpu.wait_indirect_dma semaphore(%arg12 : memref<!tpu.dma_semaphore, #tpu.memory_space<semaphore_mem>>) src(%dma_wait3A_300 : memref<100000x64xf32, #tpu.memory_space<hbm>>) dst(%arg9 : memref<400x64xf32, #tpu.memory_space<vmem>>)
    %dma_wait3A_301 = arith.constant 0 : i32
    %dma_wait3A_302 = tpu.memref_slice %arg5[%add3A_268, %dma_wait3A_301] : memref<204800x64xf32, #tpu.memory_space<hbm>> -> memref<400x64xf32, #tpu.memory_space<hbm>>
    %dma_wait3A_303 = arith.constant 0 : i32
    %dma_wait3A_304 = tpu.memref_slice %arg5[%add3A_268, %dma_wait3A_303] : memref<204800x64xf32, #tpu.memory_space<hbm>> -> memref<400x64xf32, #tpu.memory_space<hbm>>
    tpu.wait_dma2 semaphore(%arg16 : memref<!tpu.dma_semaphore, #tpu.memory_space<semaphore_mem>>) src(%arg10 : memref<400x64xf32, #tpu.memory_space<vmem>>) dst(%dma_wait3A_304 : memref<400x64xf32, #tpu.memory_space<hbm>>)
    %dma_start3A_305 = arith.constant 5600 : i32
    %dma_start3A_306 = tpu.memref_slice %arg7[%dma_start3A_305] : memref<6400xi32, #tpu.memory_space<vmem>> -> memref<400xi32, #tpu.memory_space<vmem>>
    %dma_start3A_307 = arith.constant 0 : i32
    %dma_start3A_308 = arith.constant 0 : i32
    %dma_start3A_309 = tpu.memref_slice %arg3[%dma_start3A_307, %dma_start3A_308] : memref<100000x64xf32, #tpu.memory_space<hbm>> -> memref<100000x64xf32, #tpu.memory_space<hbm>>
    tpu.enqueue_indirect_dma source(%dma_start3A_309 : memref<100000x64xf32, #tpu.memory_space<hbm>>) target(%arg10 : memref<400x64xf32, #tpu.memory_space<vmem>>) offsets(%dma_start3A_306 : memref<400xi32, #tpu.memory_space<vmem>>) semaphore(%arg13 : memref<!tpu.dma_semaphore, #tpu.memory_space<semaphore_mem>>)
    %parallel_loop3A_310 = arith.constant 0 : i32
    %parallel_loop3A_311 = arith.constant 400 : i32
    %parallel_loop3A_312 = arith.constant 1 : i32
    scf.for %parallel_loop3A_368 = %parallel_loop3A_310 to %parallel_loop3A_311 step %parallel_loop3A_312  : i32 {
      %parallel_loop3A_369 = arith.index_cast %parallel_loop3A_368 : i32 to index
      %parallel_loop3A_370 = arith.constant 0 : index
      %parallel_loop3A_371 = tpu.vector_load %arg6[%parallel_loop3A_369, %parallel_loop3A_370] {strides = array<i32>} : memref<400x64xf32, #tpu.memory_space<vmem>>, vector<1x16xf32>,
      %parallel_loop3A_372 = vector.shape_cast %parallel_loop3A_371 : vector<1x16xf32> to vector<16xf32>
      %parallel_loop3A_373 = arith.index_cast %parallel_loop3A_368 : i32 to index
      %parallel_loop3A_374 = arith.constant 0 : index
      %parallel_loop3A_375 = tpu.vector_load %arg9[%parallel_loop3A_373, %parallel_loop3A_374] {strides = array<i32>} : memref<400x64xf32, #tpu.memory_space<vmem>>, vector<1x16xf32>,
      %parallel_loop3A_376 = vector.shape_cast %parallel_loop3A_375 : vector<1x16xf32> to vector<16xf32>
      %parallel_loop3A_377 = vector.shape_cast %parallel_loop3A_372 : vector<16xf32> to vector<1x16xf32>
      tpu.vector_store %arg9[%parallel_loop3A_373, %parallel_loop3A_374], %parallel_loop3A_377 {add = true, strides = array<i32>} : memref<400x64xf32, #tpu.memory_space<vmem>>, vector<1x16xf32>,
      %parallel_loop3A_378 = arith.index_cast %parallel_loop3A_368 : i32 to index
      %parallel_loop3A_379 = arith.constant 16 : index
      %parallel_loop3A_380 = tpu.vector_load %arg6[%parallel_loop3A_378, %parallel_loop3A_379] {strides = array<i32>} : memref<400x64xf32, #tpu.memory_space<vmem>>, vector<1x16xf32>,
      %parallel_loop3A_381 = vector.shape_cast %parallel_loop3A_380 : vector<1x16xf32> to vector<16xf32>
      %parallel_loop3A_382 = arith.index_cast %parallel_loop3A_368 : i32 to index
      %parallel_loop3A_383 = arith.constant 16 : index
      %parallel_loop3A_384 = tpu.vector_load %arg9[%parallel_loop3A_382, %parallel_loop3A_383] {strides = array<i32>} : memref<400x64xf32, #tpu.memory_space<vmem>>, vector<1x16xf32>,
      %parallel_loop3A_385 = vector.shape_cast %parallel_loop3A_384 : vector<1x16xf32> to vector<16xf32>
      %parallel_loop3A_386 = vector.shape_cast %parallel_loop3A_381 : vector<16xf32> to vector<1x16xf32>
      tpu.vector_store %arg9[%parallel_loop3A_382, %parallel_loop3A_383], %parallel_loop3A_386 {add = true, strides = array<i32>} : memref<400x64xf32, #tpu.memory_space<vmem>>, vector<1x16xf32>,
      %parallel_loop3A_387 = arith.index_cast %parallel_loop3A_368 : i32 to index
      %parallel_loop3A_388 = arith.constant 32 : index
      %parallel_loop3A_389 = tpu.vector_load %arg6[%parallel_loop3A_387, %parallel_loop3A_388] {strides = array<i32>} : memref<400x64xf32, #tpu.memory_space<vmem>>, vector<1x16xf32>,
      %parallel_loop3A_390 = vector.shape_cast %parallel_loop3A_389 : vector<1x16xf32> to vector<16xf32>
      %parallel_loop3A_391 = arith.index_cast %parallel_loop3A_368 : i32 to index
      %parallel_loop3A_392 = arith.constant 32 : index
      %parallel_loop3A_393 = tpu.vector_load %arg9[%parallel_loop3A_391, %parallel_loop3A_392] {strides = array<i32>} : memref<400x64xf32, #tpu.memory_space<vmem>>, vector<1x16xf32>,
      %parallel_loop3A_394 = vector.shape_cast %parallel_loop3A_393 : vector<1x16xf32> to vector<16xf32>
      %parallel_loop3A_395 = vector.shape_cast %parallel_loop3A_390 : vector<16xf32> to vector<1x16xf32>
      tpu.vector_store %arg9[%parallel_loop3A_391, %parallel_loop3A_392], %parallel_loop3A_395 {add = true, strides = array<i32>} : memref<400x64xf32, #tpu.memory_space<vmem>>, vector<1x16xf32>,
      %parallel_loop3A_396 = arith.index_cast %parallel_loop3A_368 : i32 to index
      %parallel_loop3A_397 = arith.constant 48 : index
      %parallel_loop3A_398 = tpu.vector_load %arg6[%parallel_loop3A_396, %parallel_loop3A_397] {strides = array<i32>} : memref<400x64xf32, #tpu.memory_space<vmem>>, vector<1x16xf32>,
      %parallel_loop3A_399 = vector.shape_cast %parallel_loop3A_398 : vector<1x16xf32> to vector<16xf32>
      %parallel_loop3A_400 = arith.index_cast %parallel_loop3A_368 : i32 to index
      %parallel_loop3A_401 = arith.constant 48 : index
      %parallel_loop3A_402 = tpu.vector_load %arg9[%parallel_loop3A_400, %parallel_loop3A_401] {strides = array<i32>} : memref<400x64xf32, #tpu.memory_space<vmem>>, vector<1x16xf32>,
      %parallel_loop3A_403 = vector.shape_cast %parallel_loop3A_402 : vector<1x16xf32> to vector<16xf32>
      %parallel_loop3A_404 = vector.shape_cast %parallel_loop3A_399 : vector<16xf32> to vector<1x16xf32>
      tpu.vector_store %arg9[%parallel_loop3A_400, %parallel_loop3A_401], %parallel_loop3A_404 {add = true, strides = array<i32>} : memref<400x64xf32, #tpu.memory_space<vmem>>, vector<1x16xf32>,
    } {sc.loop_unroll_factor = 8 : i64, sc.parallel_access}
    %add3A_313 = arith.constant 5200 : i32
    %add3A_314 = arith.addi %mul3A_2, %add3A_313 : i32
    %dma_start3A_315 = arith.constant 0 : i32
    %dma_start3A_316 = tpu.memref_slice %arg5[%add3A_314, %dma_start3A_315] : memref<204800x64xf32, #tpu.memory_space<hbm>> -> memref<400x64xf32, #tpu.memory_space<hbm>>
    %dma_start3A_317 = arith.constant 0 : i32
    %dma_start3A_318 = tpu.memref_slice %arg5[%add3A_314, %dma_start3A_317] : memref<204800x64xf32, #tpu.memory_space<hbm>> -> memref<400x64xf32, #tpu.memory_space<hbm>>
    tpu.enqueue_dma source(%arg9 : memref<400x64xf32, #tpu.memory_space<vmem>>) target(%dma_start3A_318 : memref<400x64xf32, #tpu.memory_space<hbm>>) target_semaphore(%arg15 : memref<!tpu.dma_semaphore, #tpu.memory_space<semaphore_mem>>)
    %dma_wait3A_319 = arith.constant 5600 : i32
    %dma_wait3A_320 = tpu.memref_slice %arg7[%dma_wait3A_319] : memref<6400xi32, #tpu.memory_space<vmem>> -> memref<400xi32, #tpu.memory_space<vmem>>
    %dma_wait3A_321 = arith.constant 0 : i32
    %dma_wait3A_322 = arith.constant 0 : i32
    %dma_wait3A_323 = tpu.memref_slice %arg3[%dma_wait3A_321, %dma_wait3A_322] : memref<100000x64xf32, #tpu.memory_space<hbm>> -> memref<100000x64xf32, #tpu.memory_space<hbm>>
    tpu.wait_indirect_dma semaphore(%arg13 : memref<!tpu.dma_semaphore, #tpu.memory_space<semaphore_mem>>) src(%dma_wait3A_323 : memref<100000x64xf32, #tpu.memory_space<hbm>>) dst(%arg10 : memref<400x64xf32, #tpu.memory_space<vmem>>)
    %dma_wait3A_324 = arith.constant 0 : i32
    %dma_wait3A_325 = tpu.memref_slice %arg5[%add3A_291, %dma_wait3A_324] : memref<204800x64xf32, #tpu.memory_space<hbm>> -> memref<400x64xf32, #tpu.memory_space<hbm>>
    %dma_wait3A_326 = arith.constant 0 : i32
    %dma_wait3A_327 = tpu.memref_slice %arg5[%add3A_291, %dma_wait3A_326] : memref<204800x64xf32, #tpu.memory_space<hbm>> -> memref<400x64xf32, #tpu.memory_space<hbm>>
    tpu.wait_dma2 semaphore(%arg14 : memref<!tpu.dma_semaphore, #tpu.memory_space<semaphore_mem>>) src(%arg8 : memref<400x64xf32, #tpu.memory_space<vmem>>) dst(%dma_wait3A_327 : memref<400x64xf32, #tpu.memory_space<hbm>>)
    %dma_start3A_328 = arith.constant 6000 : i32
    %dma_start3A_329 = tpu.memref_slice %arg7[%dma_start3A_328] : memref<6400xi32, #tpu.memory_space<vmem>> -> memref<400xi32, #tpu.memory_space<vmem>>
    %dma_start3A_330 = arith.constant 0 : i32
    %dma_start3A_331 = arith.constant 0 : i32
    %dma_start3A_332 = tpu.memref_slice %arg3[%dma_start3A_330, %dma_start3A_331] : memref<100000x64xf32, #tpu.memory_space<hbm>> -> memref<100000x64xf32, #tpu.memory_space<hbm>>
    tpu.enqueue_indirect_dma source(%dma_start3A_332 : memref<100000x64xf32, #tpu.memory_space<hbm>>) target(%arg8 : memref<400x64xf32, #tpu.memory_space<vmem>>) offsets(%dma_start3A_329 : memref<400xi32, #tpu.memory_space<vmem>>) semaphore(%arg11 : memref<!tpu.dma_semaphore, #tpu.memory_space<semaphore_mem>>)
    %parallel_loop3A_333 = arith.constant 0 : i32
    %parallel_loop3A_334 = arith.constant 400 : i32
    %parallel_loop3A_335 = arith.constant 1 : i32
    scf.for %parallel_loop3A_368 = %parallel_loop3A_333 to %parallel_loop3A_334 step %parallel_loop3A_335  : i32 {
      %parallel_loop3A_369 = arith.index_cast %parallel_loop3A_368 : i32 to index
      %parallel_loop3A_370 = arith.constant 0 : index
      %parallel_loop3A_371 = tpu.vector_load %arg6[%parallel_loop3A_369, %parallel_loop3A_370] {strides = array<i32>} : memref<400x64xf32, #tpu.memory_space<vmem>>, vector<1x16xf32>,
      %parallel_loop3A_372 = vector.shape_cast %parallel_loop3A_371 : vector<1x16xf32> to vector<16xf32>
      %parallel_loop3A_373 = arith.index_cast %parallel_loop3A_368 : i32 to index
      %parallel_loop3A_374 = arith.constant 0 : index
      %parallel_loop3A_375 = tpu.vector_load %arg10[%parallel_loop3A_373, %parallel_loop3A_374] {strides = array<i32>} : memref<400x64xf32, #tpu.memory_space<vmem>>, vector<1x16xf32>,
      %parallel_loop3A_376 = vector.shape_cast %parallel_loop3A_375 : vector<1x16xf32> to vector<16xf32>
      %parallel_loop3A_377 = vector.shape_cast %parallel_loop3A_372 : vector<16xf32> to vector<1x16xf32>
      tpu.vector_store %arg10[%parallel_loop3A_373, %parallel_loop3A_374], %parallel_loop3A_377 {add = true, strides = array<i32>} : memref<400x64xf32, #tpu.memory_space<vmem>>, vector<1x16xf32>,
      %parallel_loop3A_378 = arith.index_cast %parallel_loop3A_368 : i32 to index
      %parallel_loop3A_379 = arith.constant 16 : index
      %parallel_loop3A_380 = tpu.vector_load %arg6[%parallel_loop3A_378, %parallel_loop3A_379] {strides = array<i32>} : memref<400x64xf32, #tpu.memory_space<vmem>>, vector<1x16xf32>,
      %parallel_loop3A_381 = vector.shape_cast %parallel_loop3A_380 : vector<1x16xf32> to vector<16xf32>
      %parallel_loop3A_382 = arith.index_cast %parallel_loop3A_368 : i32 to index
      %parallel_loop3A_383 = arith.constant 16 : index
      %parallel_loop3A_384 = tpu.vector_load %arg10[%parallel_loop3A_382, %parallel_loop3A_383] {strides = array<i32>} : memref<400x64xf32, #tpu.memory_space<vmem>>, vector<1x16xf32>,
      %parallel_loop3A_385 = vector.shape_cast %parallel_loop3A_384 : vector<1x16xf32> to vector<16xf32>
      %parallel_loop3A_386 = vector.shape_cast %parallel_loop3A_381 : vector<16xf32> to vector<1x16xf32>
      tpu.vector_store %arg10[%parallel_loop3A_382, %parallel_loop3A_383], %parallel_loop3A_386 {add = true, strides = array<i32>} : memref<400x64xf32, #tpu.memory_space<vmem>>, vector<1x16xf32>,
      %parallel_loop3A_387 = arith.index_cast %parallel_loop3A_368 : i32 to index
      %parallel_loop3A_388 = arith.constant 32 : index
      %parallel_loop3A_389 = tpu.vector_load %arg6[%parallel_loop3A_387, %parallel_loop3A_388] {strides = array<i32>} : memref<400x64xf32, #tpu.memory_space<vmem>>, vector<1x16xf32>,
      %parallel_loop3A_390 = vector.shape_cast %parallel_loop3A_389 : vector<1x16xf32> to vector<16xf32>
      %parallel_loop3A_391 = arith.index_cast %parallel_loop3A_368 : i32 to index
      %parallel_loop3A_392 = arith.constant 32 : index
      %parallel_loop3A_393 = tpu.vector_load %arg10[%parallel_loop3A_391, %parallel_loop3A_392] {strides = array<i32>} : memref<400x64xf32, #tpu.memory_space<vmem>>, vector<1x16xf32>,
      %parallel_loop3A_394 = vector.shape_cast %parallel_loop3A_393 : vector<1x16xf32> to vector<16xf32>
      %parallel_loop3A_395 = vector.shape_cast %parallel_loop3A_390 : vector<16xf32> to vector<1x16xf32>
      tpu.vector_store %arg10[%parallel_loop3A_391, %parallel_loop3A_392], %parallel_loop3A_395 {add = true, strides = array<i32>} : memref<400x64xf32, #tpu.memory_space<vmem>>, vector<1x16xf32>,
      %parallel_loop3A_396 = arith.index_cast %parallel_loop3A_368 : i32 to index
      %parallel_loop3A_397 = arith.constant 48 : index
      %parallel_loop3A_398 = tpu.vector_load %arg6[%parallel_loop3A_396, %parallel_loop3A_397] {strides = array<i32>} : memref<400x64xf32, #tpu.memory_space<vmem>>, vector<1x16xf32>,
      %parallel_loop3A_399 = vector.shape_cast %parallel_loop3A_398 : vector<1x16xf32> to vector<16xf32>
      %parallel_loop3A_400 = arith.index_cast %parallel_loop3A_368 : i32 to index
      %parallel_loop3A_401 = arith.constant 48 : index
      %parallel_loop3A_402 = tpu.vector_load %arg10[%parallel_loop3A_400, %parallel_loop3A_401] {strides = array<i32>} : memref<400x64xf32, #tpu.memory_space<vmem>>, vector<1x16xf32>,
      %parallel_loop3A_403 = vector.shape_cast %parallel_loop3A_402 : vector<1x16xf32> to vector<16xf32>
      %parallel_loop3A_404 = vector.shape_cast %parallel_loop3A_399 : vector<16xf32> to vector<1x16xf32>
      tpu.vector_store %arg10[%parallel_loop3A_400, %parallel_loop3A_401], %parallel_loop3A_404 {add = true, strides = array<i32>} : memref<400x64xf32, #tpu.memory_space<vmem>>, vector<1x16xf32>,
    } {sc.loop_unroll_factor = 8 : i64, sc.parallel_access}
    %add3A_336 = arith.constant 5600 : i32
    %add3A_337 = arith.addi %mul3A_2, %add3A_336 : i32
    %dma_start3A_338 = arith.constant 0 : i32
    %dma_start3A_339 = tpu.memref_slice %arg5[%add3A_337, %dma_start3A_338] : memref<204800x64xf32, #tpu.memory_space<hbm>> -> memref<400x64xf32, #tpu.memory_space<hbm>>
    %dma_start3A_340 = arith.constant 0 : i32
    %dma_start3A_341 = tpu.memref_slice %arg5[%add3A_337, %dma_start3A_340] : memref<204800x64xf32, #tpu.memory_space<hbm>> -> memref<400x64xf32, #tpu.memory_space<hbm>>
    tpu.enqueue_dma source(%arg10 : memref<400x64xf32, #tpu.memory_space<vmem>>) target(%dma_start3A_341 : memref<400x64xf32, #tpu.memory_space<hbm>>) target_semaphore(%arg16 : memref<!tpu.dma_semaphore, #tpu.memory_space<semaphore_mem>>)
    %dma_wait3A_342 = arith.constant 6000 : i32
    %dma_wait3A_343 = tpu.memref_slice %arg7[%dma_wait3A_342] : memref<6400xi32, #tpu.memory_space<vmem>> -> memref<400xi32, #tpu.memory_space<vmem>>
    %dma_wait3A_344 = arith.constant 0 : i32
    %dma_wait3A_345 = arith.constant 0 : i32
    %dma_wait3A_346 = tpu.memref_slice %arg3[%dma_wait3A_344, %dma_wait3A_345] : memref<100000x64xf32, #tpu.memory_space<hbm>> -> memref<100000x64xf32, #tpu.memory_space<hbm>>
    tpu.wait_indirect_dma semaphore(%arg11 : memref<!tpu.dma_semaphore, #tpu.memory_space<semaphore_mem>>) src(%dma_wait3A_346 : memref<100000x64xf32, #tpu.memory_space<hbm>>) dst(%arg8 : memref<400x64xf32, #tpu.memory_space<vmem>>)
    %parallel_loop3A_347 = arith.constant 0 : i32
    %parallel_loop3A_348 = arith.constant 400 : i32
    %parallel_loop3A_349 = arith.constant 1 : i32
    scf.for %parallel_loop3A_368 = %parallel_loop3A_347 to %parallel_loop3A_348 step %parallel_loop3A_349  : i32 {
      %parallel_loop3A_369 = arith.index_cast %parallel_loop3A_368 : i32 to index
      %parallel_loop3A_370 = arith.constant 0 : index
      %parallel_loop3A_371 = tpu.vector_load %arg6[%parallel_loop3A_369, %parallel_loop3A_370] {strides = array<i32>} : memref<400x64xf32, #tpu.memory_space<vmem>>, vector<1x16xf32>,
      %parallel_loop3A_372 = vector.shape_cast %parallel_loop3A_371 : vector<1x16xf32> to vector<16xf32>
      %parallel_loop3A_373 = arith.index_cast %parallel_loop3A_368 : i32 to index
      %parallel_loop3A_374 = arith.constant 0 : index
      %parallel_loop3A_375 = tpu.vector_load %arg8[%parallel_loop3A_373, %parallel_loop3A_374] {strides = array<i32>} : memref<400x64xf32, #tpu.memory_space<vmem>>, vector<1x16xf32>,
      %parallel_loop3A_376 = vector.shape_cast %parallel_loop3A_375 : vector<1x16xf32> to vector<16xf32>
      %parallel_loop3A_377 = vector.shape_cast %parallel_loop3A_372 : vector<16xf32> to vector<1x16xf32>
      tpu.vector_store %arg8[%parallel_loop3A_373, %parallel_loop3A_374], %parallel_loop3A_377 {add = true, strides = array<i32>} : memref<400x64xf32, #tpu.memory_space<vmem>>, vector<1x16xf32>,
      %parallel_loop3A_378 = arith.index_cast %parallel_loop3A_368 : i32 to index
      %parallel_loop3A_379 = arith.constant 16 : index
      %parallel_loop3A_380 = tpu.vector_load %arg6[%parallel_loop3A_378, %parallel_loop3A_379] {strides = array<i32>} : memref<400x64xf32, #tpu.memory_space<vmem>>, vector<1x16xf32>,
      %parallel_loop3A_381 = vector.shape_cast %parallel_loop3A_380 : vector<1x16xf32> to vector<16xf32>
      %parallel_loop3A_382 = arith.index_cast %parallel_loop3A_368 : i32 to index
      %parallel_loop3A_383 = arith.constant 16 : index
      %parallel_loop3A_384 = tpu.vector_load %arg8[%parallel_loop3A_382, %parallel_loop3A_383] {strides = array<i32>} : memref<400x64xf32, #tpu.memory_space<vmem>>, vector<1x16xf32>,
      %parallel_loop3A_385 = vector.shape_cast %parallel_loop3A_384 : vector<1x16xf32> to vector<16xf32>
      %parallel_loop3A_386 = vector.shape_cast %parallel_loop3A_381 : vector<16xf32> to vector<1x16xf32>
      tpu.vector_store %arg8[%parallel_loop3A_382, %parallel_loop3A_383], %parallel_loop3A_386 {add = true, strides = array<i32>} : memref<400x64xf32, #tpu.memory_space<vmem>>, vector<1x16xf32>,
      %parallel_loop3A_387 = arith.index_cast %parallel_loop3A_368 : i32 to index
      %parallel_loop3A_388 = arith.constant 32 : index
      %parallel_loop3A_389 = tpu.vector_load %arg6[%parallel_loop3A_387, %parallel_loop3A_388] {strides = array<i32>} : memref<400x64xf32, #tpu.memory_space<vmem>>, vector<1x16xf32>,
      %parallel_loop3A_390 = vector.shape_cast %parallel_loop3A_389 : vector<1x16xf32> to vector<16xf32>
      %parallel_loop3A_391 = arith.index_cast %parallel_loop3A_368 : i32 to index
      %parallel_loop3A_392 = arith.constant 32 : index
      %parallel_loop3A_393 = tpu.vector_load %arg8[%parallel_loop3A_391, %parallel_loop3A_392] {strides = array<i32>} : memref<400x64xf32, #tpu.memory_space<vmem>>, vector<1x16xf32>,
      %parallel_loop3A_394 = vector.shape_cast %parallel_loop3A_393 : vector<1x16xf32> to vector<16xf32>
      %parallel_loop3A_395 = vector.shape_cast %parallel_loop3A_390 : vector<16xf32> to vector<1x16xf32>
      tpu.vector_store %arg8[%parallel_loop3A_391, %parallel_loop3A_392], %parallel_loop3A_395 {add = true, strides = array<i32>} : memref<400x64xf32, #tpu.memory_space<vmem>>, vector<1x16xf32>,
      %parallel_loop3A_396 = arith.index_cast %parallel_loop3A_368 : i32 to index
      %parallel_loop3A_397 = arith.constant 48 : index
      %parallel_loop3A_398 = tpu.vector_load %arg6[%parallel_loop3A_396, %parallel_loop3A_397] {strides = array<i32>} : memref<400x64xf32, #tpu.memory_space<vmem>>, vector<1x16xf32>,
      %parallel_loop3A_399 = vector.shape_cast %parallel_loop3A_398 : vector<1x16xf32> to vector<16xf32>
      %parallel_loop3A_400 = arith.index_cast %parallel_loop3A_368 : i32 to index
      %parallel_loop3A_401 = arith.constant 48 : index
      %parallel_loop3A_402 = tpu.vector_load %arg8[%parallel_loop3A_400, %parallel_loop3A_401] {strides = array<i32>} : memref<400x64xf32, #tpu.memory_space<vmem>>, vector<1x16xf32>,
      %parallel_loop3A_403 = vector.shape_cast %parallel_loop3A_402 : vector<1x16xf32> to vector<16xf32>
      %parallel_loop3A_404 = vector.shape_cast %parallel_loop3A_399 : vector<16xf32> to vector<1x16xf32>
      tpu.vector_store %arg8[%parallel_loop3A_400, %parallel_loop3A_401], %parallel_loop3A_404 {add = true, strides = array<i32>} : memref<400x64xf32, #tpu.memory_space<vmem>>, vector<1x16xf32>,
    } {sc.loop_unroll_factor = 8 : i64, sc.parallel_access}
    %add3A_350 = arith.constant 6000 : i32
    %add3A_351 = arith.addi %mul3A_2, %add3A_350 : i32
    %dma_start3A_352 = arith.constant 0 : i32
    %dma_start3A_353 = tpu.memref_slice %arg5[%add3A_351, %dma_start3A_352] : memref<204800x64xf32, #tpu.memory_space<hbm>> -> memref<400x64xf32, #tpu.memory_space<hbm>>
    %dma_start3A_354 = arith.constant 0 : i32
    %dma_start3A_355 = tpu.memref_slice %arg5[%add3A_351, %dma_start3A_354] : memref<204800x64xf32, #tpu.memory_space<hbm>> -> memref<400x64xf32, #tpu.memory_space<hbm>>
    tpu.enqueue_dma source(%arg8 : memref<400x64xf32, #tpu.memory_space<vmem>>) target(%dma_start3A_355 : memref<400x64xf32, #tpu.memory_space<hbm>>) target_semaphore(%arg14 : memref<!tpu.dma_semaphore, #tpu.memory_space<semaphore_mem>>)
    %dma_wait3A_356 = arith.constant 0 : i32
    %dma_wait3A_357 = tpu.memref_slice %arg5[%add3A_314, %dma_wait3A_356] : memref<204800x64xf32, #tpu.memory_space<hbm>> -> memref<400x64xf32, #tpu.memory_space<hbm>>
    %dma_wait3A_358 = arith.constant 0 : i32
    %dma_wait3A_359 = tpu.memref_slice %arg5[%add3A_314, %dma_wait3A_358] : memref<204800x64xf32, #tpu.memory_space<hbm>> -> memref<400x64xf32, #tpu.memory_space<hbm>>
    tpu.wait_dma2 semaphore(%arg15 : memref<!tpu.dma_semaphore, #tpu.memory_space<semaphore_mem>>) src(%arg9 : memref<400x64xf32, #tpu.memory_space<vmem>>) dst(%dma_wait3A_359 : memref<400x64xf32, #tpu.memory_space<hbm>>)
    %dma_wait3A_360 = arith.constant 0 : i32
    %dma_wait3A_361 = tpu.memref_slice %arg5[%add3A_337, %dma_wait3A_360] : memref<204800x64xf32, #tpu.memory_space<hbm>> -> memref<400x64xf32, #tpu.memory_space<hbm>>
    %dma_wait3A_362 = arith.constant 0 : i32
    %dma_wait3A_363 = tpu.memref_slice %arg5[%add3A_337, %dma_wait3A_362] : memref<204800x64xf32, #tpu.memory_space<hbm>> -> memref<400x64xf32, #tpu.memory_space<hbm>>
    tpu.wait_dma2 semaphore(%arg16 : memref<!tpu.dma_semaphore, #tpu.memory_space<semaphore_mem>>) src(%arg10 : memref<400x64xf32, #tpu.memory_space<vmem>>) dst(%dma_wait3A_363 : memref<400x64xf32, #tpu.memory_space<hbm>>)
    %dma_wait3A_364 = arith.constant 0 : i32
    %dma_wait3A_365 = tpu.memref_slice %arg5[%add3A_351, %dma_wait3A_364] : memref<204800x64xf32, #tpu.memory_space<hbm>> -> memref<400x64xf32, #tpu.memory_space<hbm>>
    %dma_wait3A_366 = arith.constant 0 : i32
    %dma_wait3A_367 = tpu.memref_slice %arg5[%add3A_351, %dma_wait3A_366] : memref<204800x64xf32, #tpu.memory_space<hbm>> -> memref<400x64xf32, #tpu.memory_space<hbm>>
    tpu.wait_dma2 semaphore(%arg14 : memref<!tpu.dma_semaphore, #tpu.memory_space<semaphore_mem>>) src(%arg8 : memref<400x64xf32, #tpu.memory_space<vmem>>) dst(%dma_wait3A_367 : memref<400x64xf32, #tpu.memory_space<hbm>>)
    return
  }
}

</mosaic_0001>

<sc_bundles>
// kernel: kernel.3.cloned.1.call-start
scs
__scs_entry_jumppad:
0x0: {  	(pc) =	sbr.rel $0x88, $3  }
0x1: {  	(tag) =	ssettag $0x0;
	lr =	simm.s32 $0x1  }
0x2: {  	[smem:$0x3F9E] =	sst lr;
	_ =	strace $0xD0000000  }
0x3: {  	_ = 	snop  }
0x4: {  	_ = 	snop  }
0x5: {  	_ = 	snop  }
0x6: {  	_ = 	snop  }
0x7: {  	_ = 	snop  }
__scs_overlays_trampoline_lowered:
0x8: {  	[smem:$0x3FAD] =	sst s0  }
0x9: {  	[smem:$0x3FAE] =	sst s1  }
0xa: {  	[smem:$0x3FAF] =	sst s2  }
0xb: {  	[smem:$0x3FB0] =	sst s3  }
0xc: {  	[smem:$0x3FB1] =	sst s4  }
0xd: {  	[smem:$0x3FB2] =	sst s5  }
0xe: {  	[smem:$0x3FB3] =	sst s6  }
0xf: {  	[smem:$0x3FB4] =	sst s7  }
0x10: {  	[smem:$0x3FB5] =	sst s8  }
0x11: {  	[smem:$0x3FB6] =	sst s9;
	s0 =	simm.s32 @!p0 $0x0  }
0x12: {  	s1 =	sld [smem:$0x3F9C];
	s0 =	simm.s32 @p0 $0x1  }
0x13: {  	[smem:$0x3FB7] =	sst s0;
	s0 =	simm.s32 @!p1 $0x0  }
0x14: {  	s2 =	sld [smem:$0x3F9B];
	s0 =	simm.s32 @p1 $0x1  }
0x15: {  	[smem:$0x3FB8] =	sst s0;
	s0 =	simm.s32 @!p2 $0x0  }
0x16: {  	s3 =	sld [smem:$0x3FDB];
	s0 =	simm.s32 @p2 $0x1  }
0x17: {  	s4 =	simm.s32 $0x1BF5;
	[smem:$0x3FBA] =	sst s0  }
0x18: {  	s0 =	sld [smem:$0x3F9D];
	_ =	swait.ge [sflag:s4], $0x0  }
0x19: {  	s7 =	sld [smem:$0x3F9E]  }
0x1a: {  	s8 =	sadd.s32 $0xFFFFE003, lr  }
0x1b: {  	s9 =	sadd.s32 $0xFFFFFEF7, lr;
	s5 =	simm.s32 $0xFFFFFFFF;
	p2 =	slt.u32 s8, $0xFFFFF086  }
0x1c: {  	p1 =	slt.u32 s9, $0xF7A;
	s5 =	simm.s32 @!p2 $0x0  }
0x1d: {  	s5 =	simm.s32 @p1 $0x1;
	p0 =	seq.s32 s7, s2  }
0x1e: {  	s7 =	smul.u32 @!p0 $0xF7A, s2;
	p2 =	seq.s32 @!p0 s5, $0x0  }
0x1f: {  	s9 =	smul.u32 $0xF7A, s1;
	s8 =	simm.s32 @!p0 $0x1BF5;
	p2 =	por !p2, p0  }
0x20: {  	[sflag:s8] =	ssyncset.s32 @!p0 $0xFFFFF086;
	s6 =	sadd.s32 @!p0 s3, s7;
	s7 =	simm.s32 @!p0 $0x108  }
0x21: {  	s3 =	sadd.s32 s3, s9;
	s6 =	sadd.s32 @!p0 $0x88, s6;
	s7 =	simm.s32 @p2 $0x1082  }
0x22: {  	[simem:s7], [sflag:s8] =	dma.local @!p0 [hbm:s6], $0xF7A  }
0x23: {  	s9 =	sor.u32 $0xD0000000, s2;
	s6 =	simm.s32 $0x108;
	_ =	swait.ge @!p0 [sflag:s8], $0x0  }
0x24: {  	s3 =	sadd.s32 $0x88, s3;
	s6 =	simm.s32 @!p1 $0x1082;
	[sflag:s4] =	ssyncset.s32 $0xFFFFF086  }
0x25: {  	[simem:s6], [sflag:s4] =	dma.local [hbm:s3], $0xF7A  }
0x26: {  	[smem:$0x3F9E] =	sst s1;
	(tag) =	ssettag s2;
	_ =	strace s9  }
0x27: {  	s1 =	sld [smem:$0x3FAE]  }
0x28: {  	s2 =	sld [smem:$0x3FAF]  }
0x29: {  	s4 =	sld [smem:$0x3FB1]  }
0x2a: {  	p0 =	seq.s32 s5, $0x0;
	s5 =	sld [smem:$0x3FB2]  }
0x2b: {  	s6 =	sld [smem:$0x3FB3]  }
0x2c: {  	s7 =	sld [smem:$0x3FB4]  }
0x2d: {  	s3 =	simm.s32 $0x108;
	s8 =	sld [smem:$0x3FB5]  }
0x2e: {  	s3 =	simm.s32 @!p0 $0x1082;
	s9 =	sld [smem:$0x3FB6]  }
0x2f: {  	lr =	sadd.s32 s0, s3;
	s0 =	sld [smem:$0x3FAD]  }
0x30: {  	s3 =	sld [smem:$0x3FB0]  }
0x31: {  	[smem:$0x3FB9] =	sst s10  }
0x32: {  	s10 =	sld [smem:$0x3FB7];
	_ =	sdelay $0x3  }
0x33: {  	p0 =	seq.s32 s10, $0x1;
	s10 =	sld [smem:$0x3FB9];
	_ =	sdelay $0x3  }
0x34: {  	[smem:$0x3FB9] =	sst s10  }
0x35: {  	s10 =	sld [smem:$0x3FB8];
	_ =	sdelay $0x3  }
0x36: {  	p1 =	seq.s32 s10, $0x1;
	s10 =	sld [smem:$0x3FB9];
	_ =	sdelay $0x3  }
0x37: {  	[smem:$0x3FB9] =	sst s10  }
0x38: {  	s10 =	sld [smem:$0x3FBA]  }
0x39: {  	_ = 	snop;
	(pc) =	sbr.ind lr, $3  }
0x3a: {  	_ = 	snop  }
0x3b: {  	_ = 	snop  }
0x3c: {  	p2 =	seq.s32 s10, $0x1;
	s10 =	sld [smem:$0x3FB9]  }
0x3d: {  	_ =	shalt  }
0x3e: {  	_ =	shalt  }
0x3f: {  	_ =	shalt  }
0x40: {  	_ =	shalt  }
0x41: {  	_ =	shalt  }
0x42: {  	_ =	shalt  }
0x43: {  	_ =	shalt  }
0x44: {  	_ =	shalt  }
0x45: {  	_ =	shalt  }
0x46: {  	_ =	shalt  }
0x47: {  	_ =	shalt  }
0x48: {  	_ =	shalt  }
0x49: {  	_ =	shalt  }
0x4a: {  	_ =	shalt  }
0x4b: {  	_ =	shalt  }
0x4c: {  	_ =	shalt  }
0x4d: {  	_ =	shalt  }
0x4e: {  	_ =	shalt  }
0x4f: {  	_ =	shalt  }
0x50: {  	_ =	shalt  }
0x51: {  	_ =	shalt  }
0x52: {  	_ =	shalt  }
0x53: {  	_ =	shalt  }
0x54: {  	_ =	shalt  }
0x55: {  	_ =	shalt  }
0x56: {  	_ =	shalt  }
0x57: {  	_ =	shalt  }
0x58: {  	_ =	shalt  }
0x59: {  	_ =	shalt  }
0x5a: {  	_ =	shalt  }
0x5b: {  	_ =	shalt  }
0x5c: {  	_ =	shalt  }
0x5d: {  	_ =	shalt  }
0x5e: {  	_ =	shalt  }
0x5f: {  	_ =	shalt  }
0x60: {  	_ =	shalt  }
0x61: {  	_ =	shalt  }
0x62: {  	_ =	shalt  }
0x63: {  	_ =	shalt  }
0x64: {  	_ =	shalt  }
0x65: {  	_ =	shalt  }
0x66: {  	_ =	shalt  }
0x67: {  	_ =	shalt  }
0x68: {  	_ =	shalt  }
0x69: {  	_ =	shalt  }
0x6a: {  	_ =	shalt  }
0x6b: {  	_ =	shalt  }
0x6c: {  	_ =	shalt  }
0x6d: {  	_ =	shalt  }
0x6e: {  	_ =	shalt  }
0x6f: {  	_ =	shalt  }
0x70: {  	_ =	shalt  }
0x71: {  	_ =	shalt  }
0x72: {  	_ =	shalt  }
0x73: {  	_ =	shalt  }
0x74: {  	_ =	shalt  }
0x75: {  	_ =	shalt  }
0x76: {  	_ =	shalt  }
0x77: {  	_ =	shalt  }
0x78: {  	_ =	shalt  }
0x79: {  	_ =	shalt  }
0x7a: {  	_ =	shalt  }
0x7b: {  	_ =	shalt  }
0x7c: {  	_ =	shalt  }
0x7d: {  	_ =	shalt  }
0x7e: {  	_ =	shalt  }
0x7f: {  	_ =	shalt  }
0x80: {  	_ =	shalt  }
0x81: {  	_ =	shalt  }
0x82: {  	_ =	shalt  }
0x83: {  	_ =	shalt  }
0x84: {  	_ =	shalt  }
0x85: {  	_ =	shalt  }
0x86: {  	_ =	shalt  }
0x87: {  	_ =	shalt  }
.Lfunc_end0:
.L_simem_size_0:
called_computation.1_lowered:
.L_overlay_start_0:
0x88: {  	s2 =	sld [smem:$0x3FD9]  }
0x89: {  	s3 =	sld [smem:$0x3FFE];
	_ =	sdelay $0x1  }
0x8a: {  	s1 =	srdreg.scid  }
0x8b: {  	s0 =	sand.u32 $0x1, s1  }
0x8c: {  	s17 =	sshll.u32 s0, $0xA;
	s2 =	sadd.s32 s3, s2  }
0x8d: {  	s2 =	sadd.s32 s2, s17  }
0x8e: {  	[smem:$0x3FC5] =	sst s2  }
0x8f: {  	_ = 	snop  }
0x90: {  	s2 =	sld [smem:$0x3FD0];
	(tm) =	ssettm $0x1  }
0x91: {  	s18 =	sld [smem:$0x3FFB];
	_ =	sdelay $0x3  }
0x92: {  	_ =	strace s18  }
0x93: {  	s3 =	sld [smem:$0x3FFC];
	_ =	sdelay $0x3  }
0x94: {  	_ =	strace s3  }
0x95: {  	s3 =	sld [smem:$0x3FFD];
	_ =	sdelay $0x3  }
0x96: {  	_ =	strace s3  }
0x97: {  	_ =	strace $0x8FFFFFFF  }
0x98: {  	s19 =	sld [smem:$0x3FDB];
	_ =	sdelay $0x1  }
0x99: {  	s4 =	simm.s32 $_scs_section_size  }
0x9a: {  	s5 =	simm.s32 $_size__tile_overlayer_lowered;
	s6 =	simm.s32 $_tile_overlayer_lowered  }
0x9b: {  	s22 =	simm.s32 $0x1BFF;
	s21 =	sshll.u32 s6, $0x1;
	s3 =	sadd.s32 s4, s19  }
0x9c: {  	s7 =	simm.s32 $0x0;
	s20 =	sshll.u32 s5, $0x1;
	s5 =	sadd.s32 s21, s3  }
0x9d: {  	[timem:s7], [sflag:s22] =	dma.local [hbm:s5], s20  }
0x9e: {  	_ =	swait.ge [sflag:s22], s20  }
0x9f: {  	s4 =	ssub.s32 $0x0, s20;
	[sflag:s22] =	ssyncset.done $0x0  }
0xa0: {  	[sflag:s22] =	ssyncadd.s32 s4;
	_ =	sdelay $0x1  }
0xa1: {  	s23 =	simm.s32 $0x1B8B  }
0xa2: {  	_ =	swait.ge [sflag:s23], $0x1  }
0xa3: {  	[sflag:s23] =	ssyncset.done $0x0  }
0xa4: {  	s25 =	simm.s32 $0x1B8E;
	s24 =	sld [smem:$0x3FFE];
	[sflag:s23] =	ssyncadd.s32 $0xFFFFFFFF  }
0xa5: {  	s26 =	simm.s32 $execute0_lowered;
	[smem:$0x3FD2] =	sst s25  }
0xa6: {  	s5 =	sshll.u32 s26, $0x1;
	_ =	strace $0x80000046;
	[dreg:$0x1] =	wrdreg $0xFFFFFFFF  }
0xa7: {  	s28 =	simm.s32 $_size_execute0_lowered;
	s3 =	sadd.s32 s3, s5;
	[dreg:$0x0] =	wrdreg $0x0  }
0xa8: {  	s5 =	sshll.u32 s28, $0x1;
	[dreg:$0x2] =	wrdreg s3  }
0xa9: {  	[dreg:$0x3] =	wrdreg s5  }
0xaa: {  	[dreg:$0x4] =	wrdreg $0xC0  }
0xab: {  	_ =	task [dreg:s7], $0x5FFFF  }
0xac: {  	[dreg:$0x1] =	wrdreg $0xFFFFFFFF  }
0xad: {  	[dreg:$0x0] =	wrdreg $0x60  }
0xae: {  	[dreg:$0x2] =	wrdreg s24  }
0xaf: {  	[dreg:$0x3] =	wrdreg s2  }
0xb0: {  	[dreg:$0x4] =	wrdreg $0x9  }
0xb1: {  	_ =	task.clear_ibuf [dreg:s7], $0x5FFFF;
	_ =	strace $0x90000046  }
0xb2: {  	s29 =	simm.s32 $0x9;
	_ =	strace $0x80000048  }
0xb3: {  	_ =	swait.ge [sflag:s29], $0x1  }
0xb4: {  	[sflag:s29] =	ssyncadd.s32 $0xFFFFFFFF  }
0xb5: {  	_ =	strace $0x90000048  }
0xb6: {  	_ =	sfence  }
0xb7: {  	s30 =	sld [smem:$0x0];
	_ =	sdelay $0x2  }
0xb8: {  	s31 =	sshll.u32 s1, $0xD;
	s1 =	sshrl.u32 s1, $0x2  }
0xb9: {  	s3 =	sand.u32 $0x4000, s31;
	s1 =	sadd.s32 s1, s30  }
0xba: {  	s0 =	sor.u32 s3, s0;
	s1 =	sshll.u32 s1, $0x11  }
0xbb: {  	s0 =	sor.u32 s1, s0  }
0xbc: {  	s0 =	sadd.s32 $0x8F2B, s0  }
0xbd: {  	[sflag:s0] =	ssyncadd.remote.s32 $0x1  }
0xbe: {  	_ =	sfence.sel $0xFFFF  }
0xbf: {  	[dreg:$0x0] =	wrdreg $0xFFFFFFFF;
	(pc) =	sbr.abs _section_cstart, $3  }
0xc0: {  	[dreg:$0x1] =	wrdreg $0xFFFFFFFF  }
0xc1: {  	_ =	task.clear_ibuf [dreg:s7], $0x2FFFF;
	_ =	strace $0x9FFFFFFF  }
0xc2: {  	(tm) =	ssettm $0x7FFFFFFF  }
0xc3: {  	_ =	shalt  }
tec
execute0_lowered:
.L_overlay_start_1:
0x0: {  	(tag) =	ssettag $0x1  }
0x1: {  	s0 =	rddreg [dreg:$0x0];
	s1 =	srdreg.scid  }
0x2: {  	s2 =	stileid.u32;
	s5 =	rddreg [dreg:$0x1];
	s28 =	simm.s32 $0x7D00  }
0x3: {  	s29 =	simm.s32 $0x1;
	s1 =	sand.u32 $0x1, s1;
	s3 =	sshll.u32 s2, $0x1  }
0x4: {  	s31 =	simm.s32 $0xE100;
	s2 =	simm.s32 $0x0;
	s4 =	sor.u32 s1, s3  }
0x5: {  	s30 =	simm.s32 $0x3;
	[smem:$0x7FF] =	sst s2;
	s3 =	smul.u32 $0x320, s4  }
0x6: {  	s1 =	ssub.s32 $0x2, s1;
	_ =	strace $0x80000047;
	s7 =	smul.u32 $0x64000, s4  }
0x7: {  	s8 =	sshrl.u32 s1, $0x1;
	s9 =	smul.u32 $0xC800, s4;
	s4 =	sadd.s32 $0x800, s0  }
0x8: {  	s22 =	ssub.s32 s1, s8;
	s6 =	sadd.s32 s3, s0;
	s3 =	sadd.s32 $0x7400, s0  }
0x9: {  	s23 =	sshrl.u32 s7, $0x3;
	s24 =	sadd.s32 s5, s9;
	s22 =	smax.u32 s22, $0x1  }
0xa: {  	s0 =	simm.s32 $0x4;
	s6 =	sadd.s32 $0x1000, s6;
	[dreg:$0x4] =	wrdreg s24  }
0xb: {  	s1 =	sadd.s32 s5, s23;
	s24 =	simm.s32 $0x7;
	s23 =	simm.s32 $0x5  }
0xc: {  	[dreg:$0x3] =	wrdreg s6;
	s5 =	sadd.s32 $0xC80, s1;
	s25 =	sadd.s32 $0x1900, s1  }
0xd: {  	s26 =	sadd.s32 $0x2580, s1;
	s10 =	sadd.s32 $0x3200, s1;
	s11 =	sadd.s32 $0x3E80, s1  }
0xe: {  	s12 =	sadd.s32 $0x4B00, s1;
	s13 =	sadd.s32 $0x5780, s1;
	s14 =	sadd.s32 $0x6400, s1  }
0xf: {  	s15 =	sadd.s32 $0x7080, s1;
	s16 =	sadd.s32 $0x7D00, s1;
	s17 =	sadd.s32 $0x8980, s1  }
0x10: {  	s18 =	sadd.s32 $0x9600, s1;
	s19 =	sadd.s32 $0xA280, s1;
	[dreg:$0x5] =	wrdreg s5  }
0x11: {  	s20 =	sadd.s32 $0xAF00, s1;
	s21 =	sadd.s32 $0xBB80, s1;
	[dreg:$0x6] =	wrdreg s25  }
0x12: {  	s1 =	simm.s32 $0x2;
	s6 =	simm.s32 $0x0;
	[dreg:$0x7] =	wrdreg s26  }
0x13: {  	s26 =	simm.s32 $0x190;
	s25 =	simm.s32 $0x14500;
	s5 =	simm.s32 $0x6  }
.LBB2_1:
0x14: {  	s7 =	rddreg [dreg:$0x3];
	s8 =	simm.s32 $0x6400  }
0x15: {  	[tilespmem:s8], [sflag:$0x7] =	stream.linear.gather [hbm4b:s7+s2], $0x1900, $0x38;
	[tilespmem:$0x1A900] =	vst v63  }
0x16: {  	_ =	swait.ge [sflag:s24], $0x1900  }
0x17: {  	[sflag:s24] =	ssyncset.done $0x0  }
0x18: {  	[sflag:s24] =	ssyncadd.s32 $0xFFFFE700  }
0x19: {  	[tilespmem:s2], [sflag:$0x7] =	stream.linear.gather [hbm4b:s4+s2], $0x3200, $0x38;
	[tilespmem:$0x1A900] =	vst v63  }
0x1a: {  	_ =	swait.ge [sflag:s24], $0x3200  }
0x1b: {  	[sflag:s24] =	ssyncset.done $0x0  }
0x1c: {  	s9 =	simm.s32 $0x3200;
	[sflag:s24] =	ssyncadd.s32 $0xFFFFCE00  }
0x1d: {  	[tilespmem:s9], [sflag:$0x7] =	stream.linear.gather [hbm4b:s4+s2], $0x3200, $0x38;
	[tilespmem:$0x1A900] =	vst v63  }
0x1e: {  	_ =	swait.ge [sflag:s24], $0x3200  }
0x1f: {  	[sflag:s24] =	ssyncset.done $0x0  }
0x20: {  	[sflag:s24] =	ssyncadd.s32 $0xFFFFCE00  }
0x21: {  	[tilespmem:s28], [sflag:$0x1] =	stream.indirect.gather [hbm4b:s3+s26], $0x40, s8, s26, $0xb8;
	[tilespmem:$0x1A900] =	vst v63  }
0x22: {  	_ =	swait.ge [sflag:s29], $0x6400  }
0x23: {  	[sflag:s29] =	ssyncset.done $0x0  }
0x24: {  	s7 =	simm.s32 $0x0;
	s9 =	simm.s32 $0x6590;
	[sflag:s29] =	ssyncadd.s32 $0xFFFF9C00  }
0x25: {  	[tilespmem:s31], [sflag:$0x2] =	stream.indirect.gather [hbm4b:s3+s26], $0x40, s9, s26, $0xb8;
	[tilespmem:$0x1A900] =	vst v63  }
0x26: {  	v0 =	vld [tilespmem:s7+$0x1F0]  }
0x27: {  	v1 =	vld [tilespmem:s7+$0x0]  }
0x28: {  	v2 =	vld [tilespmem:s7+$0x10]  }
0x29: {  	v3 =	vld [tilespmem:s7+$0x20]  }
0x2a: {  	v4 =	vld [tilespmem:s7+$0x30]  }
0x2b: {  	v5 =	vld [tilespmem:s7+$0x40]  }
0x2c: {  	v6 =	vld [tilespmem:s7+$0x50]  }
0x2d: {  	v7 =	vld [tilespmem:s7+$0x60]  }
0x2e: {  	v8 =	vld [tilespmem:s7+$0x70]  }
0x2f: {  	v9 =	vld [tilespmem:s7+$0x80]  }
0x30: {  	v10 =	vld [tilespmem:s7+$0x90]  }
0x31: {  	v11 =	vld [tilespmem:s7+$0xA0]  }
0x32: {  	v12 =	vld [tilespmem:s7+$0xB0]  }
0x33: {  	v13 =	vld [tilespmem:s7+$0xC0]  }
0x34: {  	v14 =	vld [tilespmem:s7+$0xD0]  }
0x35: {  	v15 =	vld [tilespmem:s7+$0xE0]  }
0x36: {  	v16 =	vld [tilespmem:s7+$0xF0]  }
0x37: {  	v17 =	vld [tilespmem:s7+$0x100]  }
0x38: {  	v18 =	vld [tilespmem:s7+$0x110]  }
0x39: {  	v19 =	vld [tilespmem:s7+$0x120]  }
0x3a: {  	v20 =	vld [tilespmem:s7+$0x130]  }
0x3b: {  	v21 =	vld [tilespmem:s7+$0x140]  }
0x3c: {  	v22 =	vld [tilespmem:s7+$0x150]  }
0x3d: {  	v23 =	vld [tilespmem:s7+$0x160]  }
0x3e: {  	v24 =	vld [tilespmem:s7+$0x170]  }
0x3f: {  	v25 =	vld [tilespmem:s7+$0x180]  }
0x40: {  	v26 =	vld [tilespmem:s7+$0x190]  }
0x41: {  	v27 =	vld [tilespmem:s7+$0x1A0]  }
0x42: {  	v28 =	vld [tilespmem:s7+$0x1B0]  }
0x43: {  	v29 =	vld [tilespmem:s7+$0x1C0]  }
0x44: {  	v30 =	vld [tilespmem:s7+$0x1D0]  }
0x45: {  	[tilespmem:s7+$0x7EF0] =	vst.add.f32.msk $0xffff, v0  }
0x46: {  	v0 =	vld [tilespmem:s7+$0x1E0]  }
0x47: {  	[tilespmem:s7+$0x7D00] =	vst.add.f32.msk $0xffff, v1  }
0x48: {  	[tilespmem:s7+$0x7D10] =	vst.add.f32.msk $0xffff, v2  }
0x49: {  	[tilespmem:s7+$0x7D20] =	vst.add.f32.msk $0xffff, v3  }
0x4a: {  	[tilespmem:s7+$0x7D30] =	vst.add.f32.msk $0xffff, v4  }
0x4b: {  	[tilespmem:s7+$0x7D40] =	vst.add.f32.msk $0xffff, v5  }
0x4c: {  	[tilespmem:s7+$0x7D50] =	vst.add.f32.msk $0xffff, v6  }
0x4d: {  	[tilespmem:s7+$0x7D60] =	vst.add.f32.msk $0xffff, v7  }
0x4e: {  	[tilespmem:s7+$0x7D70] =	vst.add.f32.msk $0xffff, v8  }
0x4f: {  	[tilespmem:s7+$0x7D80] =	vst.add.f32.msk $0xffff, v9  }
0x50: {  	[tilespmem:s7+$0x7D90] =	vst.add.f32.msk $0xffff, v10  }
0x51: {  	[tilespmem:s7+$0x7DA0] =	vst.add.f32.msk $0xffff, v11  }
0x52: {  	[tilespmem:s7+$0x7DB0] =	vst.add.f32.msk $0xffff, v12  }
0x53: {  	[tilespmem:s7+$0x7DC0] =	vst.add.f32.msk $0xffff, v13  }
0x54: {  	[tilespmem:s7+$0x7DD0] =	vst.add.f32.msk $0xffff, v14  }
0x55: {  	[tilespmem:s7+$0x7DE0] =	vst.add.f32.msk $0xffff, v15  }
0x56: {  	[tilespmem:s7+$0x7DF0] =	vst.add.f32.msk $0xffff, v16  }
0x57: {  	[tilespmem:s7+$0x7E00] =	vst.add.f32.msk $0xffff, v17  }
0x58: {  	[tilespmem:s7+$0x7E10] =	vst.add.f32.msk $0xffff, v18  }
0x59: {  	[tilespmem:s7+$0x7E20] =	vst.add.f32.msk $0xffff, v19  }
0x5a: {  	[tilespmem:s7+$0x7E30] =	vst.add.f32.msk $0xffff, v20  }
0x5b: {  	[tilespmem:s7+$0x7E40] =	vst.add.f32.msk $0xffff, v21  }
0x5c: {  	[tilespmem:s7+$0x7E50] =	vst.add.f32.msk $0xffff, v22  }
0x5d: {  	[tilespmem:s7+$0x7E60] =	vst.add.f32.msk $0xffff, v23  }
0x5e: {  	[tilespmem:s7+$0x7E70] =	vst.add.f32.msk $0xffff, v24  }
0x5f: {  	[tilespmem:s7+$0x7E80] =	vst.add.f32.msk $0xffff, v25  }
0x60: {  	[tilespmem:s7+$0x7E90] =	vst.add.f32.msk $0xffff, v26  }
0x61: {  	[tilespmem:s7+$0x7EA0] =	vst.add.f32.msk $0xffff, v27  }
0x62: {  	[tilespmem:s7+$0x7EB0] =	vst.add.f32.msk $0xffff, v28  }
0x63: {  	[tilespmem:s7+$0x7EC0] =	vst.add.f32.msk $0xffff, v29  }
0x64: {  	s8 =	simm.s32 $0x0;
	s9 =	simm.s32 $0x800;
	[tilespmem:s7+$0x7ED0] =	vst.add.f32.msk $0xffff, v30  }
.LBB2_2:
0x65: {  	s8 =	sadd.s32 $0x8, s8;
	[tilespmem:s7+$0x7EE0] =	vst.add.f32.msk $0xffff, v0;
	s7 =	sshra.s32 s9, $0x2  }
0x66: {  	v0 =	vld [tilespmem:s7+$0x1F0];
	p0 =	slt.u32 s8, $0x188  }
0x67: {  	v1 =	vld [tilespmem:s7+$0x0]  }
0x68: {  	v2 =	vld [tilespmem:s7+$0x10]  }
0x69: {  	v3 =	vld [tilespmem:s7+$0x20]  }
0x6a: {  	v4 =	vld [tilespmem:s7+$0x30]  }
0x6b: {  	[tilespmem:s7+$0x7EF0] =	vst.add.f32.msk $0xffff, v0  }
0x6c: {  	v5 =	vld [tilespmem:s7+$0x40]  }
0x6d: {  	v6 =	vld [tilespmem:s7+$0x50]  }
0x6e: {  	v7 =	vld [tilespmem:s7+$0x60]  }
0x6f: {  	v8 =	vld [tilespmem:s7+$0x70]  }
0x70: {  	v9 =	vld [tilespmem:s7+$0x80]  }
0x71: {  	v10 =	vld [tilespmem:s7+$0x90]  }
0x72: {  	v11 =	vld [tilespmem:s7+$0xA0]  }
0x73: {  	v12 =	vld [tilespmem:s7+$0xB0]  }
0x74: {  	v13 =	vld [tilespmem:s7+$0xC0]  }
0x75: {  	v14 =	vld [tilespmem:s7+$0xD0]  }
0x76: {  	v15 =	vld [tilespmem:s7+$0xE0]  }
0x77: {  	v16 =	vld [tilespmem:s7+$0xF0]  }
0x78: {  	v17 =	vld [tilespmem:s7+$0x100]  }
0x79: {  	v18 =	vld [tilespmem:s7+$0x110]  }
0x7a: {  	v19 =	vld [tilespmem:s7+$0x120]  }
0x7b: {  	v20 =	vld [tilespmem:s7+$0x130]  }
0x7c: {  	v21 =	vld [tilespmem:s7+$0x140]  }
0x7d: {  	v22 =	vld [tilespmem:s7+$0x150]  }
0x7e: {  	v23 =	vld [tilespmem:s7+$0x160]  }
0x7f: {  	v24 =	vld [tilespmem:s7+$0x170]  }
0x80: {  	v25 =	vld [tilespmem:s7+$0x180]  }
0x81: {  	v26 =	vld [tilespmem:s7+$0x190]  }
0x82: {  	v27 =	vld [tilespmem:s7+$0x1A0]  }
0x83: {  	v28 =	vld [tilespmem:s7+$0x1B0]  }
0x84: {  	v29 =	vld [tilespmem:s7+$0x1C0]  }
0x85: {  	v30 =	vld [tilespmem:s7+$0x1D0]  }
0x86: {  	v0 =	vld [tilespmem:s7+$0x1E0]  }
0x87: {  	[tilespmem:s7+$0x7D00] =	vst.add.f32.msk $0xffff, v1  }
0x88: {  	[tilespmem:s7+$0x7D10] =	vst.add.f32.msk $0xffff, v2  }
0x89: {  	[tilespmem:s7+$0x7D20] =	vst.add.f32.msk $0xffff, v3  }
0x8a: {  	[tilespmem:s7+$0x7D30] =	vst.add.f32.msk $0xffff, v4  }
0x8b: {  	[tilespmem:s7+$0x7D40] =	vst.add.f32.msk $0xffff, v5  }
0x8c: {  	[tilespmem:s7+$0x7D50] =	vst.add.f32.msk $0xffff, v6  }
0x8d: {  	[tilespmem:s7+$0x7D60] =	vst.add.f32.msk $0xffff, v7  }
0x8e: {  	[tilespmem:s7+$0x7D70] =	vst.add.f32.msk $0xffff, v8  }
0x8f: {  	[tilespmem:s7+$0x7D80] =	vst.add.f32.msk $0xffff, v9  }
0x90: {  	[tilespmem:s7+$0x7D90] =	vst.add.f32.msk $0xffff, v10  }
0x91: {  	[tilespmem:s7+$0x7DA0] =	vst.add.f32.msk $0xffff, v11  }
0x92: {  	[tilespmem:s7+$0x7DB0] =	vst.add.f32.msk $0xffff, v12  }
0x93: {  	[tilespmem:s7+$0x7DC0] =	vst.add.f32.msk $0xffff, v13  }
0x94: {  	[tilespmem:s7+$0x7DD0] =	vst.add.f32.msk $0xffff, v14  }
0x95: {  	[tilespmem:s7+$0x7DE0] =	vst.add.f32.msk $0xffff, v15  }
0x96: {  	[tilespmem:s7+$0x7DF0] =	vst.add.f32.msk $0xffff, v16  }
0x97: {  	[tilespmem:s7+$0x7E00] =	vst.add.f32.msk $0xffff, v17  }
0x98: {  	[tilespmem:s7+$0x7E10] =	vst.add.f32.msk $0xffff, v18  }
0x99: {  	[tilespmem:s7+$0x7E20] =	vst.add.f32.msk $0xffff, v19  }
0x9a: {  	[tilespmem:s7+$0x7E30] =	vst.add.f32.msk $0xffff, v20  }
0x9b: {  	[tilespmem:s7+$0x7E40] =	vst.add.f32.msk $0xffff, v21  }
0x9c: {  	[tilespmem:s7+$0x7E50] =	vst.add.f32.msk $0xffff, v22  }
0x9d: {  	[tilespmem:s7+$0x7E60] =	vst.add.f32.msk $0xffff, v23  }
0x9e: {  	[tilespmem:s7+$0x7E70] =	vst.add.f32.msk $0xffff, v24  }
0x9f: {  	[tilespmem:s7+$0x7E80] =	vst.add.f32.msk $0xffff, v25  }
.Ltmp0:
0xa0: {  	[tilespmem:s7+$0x7E90] =	vst.add.f32.msk $0xffff, v26;
	(pc) =	sbr.rel @p0 .LBB2_2-.Ltmp0, $4  }
0xa1: {  	[tilespmem:s7+$0x7EA0] =	vst.add.f32.msk $0xffff, v27  }
0xa2: {  	[tilespmem:s7+$0x7EB0] =	vst.add.f32.msk $0xffff, v28  }
0xa3: {  	[tilespmem:s7+$0x7EC0] =	vst.add.f32.msk $0xffff, v29  }
0xa4: {  	s9 =	sadd.s32 $0x800, s9;
	[tilespmem:s7+$0x7ED0] =	vst.add.f32.msk $0xffff, v30  }
0xa5: {  	[tilespmem:s7+$0x7EE0] =	vst.add.f32.msk $0xffff, v0  }
0xa6: {  	s9 =	simm.s32 $0x0;
	s8 =	rddreg [dreg:$0x4]  }
0xa7: {  	[hbm4b:s8+s9] =	stream.linear.scatter [tilespmem:s28], [sflag:$0x4], $0x6400, $0x38;
	[tilespmem:$0x1A900] =	vst v63  }
0xa8: {  	_ =	swait.ge [sflag:s1], $0x6400  }
0xa9: {  	[sflag:s1] =	ssyncset.done $0x0  }
0xaa: {  	s7 =	simm.s32 $0x0;
	s9 =	simm.s32 $0x6720;
	[sflag:s1] =	ssyncadd.s32 $0xFFFF9C00  }
0xab: {  	[tilespmem:s25], [sflag:$0x3] =	stream.indirect.gather [hbm4b:s3+s26], $0x40, s9, s26, $0xb8;
	[tilespmem:$0x1A900] =	vst v63  }
0xac: {  	v0 =	vld [tilespmem:s7+$0x1F0]  }
0xad: {  	v1 =	vld [tilespmem:s7+$0x0]  }
0xae: {  	v2 =	vld [tilespmem:s7+$0x10]  }
0xaf: {  	v3 =	vld [tilespmem:s7+$0x20]  }
0xb0: {  	v4 =	vld [tilespmem:s7+$0x30]  }
0xb1: {  	v5 =	vld [tilespmem:s7+$0x40]  }
0xb2: {  	v6 =	vld [tilespmem:s7+$0x50]  }
0xb3: {  	v7 =	vld [tilespmem:s7+$0x60]  }
0xb4: {  	v8 =	vld [tilespmem:s7+$0x70]  }
0xb5: {  	v9 =	vld [tilespmem:s7+$0x80]  }
0xb6: {  	v10 =	vld [tilespmem:s7+$0x90]  }
0xb7: {  	v11 =	vld [tilespmem:s7+$0xA0]  }
0xb8: {  	v12 =	vld [tilespmem:s7+$0xB0]  }
0xb9: {  	v13 =	vld [tilespmem:s7+$0xC0]  }
0xba: {  	v14 =	vld [tilespmem:s7+$0xD0]  }
0xbb: {  	v15 =	vld [tilespmem:s7+$0xE0]  }
0xbc: {  	v16 =	vld [tilespmem:s7+$0xF0]  }
0xbd: {  	v17 =	vld [tilespmem:s7+$0x100]  }
0xbe: {  	v18 =	vld [tilespmem:s7+$0x110]  }
0xbf: {  	v19 =	vld [tilespmem:s7+$0x120]  }
0xc0: {  	v20 =	vld [tilespmem:s7+$0x130]  }
0xc1: {  	v21 =	vld [tilespmem:s7+$0x140]  }
0xc2: {  	v22 =	vld [tilespmem:s7+$0x150]  }
0xc3: {  	v23 =	vld [tilespmem:s7+$0x160]  }
0xc4: {  	v24 =	vld [tilespmem:s7+$0x170]  }
0xc5: {  	v25 =	vld [tilespmem:s7+$0x180]  }
0xc6: {  	v26 =	vld [tilespmem:s7+$0x190]  }
0xc7: {  	v27 =	vld [tilespmem:s7+$0x1A0]  }
0xc8: {  	v28 =	vld [tilespmem:s7+$0x1B0]  }
0xc9: {  	v29 =	vld [tilespmem:s7+$0x1C0]  }
0xca: {  	v30 =	vld [tilespmem:s7+$0x1D0]  }
0xcb: {  	[tilespmem:s7+$0xE2F0] =	vst.add.f32.msk $0xffff, v0  }
0xcc: {  	v0 =	vld [tilespmem:s7+$0x1E0]  }
0xcd: {  	[tilespmem:s7+$0xE100] =	vst.add.f32.msk $0xffff, v1  }
0xce: {  	[tilespmem:s7+$0xE110] =	vst.add.f32.msk $0xffff, v2  }
0xcf: {  	[tilespmem:s7+$0xE120] =	vst.add.f32.msk $0xffff, v3  }
0xd0: {  	[tilespmem:s7+$0xE130] =	vst.add.f32.msk $0xffff, v4  }
0xd1: {  	[tilespmem:s7+$0xE140] =	vst.add.f32.msk $0xffff, v5  }
0xd2: {  	[tilespmem:s7+$0xE150] =	vst.add.f32.msk $0xffff, v6  }
0xd3: {  	[tilespmem:s7+$0xE160] =	vst.add.f32.msk $0xffff, v7  }
0xd4: {  	[tilespmem:s7+$0xE170] =	vst.add.f32.msk $0xffff, v8  }
0xd5: {  	[tilespmem:s7+$0xE180] =	vst.add.f32.msk $0xffff, v9  }
0xd6: {  	[tilespmem:s7+$0xE190] =	vst.add.f32.msk $0xffff, v10  }
0xd7: {  	[tilespmem:s7+$0xE1A0] =	vst.add.f32.msk $0xffff, v11  }
0xd8: {  	[tilespmem:s7+$0xE1B0] =	vst.add.f32.msk $0xffff, v12  }
0xd9: {  	[tilespmem:s7+$0xE1C0] =	vst.add.f32.msk $0xffff, v13  }
0xda: {  	[tilespmem:s7+$0xE1D0] =	vst.add.f32.msk $0xffff, v14  }
0xdb: {  	[tilespmem:s7+$0xE1E0] =	vst.add.f32.msk $0xffff, v15  }
0xdc: {  	[tilespmem:s7+$0xE1F0] =	vst.add.f32.msk $0xffff, v16  }
0xdd: {  	[tilespmem:s7+$0xE200] =	vst.add.f32.msk $0xffff, v17  }
0xde: {  	[tilespmem:s7+$0xE210] =	vst.add.f32.msk $0xffff, v18  }
0xdf: {  	[tilespmem:s7+$0xE220] =	vst.add.f32.msk $0xffff, v19  }
0xe0: {  	[tilespmem:s7+$0xE230] =	vst.add.f32.msk $0xffff, v20  }
0xe1: {  	[tilespmem:s7+$0xE240] =	vst.add.f32.msk $0xffff, v21  }
0xe2: {  	[tilespmem:s7+$0xE250] =	vst.add.f32.msk $0xffff, v22  }
0xe3: {  	[tilespmem:s7+$0xE260] =	vst.add.f32.msk $0xffff, v23  }
0xe4: {  	[tilespmem:s7+$0xE270] =	vst.add.f32.msk $0xffff, v24  }
0xe5: {  	[tilespmem:s7+$0xE280] =	vst.add.f32.msk $0xffff, v25  }
0xe6: {  	[tilespmem:s7+$0xE290] =	vst.add.f32.msk $0xffff, v26  }
0xe7: {  	[tilespmem:s7+$0xE2A0] =	vst.add.f32.msk $0xffff, v27  }
0xe8: {  	[tilespmem:s7+$0xE2B0] =	vst.add.f32.msk $0xffff, v28  }
0xe9: {  	[tilespmem:s7+$0xE2C0] =	vst.add.f32.msk $0xffff, v29  }
0xea: {  	s8 =	simm.s32 $0x0;
	s9 =	simm.s32 $0x800;
	[tilespmem:s7+$0xE2D0] =	vst.add.f32.msk $0xffff, v30  }
.LBB2_4:
0xeb: {  	s8 =	sadd.s32 $0x8, s8;
	[tilespmem:s7+$0xE2E0] =	vst.add.f32.msk $0xffff, v0;
	s7 =	sshra.s32 s9, $0x2  }
0xec: {  	v0 =	vld [tilespmem:s7+$0x1F0];
	p0 =	slt.u32 s8, $0x188  }
0xed: {  	v1 =	vld [tilespmem:s7+$0x0]  }
0xee: {  	v2 =	vld [tilespmem:s7+$0x10]  }
0xef: {  	v3 =	vld [tilespmem:s7+$0x20]  }
0xf0: {  	v4 =	vld [tilespmem:s7+$0x30]  }
0xf1: {  	[tilespmem:s7+$0xE2F0] =	vst.add.f32.msk $0xffff, v0  }
0xf2: {  	v5 =	vld [tilespmem:s7+$0x40]  }
0xf3: {  	v6 =	vld [tilespmem:s7+$0x50]  }
0xf4: {  	v7 =	vld [tilespmem:s7+$0x60]  }
0xf5: {  	v8 =	vld [tilespmem:s7+$0x70]  }
0xf6: {  	v9 =	vld [tilespmem:s7+$0x80]  }
0xf7: {  	v10 =	vld [tilespmem:s7+$0x90]  }
0xf8: {  	v11 =	vld [tilespmem:s7+$0xA0]  }
0xf9: {  	v12 =	vld [tilespmem:s7+$0xB0]  }
0xfa: {  	v13 =	vld [tilespmem:s7+$0xC0]  }
0xfb: {  	v14 =	vld [tilespmem:s7+$0xD0]  }
0xfc: {  	v15 =	vld [tilespmem:s7+$0xE0]  }
0xfd: {  	v16 =	vld [tilespmem:s7+$0xF0]  }
0xfe: {  	v17 =	vld [tilespmem:s7+$0x100]  }
0xff: {  	v18 =	vld [tilespmem:s7+$0x110]  }
0x100: {  	v19 =	vld [tilespmem:s7+$0x120]  }
0x101: {  	v20 =	vld [tilespmem:s7+$0x130]  }
0x102: {  	v21 =	vld [tilespmem:s7+$0x140]  }
0x103: {  	v22 =	vld [tilespmem:s7+$0x150]  }
0x104: {  	v23 =	vld [tilespmem:s7+$0x160]  }
0x105: {  	v24 =	vld [tilespmem:s7+$0x170]  }
0x106: {  	v25 =	vld [tilespmem:s7+$0x180]  }
0x107: {  	v26 =	vld [tilespmem:s7+$0x190]  }
0x108: {  	v27 =	vld [tilespmem:s7+$0x1A0]  }
0x109: {  	v28 =	vld [tilespmem:s7+$0x1B0]  }
0x10a: {  	v29 =	vld [tilespmem:s7+$0x1C0]  }
0x10b: {  	v30 =	vld [tilespmem:s7+$0x1D0]  }
0x10c: {  	v0 =	vld [tilespmem:s7+$0x1E0]  }
0x10d: {  	[tilespmem:s7+$0xE100] =	vst.add.f32.msk $0xffff, v1  }
0x10e: {  	[tilespmem:s7+$0xE110] =	vst.add.f32.msk $0xffff, v2  }
0x10f: {  	[tilespmem:s7+$0xE120] =	vst.add.f32.msk $0xffff, v3  }
0x110: {  	[tilespmem:s7+$0xE130] =	vst.add.f32.msk $0xffff, v4  }
0x111: {  	[tilespmem:s7+$0xE140] =	vst.add.f32.msk $0xffff, v5  }
0x112: {  	[tilespmem:s7+$0xE150] =	vst.add.f32.msk $0xffff, v6  }
0x113: {  	[tilespmem:s7+$0xE160] =	vst.add.f32.msk $0xffff, v7  }
0x114: {  	[tilespmem:s7+$0xE170] =	vst.add.f32.msk $0xffff, v8  }
0x115: {  	[tilespmem:s7+$0xE180] =	vst.add.f32.msk $0xffff, v9  }
0x116: {  	[tilespmem:s7+$0xE190] =	vst.add.f32.msk $0xffff, v10  }
0x117: {  	[tilespmem:s7+$0xE1A0] =	vst.add.f32.msk $0xffff, v11  }
0x118: {  	[tilespmem:s7+$0xE1B0] =	vst.add.f32.msk $0xffff, v12  }
0x119: {  	[tilespmem:s7+$0xE1C0] =	vst.add.f32.msk $0xffff, v13  }
0x11a: {  	[tilespmem:s7+$0xE1D0] =	vst.add.f32.msk $0xffff, v14  }
0x11b: {  	[tilespmem:s7+$0xE1E0] =	vst.add.f32.msk $0xffff, v15  }
0x11c: {  	[tilespmem:s7+$0xE1F0] =	vst.add.f32.msk $0xffff, v16  }
0x11d: {  	[tilespmem:s7+$0xE200] =	vst.add.f32.msk $0xffff, v17  }
0x11e: {  	[tilespmem:s7+$0xE210] =	vst.add.f32.msk $0xffff, v18  }
0x11f: {  	[tilespmem:s7+$0xE220] =	vst.add.f32.msk $0xffff, v19  }
0x120: {  	[tilespmem:s7+$0xE230] =	vst.add.f32.msk $0xffff, v20  }
0x121: {  	[tilespmem:s7+$0xE240] =	vst.add.f32.msk $0xffff, v21  }
0x122: {  	[tilespmem:s7+$0xE250] =	vst.add.f32.msk $0xffff, v22  }
0x123: {  	[tilespmem:s7+$0xE260] =	vst.add.f32.msk $0xffff, v23  }
0x124: {  	[tilespmem:s7+$0xE270] =	vst.add.f32.msk $0xffff, v24  }
0x125: {  	[tilespmem:s7+$0xE280] =	vst.add.f32.msk $0xffff, v25  }
.Ltmp1:
0x126: {  	[tilespmem:s7+$0xE290] =	vst.add.f32.msk $0xffff, v26;
	(pc) =	sbr.rel @p0 .LBB2_4-.Ltmp1, $4  }
0x127: {  	[tilespmem:s7+$0xE2A0] =	vst.add.f32.msk $0xffff, v27  }
0x128: {  	[tilespmem:s7+$0xE2B0] =	vst.add.f32.msk $0xffff, v28  }
0x129: {  	[tilespmem:s7+$0xE2C0] =	vst.add.f32.msk $0xffff, v29  }
0x12a: {  	s9 =	sadd.s32 $0x800, s9;
	[tilespmem:s7+$0xE2D0] =	vst.add.f32.msk $0xffff, v30  }
0x12b: {  	[tilespmem:s7+$0xE2E0] =	vst.add.f32.msk $0xffff, v0  }
0x12c: {  	s9 =	simm.s32 $0x0;
	s8 =	rddreg [dreg:$0x5]  }
0x12d: {  	[hbm4b:s8+s9] =	stream.linear.scatter [tilespmem:s31], [sflag:$0x5], $0x6400, $0x38;
	[tilespmem:$0x1A900] =	vst v63  }
0x12e: {  	_ =	swait.ge [sflag:s30], $0x6400  }
0x12f: {  	[sflag:s30] =	ssyncset.done $0x0  }
0x130: {  	[sflag:s30] =	ssyncadd.s32 $0xFFFF9C00  }
0x131: {  	_ =	swait.ge [sflag:s0], $0x6400  }
0x132: {  	[sflag:s0] =	ssyncset.done $0x0  }
0x133: {  	s7 =	simm.s32 $0x0;
	s9 =	simm.s32 $0x68B0;
	[sflag:s0] =	ssyncadd.s32 $0xFFFF9C00  }
0x134: {  	[tilespmem:s28], [sflag:$0x1] =	stream.indirect.gather [hbm4b:s3+s26], $0x40, s9, s26, $0xb8;
	[tilespmem:$0x1A900] =	vst v63  }
0x135: {  	v0 =	vld [tilespmem:s7+$0x1F0]  }
0x136: {  	v1 =	vld [tilespmem:s7+$0x0]  }
0x137: {  	v2 =	vld [tilespmem:s7+$0x10]  }
0x138: {  	v3 =	vld [tilespmem:s7+$0x20]  }
0x139: {  	v4 =	vld [tilespmem:s7+$0x30]  }
0x13a: {  	v5 =	vld [tilespmem:s7+$0x40]  }
0x13b: {  	v6 =	vld [tilespmem:s7+$0x50]  }
0x13c: {  	v7 =	vld [tilespmem:s7+$0x60]  }
0x13d: {  	v8 =	vld [tilespmem:s7+$0x70]  }
0x13e: {  	v9 =	vld [tilespmem:s7+$0x80]  }
0x13f: {  	v10 =	vld [tilespmem:s7+$0x90]  }
0x140: {  	v11 =	vld [tilespmem:s7+$0xA0]  }
0x141: {  	v12 =	vld [tilespmem:s7+$0xB0]  }
0x142: {  	v13 =	vld [tilespmem:s7+$0xC0]  }
0x143: {  	v14 =	vld [tilespmem:s7+$0xD0]  }
0x144: {  	v15 =	vld [tilespmem:s7+$0xE0]  }
0x145: {  	v16 =	vld [tilespmem:s7+$0xF0]  }
0x146: {  	v17 =	vld [tilespmem:s7+$0x100]  }
0x147: {  	v18 =	vld [tilespmem:s7+$0x110]  }
0x148: {  	v19 =	vld [tilespmem:s7+$0x120]  }
0x149: {  	v20 =	vld [tilespmem:s7+$0x130]  }
0x14a: {  	v21 =	vld [tilespmem:s7+$0x140]  }
0x14b: {  	v22 =	vld [tilespmem:s7+$0x150]  }
0x14c: {  	v23 =	vld [tilespmem:s7+$0x160]  }
0x14d: {  	v24 =	vld [tilespmem:s7+$0x170]  }
0x14e: {  	v25 =	vld [tilespmem:s7+$0x180]  }
0x14f: {  	v26 =	vld [tilespmem:s7+$0x190]  }
0x150: {  	v27 =	vld [tilespmem:s7+$0x1A0]  }
0x151: {  	v28 =	vld [tilespmem:s7+$0x1B0]  }
0x152: {  	v29 =	vld [tilespmem:s7+$0x1C0]  }
0x153: {  	v30 =	vld [tilespmem:s7+$0x1D0]  }
0x154: {  	[tilespmem:s7+$0x146F0] =	vst.add.f32.msk $0xffff, v0  }
0x155: {  	v0 =	vld [tilespmem:s7+$0x1E0]  }
0x156: {  	[tilespmem:s7+$0x14500] =	vst.add.f32.msk $0xffff, v1  }
0x157: {  	[tilespmem:s7+$0x14510] =	vst.add.f32.msk $0xffff, v2  }
0x158: {  	[tilespmem:s7+$0x14520] =	vst.add.f32.msk $0xffff, v3  }
0x159: {  	[tilespmem:s7+$0x14530] =	vst.add.f32.msk $0xffff, v4  }
0x15a: {  	[tilespmem:s7+$0x14540] =	vst.add.f32.msk $0xffff, v5  }
0x15b: {  	[tilespmem:s7+$0x14550] =	vst.add.f32.msk $0xffff, v6  }
0x15c: {  	[tilespmem:s7+$0x14560] =	vst.add.f32.msk $0xffff, v7  }
0x15d: {  	[tilespmem:s7+$0x14570] =	vst.add.f32.msk $0xffff, v8  }
0x15e: {  	[tilespmem:s7+$0x14580] =	vst.add.f32.msk $0xffff, v9  }
0x15f: {  	[tilespmem:s7+$0x14590] =	vst.add.f32.msk $0xffff, v10  }
0x160: {  	[tilespmem:s7+$0x145A0] =	vst.add.f32.msk $0xffff, v11  }
0x161: {  	[tilespmem:s7+$0x145B0] =	vst.add.f32.msk $0xffff, v12  }
0x162: {  	[tilespmem:s7+$0x145C0] =	vst.add.f32.msk $0xffff, v13  }
0x163: {  	[tilespmem:s7+$0x145D0] =	vst.add.f32.msk $0xffff, v14  }
0x164: {  	[tilespmem:s7+$0x145E0] =	vst.add.f32.msk $0xffff, v15  }
0x165: {  	[tilespmem:s7+$0x145F0] =	vst.add.f32.msk $0xffff, v16  }
0x166: {  	[tilespmem:s7+$0x14600] =	vst.add.f32.msk $0xffff, v17  }
0x167: {  	[tilespmem:s7+$0x14610] =	vst.add.f32.msk $0xffff, v18  }
0x168: {  	[tilespmem:s7+$0x14620] =	vst.add.f32.msk $0xffff, v19  }
0x169: {  	[tilespmem:s7+$0x14630] =	vst.add.f32.msk $0xffff, v20  }
0x16a: {  	[tilespmem:s7+$0x14640] =	vst.add.f32.msk $0xffff, v21  }
0x16b: {  	[tilespmem:s7+$0x14650] =	vst.add.f32.msk $0xffff, v22  }
0x16c: {  	[tilespmem:s7+$0x14660] =	vst.add.f32.msk $0xffff, v23  }
0x16d: {  	[tilespmem:s7+$0x14670] =	vst.add.f32.msk $0xffff, v24  }
0x16e: {  	[tilespmem:s7+$0x14680] =	vst.add.f32.msk $0xffff, v25  }
0x16f: {  	[tilespmem:s7+$0x14690] =	vst.add.f32.msk $0xffff, v26  }
0x170: {  	[tilespmem:s7+$0x146A0] =	vst.add.f32.msk $0xffff, v27  }
0x171: {  	[tilespmem:s7+$0x146B0] =	vst.add.f32.msk $0xffff, v28  }
0x172: {  	[tilespmem:s7+$0x146C0] =	vst.add.f32.msk $0xffff, v29  }
0x173: {  	s8 =	simm.s32 $0x0;
	s9 =	simm.s32 $0x800;
	[tilespmem:s7+$0x146D0] =	vst.add.f32.msk $0xffff, v30  }
.LBB2_6:
0x174: {  	s8 =	sadd.s32 $0x8, s8;
	[tilespmem:s7+$0x146E0] =	vst.add.f32.msk $0xffff, v0;
	s7 =	sshra.s32 s9, $0x2  }
0x175: {  	v0 =	vld [tilespmem:s7+$0x1F0];
	p0 =	slt.u32 s8, $0x188  }
0x176: {  	v1 =	vld [tilespmem:s7+$0x0]  }
0x177: {  	v2 =	vld [tilespmem:s7+$0x10]  }
0x178: {  	v3 =	vld [tilespmem:s7+$0x20]  }
0x179: {  	v4 =	vld [tilespmem:s7+$0x30]  }
0x17a: {  	[tilespmem:s7+$0x146F0] =	vst.add.f32.msk $0xffff, v0  }
0x17b: {  	v5 =	vld [tilespmem:s7+$0x40]  }
0x17c: {  	v6 =	vld [tilespmem:s7+$0x50]  }
0x17d: {  	v7 =	vld [tilespmem:s7+$0x60]  }
0x17e: {  	v8 =	vld [tilespmem:s7+$0x70]  }
0x17f: {  	v9 =	vld [tilespmem:s7+$0x80]  }
0x180: {  	v10 =	vld [tilespmem:s7+$0x90]  }
0x181: {  	v11 =	vld [tilespmem:s7+$0xA0]  }
0x182: {  	v12 =	vld [tilespmem:s7+$0xB0]  }
0x183: {  	v13 =	vld [tilespmem:s7+$0xC0]  }
0x184: {  	v14 =	vld [tilespmem:s7+$0xD0]  }
0x185: {  	v15 =	vld [tilespmem:s7+$0xE0]  }
0x186: {  	v16 =	vld [tilespmem:s7+$0xF0]  }
0x187: {  	v17 =	vld [tilespmem:s7+$0x100]  }
0x188: {  	v18 =	vld [tilespmem:s7+$0x110]  }
0x189: {  	v19 =	vld [tilespmem:s7+$0x120]  }
0x18a: {  	v20 =	vld [tilespmem:s7+$0x130]  }
0x18b: {  	v21 =	vld [tilespmem:s7+$0x140]  }
0x18c: {  	v22 =	vld [tilespmem:s7+$0x150]  }
0x18d: {  	v23 =	vld [tilespmem:s7+$0x160]  }
0x18e: {  	v24 =	vld [tilespmem:s7+$0x170]  }
0x18f: {  	v25 =	vld [tilespmem:s7+$0x180]  }
0x190: {  	v26 =	vld [tilespmem:s7+$0x190]  }
0x191: {  	v27 =	vld [tilespmem:s7+$0x1A0]  }
0x192: {  	v28 =	vld [tilespmem:s7+$0x1B0]  }
0x193: {  	v29 =	vld [tilespmem:s7+$0x1C0]  }
0x194: {  	v30 =	vld [tilespmem:s7+$0x1D0]  }
0x195: {  	v0 =	vld [tilespmem:s7+$0x1E0]  }
0x196: {  	[tilespmem:s7+$0x14500] =	vst.add.f32.msk $0xffff, v1  }
0x197: {  	[tilespmem:s7+$0x14510] =	vst.add.f32.msk $0xffff, v2  }
0x198: {  	[tilespmem:s7+$0x14520] =	vst.add.f32.msk $0xffff, v3  }
0x199: {  	[tilespmem:s7+$0x14530] =	vst.add.f32.msk $0xffff, v4  }
0x19a: {  	[tilespmem:s7+$0x14540] =	vst.add.f32.msk $0xffff, v5  }
0x19b: {  	[tilespmem:s7+$0x14550] =	vst.add.f32.msk $0xffff, v6  }
0x19c: {  	[tilespmem:s7+$0x14560] =	vst.add.f32.msk $0xffff, v7  }
0x19d: {  	[tilespmem:s7+$0x14570] =	vst.add.f32.msk $0xffff, v8  }
0x19e: {  	[tilespmem:s7+$0x14580] =	vst.add.f32.msk $0xffff, v9  }
0x19f: {  	[tilespmem:s7+$0x14590] =	vst.add.f32.msk $0xffff, v10  }
0x1a0: {  	[tilespmem:s7+$0x145A0] =	vst.add.f32.msk $0xffff, v11  }
0x1a1: {  	[tilespmem:s7+$0x145B0] =	vst.add.f32.msk $0xffff, v12  }
0x1a2: {  	[tilespmem:s7+$0x145C0] =	vst.add.f32.msk $0xffff, v13  }
0x1a3: {  	[tilespmem:s7+$0x145D0] =	vst.add.f32.msk $0xffff, v14  }
0x1a4: {  	[tilespmem:s7+$0x145E0] =	vst.add.f32.msk $0xffff, v15  }
0x1a5: {  	[tilespmem:s7+$0x145F0] =	vst.add.f32.msk $0xffff, v16  }
0x1a6: {  	[tilespmem:s7+$0x14600] =	vst.add.f32.msk $0xffff, v17  }
0x1a7: {  	[tilespmem:s7+$0x14610] =	vst.add.f32.msk $0xffff, v18  }
0x1a8: {  	[tilespmem:s7+$0x14620] =	vst.add.f32.msk $0xffff, v19  }
0x1a9: {  	[tilespmem:s7+$0x14630] =	vst.add.f32.msk $0xffff, v20  }
0x1aa: {  	[tilespmem:s7+$0x14640] =	vst.add.f32.msk $0xffff, v21  }
0x1ab: {  	[tilespmem:s7+$0x14650] =	vst.add.f32.msk $0xffff, v22  }
0x1ac: {  	[tilespmem:s7+$0x14660] =	vst.add.f32.msk $0xffff, v23  }
0x1ad: {  	[tilespmem:s7+$0x14670] =	vst.add.f32.msk $0xffff, v24  }
0x1ae: {  	[tilespmem:s7+$0x14680] =	vst.add.f32.msk $0xffff, v25  }
.Ltmp2:
0x1af: {  	[tilespmem:s7+$0x14690] =	vst.add.f32.msk $0xffff, v26;
	(pc) =	sbr.rel @p0 .LBB2_6-.Ltmp2, $4  }
0x1b0: {  	[tilespmem:s7+$0x146A0] =	vst.add.f32.msk $0xffff, v27  }
0x1b1: {  	[tilespmem:s7+$0x146B0] =	vst.add.f32.msk $0xffff, v28  }
0x1b2: {  	[tilespmem:s7+$0x146C0] =	vst.add.f32.msk $0xffff, v29  }
0x1b3: {  	s9 =	sadd.s32 $0x800, s9;
	[tilespmem:s7+$0x146D0] =	vst.add.f32.msk $0xffff, v30  }
0x1b4: {  	[tilespmem:s7+$0x146E0] =	vst.add.f32.msk $0xffff, v0  }
0x1b5: {  	s9 =	simm.s32 $0x0;
	s8 =	rddreg [dreg:$0x6]  }
0x1b6: {  	[hbm4b:s8+s9] =	stream.linear.scatter [tilespmem:s25], [sflag:$0x6], $0x6400, $0x38;
	[tilespmem:$0x1A900] =	vst v63  }
0x1b7: {  	_ =	swait.ge [sflag:s29], $0x6400  }
0x1b8: {  	[sflag:s29] =	ssyncset.done $0x0  }
0x1b9: {  	[sflag:s29] =	ssyncadd.s32 $0xFFFF9C00  }
0x1ba: {  	_ =	swait.ge [sflag:s23], $0x6400  }
0x1bb: {  	[sflag:s23] =	ssyncset.done $0x0  }
0x1bc: {  	s7 =	simm.s32 $0x0;
	s9 =	simm.s32 $0x6A40;
	[sflag:s23] =	ssyncadd.s32 $0xFFFF9C00  }
0x1bd: {  	[tilespmem:s31], [sflag:$0x2] =	stream.indirect.gather [hbm4b:s3+s26], $0x40, s9, s26, $0xb8;
	[tilespmem:$0x1A900] =	vst v63  }
0x1be: {  	v0 =	vld [tilespmem:s7+$0x1F0]  }
0x1bf: {  	v1 =	vld [tilespmem:s7+$0x0]  }
0x1c0: {  	v2 =	vld [tilespmem:s7+$0x10]  }
0x1c1: {  	v3 =	vld [tilespmem:s7+$0x20]  }
0x1c2: {  	v4 =	vld [tilespmem:s7+$0x30]  }
0x1c3: {  	v5 =	vld [tilespmem:s7+$0x40]  }
0x1c4: {  	v6 =	vld [tilespmem:s7+$0x50]  }
0x1c5: {  	v7 =	vld [tilespmem:s7+$0x60]  }
0x1c6: {  	v8 =	vld [tilespmem:s7+$0x70]  }
0x1c7: {  	v9 =	vld [tilespmem:s7+$0x80]  }
0x1c8: {  	v10 =	vld [tilespmem:s7+$0x90]  }
0x1c9: {  	v11 =	vld [tilespmem:s7+$0xA0]  }
0x1ca: {  	v12 =	vld [tilespmem:s7+$0xB0]  }
0x1cb: {  	v13 =	vld [tilespmem:s7+$0xC0]  }
0x1cc: {  	v14 =	vld [tilespmem:s7+$0xD0]  }
0x1cd: {  	v15 =	vld [tilespmem:s7+$0xE0]  }
0x1ce: {  	v16 =	vld [tilespmem:s7+$0xF0]  }
0x1cf: {  	v17 =	vld [tilespmem:s7+$0x100]  }
0x1d0: {  	v18 =	vld [tilespmem:s7+$0x110]  }
0x1d1: {  	v19 =	vld [tilespmem:s7+$0x120]  }
0x1d2: {  	v20 =	vld [tilespmem:s7+$0x130]  }
0x1d3: {  	v21 =	vld [tilespmem:s7+$0x140]  }
0x1d4: {  	v22 =	vld [tilespmem:s7+$0x150]  }
0x1d5: {  	v23 =	vld [tilespmem:s7+$0x160]  }
0x1d6: {  	v24 =	vld [tilespmem:s7+$0x170]  }
0x1d7: {  	v25 =	vld [tilespmem:s7+$0x180]  }
0x1d8: {  	v26 =	vld [tilespmem:s7+$0x190]  }
0x1d9: {  	v27 =	vld [tilespmem:s7+$0x1A0]  }
0x1da: {  	v28 =	vld [tilespmem:s7+$0x1B0]  }
0x1db: {  	v29 =	vld [tilespmem:s7+$0x1C0]  }
0x1dc: {  	v30 =	vld [tilespmem:s7+$0x1D0]  }
0x1dd: {  	[tilespmem:s7+$0x7EF0] =	vst.add.f32.msk $0xffff, v0  }
0x1de: {  	v0 =	vld [tilespmem:s7+$0x1E0]  }
0x1df: {  	[tilespmem:s7+$0x7D00] =	vst.add.f32.msk $0xffff, v1  }
0x1e0: {  	[tilespmem:s7+$0x7D10] =	vst.add.f32.msk $0xffff, v2  }
0x1e1: {  	[tilespmem:s7+$0x7D20] =	vst.add.f32.msk $0xffff, v3  }
0x1e2: {  	[tilespmem:s7+$0x7D30] =	vst.add.f32.msk $0xffff, v4  }
0x1e3: {  	[tilespmem:s7+$0x7D40] =	vst.add.f32.msk $0xffff, v5  }
0x1e4: {  	[tilespmem:s7+$0x7D50] =	vst.add.f32.msk $0xffff, v6  }
0x1e5: {  	[tilespmem:s7+$0x7D60] =	vst.add.f32.msk $0xffff, v7  }
0x1e6: {  	[tilespmem:s7+$0x7D70] =	vst.add.f32.msk $0xffff, v8  }
0x1e7: {  	[tilespmem:s7+$0x7D80] =	vst.add.f32.msk $0xffff, v9  }
0x1e8: {  	[tilespmem:s7+$0x7D90] =	vst.add.f32.msk $0xffff, v10  }
0x1e9: {  	[tilespmem:s7+$0x7DA0] =	vst.add.f32.msk $0xffff, v11  }
0x1ea: {  	[tilespmem:s7+$0x7DB0] =	vst.add.f32.msk $0xffff, v12  }
0x1eb: {  	[tilespmem:s7+$0x7DC0] =	vst.add.f32.msk $0xffff, v13  }
0x1ec: {  	[tilespmem:s7+$0x7DD0] =	vst.add.f32.msk $0xffff, v14  }
0x1ed: {  	[tilespmem:s7+$0x7DE0] =	vst.add.f32.msk $0xffff, v15  }
0x1ee: {  	[tilespmem:s7+$0x7DF0] =	vst.add.f32.msk $0xffff, v16  }
0x1ef: {  	[tilespmem:s7+$0x7E00] =	vst.add.f32.msk $0xffff, v17  }
0x1f0: {  	[tilespmem:s7+$0x7E10] =	vst.add.f32.msk $0xffff, v18  }
0x1f1: {  	[tilespmem:s7+$0x7E20] =	vst.add.f32.msk $0xffff, v19  }
0x1f2: {  	[tilespmem:s7+$0x7E30] =	vst.add.f32.msk $0xffff, v20  }
0x1f3: {  	[tilespmem:s7+$0x7E40] =	vst.add.f32.msk $0xffff, v21  }
0x1f4: {  	[tilespmem:s7+$0x7E50] =	vst.add.f32.msk $0xffff, v22  }
0x1f5: {  	[tilespmem:s7+$0x7E60] =	vst.add.f32.msk $0xffff, v23  }
0x1f6: {  	[tilespmem:s7+$0x7E70] =	vst.add.f32.msk $0xffff, v24  }
0x1f7: {  	[tilespmem:s7+$0x7E80] =	vst.add.f32.msk $0xffff, v25  }
0x1f8: {  	[tilespmem:s7+$0x7E90] =	vst.add.f32.msk $0xffff, v26  }
0x1f9: {  	[tilespmem:s7+$0x7EA0] =	vst.add.f32.msk $0xffff, v27  }
0x1fa: {  	[tilespmem:s7+$0x7EB0] =	vst.add.f32.msk $0xffff, v28  }
0x1fb: {  	[tilespmem:s7+$0x7EC0] =	vst.add.f32.msk $0xffff, v29  }
0x1fc: {  	s8 =	simm.s32 $0x0;
	s9 =	simm.s32 $0x800;
	[tilespmem:s7+$0x7ED0] =	vst.add.f32.msk $0xffff, v30  }
.LBB2_8:
0x1fd: {  	s8 =	sadd.s32 $0x8, s8;
	[tilespmem:s7+$0x7EE0] =	vst.add.f32.msk $0xffff, v0;
	s7 =	sshra.s32 s9, $0x2  }
0x1fe: {  	v0 =	vld [tilespmem:s7+$0x1F0];
	p0 =	slt.u32 s8, $0x188  }
0x1ff: {  	v1 =	vld [tilespmem:s7+$0x0]  }
0x200: {  	v2 =	vld [tilespmem:s7+$0x10]  }
0x201: {  	v3 =	vld [tilespmem:s7+$0x20]  }
0x202: {  	v4 =	vld [tilespmem:s7+$0x30]  }
0x203: {  	[tilespmem:s7+$0x7EF0] =	vst.add.f32.msk $0xffff, v0  }
0x204: {  	v5 =	vld [tilespmem:s7+$0x40]  }
0x205: {  	v6 =	vld [tilespmem:s7+$0x50]  }
0x206: {  	v7 =	vld [tilespmem:s7+$0x60]  }
0x207: {  	v8 =	vld [tilespmem:s7+$0x70]  }
0x208: {  	v9 =	vld [tilespmem:s7+$0x80]  }
0x209: {  	v10 =	vld [tilespmem:s7+$0x90]  }
0x20a: {  	v11 =	vld [tilespmem:s7+$0xA0]  }
0x20b: {  	v12 =	vld [tilespmem:s7+$0xB0]  }
0x20c: {  	v13 =	vld [tilespmem:s7+$0xC0]  }
0x20d: {  	v14 =	vld [tilespmem:s7+$0xD0]  }
0x20e: {  	v15 =	vld [tilespmem:s7+$0xE0]  }
0x20f: {  	v16 =	vld [tilespmem:s7+$0xF0]  }
0x210: {  	v17 =	vld [tilespmem:s7+$0x100]  }
0x211: {  	v18 =	vld [tilespmem:s7+$0x110]  }
0x212: {  	v19 =	vld [tilespmem:s7+$0x120]  }
0x213: {  	v20 =	vld [tilespmem:s7+$0x130]  }
0x214: {  	v21 =	vld [tilespmem:s7+$0x140]  }
0x215: {  	v22 =	vld [tilespmem:s7+$0x150]  }
0x216: {  	v23 =	vld [tilespmem:s7+$0x160]  }
0x217: {  	v24 =	vld [tilespmem:s7+$0x170]  }
0x218: {  	v25 =	vld [tilespmem:s7+$0x180]  }
0x219: {  	v26 =	vld [tilespmem:s7+$0x190]  }
0x21a: {  	v27 =	vld [tilespmem:s7+$0x1A0]  }
0x21b: {  	v28 =	vld [tilespmem:s7+$0x1B0]  }
0x21c: {  	v29 =	vld [tilespmem:s7+$0x1C0]  }
0x21d: {  	v30 =	vld [tilespmem:s7+$0x1D0]  }
0x21e: {  	v0 =	vld [tilespmem:s7+$0x1E0]  }
0x21f: {  	[tilespmem:s7+$0x7D00] =	vst.add.f32.msk $0xffff, v1  }
0x220: {  	[tilespmem:s7+$0x7D10] =	vst.add.f32.msk $0xffff, v2  }
0x221: {  	[tilespmem:s7+$0x7D20] =	vst.add.f32.msk $0xffff, v3  }
0x222: {  	[tilespmem:s7+$0x7D30] =	vst.add.f32.msk $0xffff, v4  }
0x223: {  	[tilespmem:s7+$0x7D40] =	vst.add.f32.msk $0xffff, v5  }
0x224: {  	[tilespmem:s7+$0x7D50] =	vst.add.f32.msk $0xffff, v6  }
0x225: {  	[tilespmem:s7+$0x7D60] =	vst.add.f32.msk $0xffff, v7  }
0x226: {  	[tilespmem:s7+$0x7D70] =	vst.add.f32.msk $0xffff, v8  }
0x227: {  	[tilespmem:s7+$0x7D80] =	vst.add.f32.msk $0xffff, v9  }
0x228: {  	[tilespmem:s7+$0x7D90] =	vst.add.f32.msk $0xffff, v10  }
0x229: {  	[tilespmem:s7+$0x7DA0] =	vst.add.f32.msk $0xffff, v11  }
0x22a: {  	[tilespmem:s7+$0x7DB0] =	vst.add.f32.msk $0xffff, v12  }
0x22b: {  	[tilespmem:s7+$0x7DC0] =	vst.add.f32.msk $0xffff, v13  }
0x22c: {  	[tilespmem:s7+$0x7DD0] =	vst.add.f32.msk $0xffff, v14  }
0x22d: {  	[tilespmem:s7+$0x7DE0] =	vst.add.f32.msk $0xffff, v15  }
0x22e: {  	[tilespmem:s7+$0x7DF0] =	vst.add.f32.msk $0xffff, v16  }
0x22f: {  	[tilespmem:s7+$0x7E00] =	vst.add.f32.msk $0xffff, v17  }
0x230: {  	[tilespmem:s7+$0x7E10] =	vst.add.f32.msk $0xffff, v18  }
0x231: {  	[tilespmem:s7+$0x7E20] =	vst.add.f32.msk $0xffff, v19  }
0x232: {  	[tilespmem:s7+$0x7E30] =	vst.add.f32.msk $0xffff, v20  }
0x233: {  	[tilespmem:s7+$0x7E40] =	vst.add.f32.msk $0xffff, v21  }
0x234: {  	[tilespmem:s7+$0x7E50] =	vst.add.f32.msk $0xffff, v22  }
0x235: {  	[tilespmem:s7+$0x7E60] =	vst.add.f32.msk $0xffff, v23  }
0x236: {  	[tilespmem:s7+$0x7E70] =	vst.add.f32.msk $0xffff, v24  }
0x237: {  	[tilespmem:s7+$0x7E80] =	vst.add.f32.msk $0xffff, v25  }
.Ltmp3:
0x238: {  	[tilespmem:s7+$0x7E90] =	vst.add.f32.msk $0xffff, v26;
	(pc) =	sbr.rel @p0 .LBB2_8-.Ltmp3, $4  }
0x239: {  	[tilespmem:s7+$0x7EA0] =	vst.add.f32.msk $0xffff, v27  }
0x23a: {  	[tilespmem:s7+$0x7EB0] =	vst.add.f32.msk $0xffff, v28  }
0x23b: {  	[tilespmem:s7+$0x7EC0] =	vst.add.f32.msk $0xffff, v29  }
0x23c: {  	s9 =	sadd.s32 $0x800, s9;
	[tilespmem:s7+$0x7ED0] =	vst.add.f32.msk $0xffff, v30  }
0x23d: {  	[tilespmem:s7+$0x7EE0] =	vst.add.f32.msk $0xffff, v0  }
0x23e: {  	s9 =	simm.s32 $0x0;
	s8 =	rddreg [dreg:$0x7]  }
0x23f: {  	[hbm4b:s8+s9] =	stream.linear.scatter [tilespmem:s28], [sflag:$0x4], $0x6400, $0x38;
	[tilespmem:$0x1A900] =	vst v63  }
0x240: {  	_ =	swait.ge [sflag:s1], $0x6400  }
0x241: {  	[sflag:s1] =	ssyncset.done $0x0  }
0x242: {  	[sflag:s1] =	ssyncadd.s32 $0xFFFF9C00  }
0x243: {  	_ =	swait.ge [sflag:s5], $0x6400  }
0x244: {  	[sflag:s5] =	ssyncset.done $0x0  }
0x245: {  	s7 =	simm.s32 $0x0;
	s9 =	simm.s32 $0x6BD0;
	[sflag:s5] =	ssyncadd.s32 $0xFFFF9C00  }
0x246: {  	[tilespmem:s25], [sflag:$0x3] =	stream.indirect.gather [hbm4b:s3+s26], $0x40, s9, s26, $0xb8;
	[tilespmem:$0x1A900] =	vst v63  }
0x247: {  	v0 =	vld [tilespmem:s7+$0x1F0]  }
0x248: {  	v1 =	vld [tilespmem:s7+$0x0]  }
0x249: {  	v2 =	vld [tilespmem:s7+$0x10]  }
0x24a: {  	v3 =	vld [tilespmem:s7+$0x20]  }
0x24b: {  	v4 =	vld [tilespmem:s7+$0x30]  }
0x24c: {  	v5 =	vld [tilespmem:s7+$0x40]  }
0x24d: {  	v6 =	vld [tilespmem:s7+$0x50]  }
0x24e: {  	v7 =	vld [tilespmem:s7+$0x60]  }
0x24f: {  	v8 =	vld [tilespmem:s7+$0x70]  }
0x250: {  	v9 =	vld [tilespmem:s7+$0x80]  }
0x251: {  	v10 =	vld [tilespmem:s7+$0x90]  }
0x252: {  	v11 =	vld [tilespmem:s7+$0xA0]  }
0x253: {  	v12 =	vld [tilespmem:s7+$0xB0]  }
0x254: {  	v13 =	vld [tilespmem:s7+$0xC0]  }
0x255: {  	v14 =	vld [tilespmem:s7+$0xD0]  }
0x256: {  	v15 =	vld [tilespmem:s7+$0xE0]  }
0x257: {  	v16 =	vld [tilespmem:s7+$0xF0]  }
0x258: {  	v17 =	vld [tilespmem:s7+$0x100]  }
0x259: {  	v18 =	vld [tilespmem:s7+$0x110]  }
0x25a: {  	v19 =	vld [tilespmem:s7+$0x120]  }
0x25b: {  	v20 =	vld [tilespmem:s7+$0x130]  }
0x25c: {  	v21 =	vld [tilespmem:s7+$0x140]  }
0x25d: {  	v22 =	vld [tilespmem:s7+$0x150]  }
0x25e: {  	v23 =	vld [tilespmem:s7+$0x160]  }
0x25f: {  	v24 =	vld [tilespmem:s7+$0x170]  }
0x260: {  	v25 =	vld [tilespmem:s7+$0x180]  }
0x261: {  	v26 =	vld [tilespmem:s7+$0x190]  }
0x262: {  	v27 =	vld [tilespmem:s7+$0x1A0]  }
0x263: {  	v28 =	vld [tilespmem:s7+$0x1B0]  }
0x264: {  	v29 =	vld [tilespmem:s7+$0x1C0]  }
0x265: {  	v30 =	vld [tilespmem:s7+$0x1D0]  }
0x266: {  	[tilespmem:s7+$0xE2F0] =	vst.add.f32.msk $0xffff, v0  }
0x267: {  	v0 =	vld [tilespmem:s7+$0x1E0]  }
0x268: {  	[tilespmem:s7+$0xE100] =	vst.add.f32.msk $0xffff, v1  }
0x269: {  	[tilespmem:s7+$0xE110] =	vst.add.f32.msk $0xffff, v2  }
0x26a: {  	[tilespmem:s7+$0xE120] =	vst.add.f32.msk $0xffff, v3  }
0x26b: {  	[tilespmem:s7+$0xE130] =	vst.add.f32.msk $0xffff, v4  }
0x26c: {  	[tilespmem:s7+$0xE140] =	vst.add.f32.msk $0xffff, v5  }
0x26d: {  	[tilespmem:s7+$0xE150] =	vst.add.f32.msk $0xffff, v6  }
0x26e: {  	[tilespmem:s7+$0xE160] =	vst.add.f32.msk $0xffff, v7  }
0x26f: {  	[tilespmem:s7+$0xE170] =	vst.add.f32.msk $0xffff, v8  }
0x270: {  	[tilespmem:s7+$0xE180] =	vst.add.f32.msk $0xffff, v9  }
0x271: {  	[tilespmem:s7+$0xE190] =	vst.add.f32.msk $0xffff, v10  }
0x272: {  	[tilespmem:s7+$0xE1A0] =	vst.add.f32.msk $0xffff, v11  }
0x273: {  	[tilespmem:s7+$0xE1B0] =	vst.add.f32.msk $0xffff, v12  }
0x274: {  	[tilespmem:s7+$0xE1C0] =	vst.add.f32.msk $0xffff, v13  }
0x275: {  	[tilespmem:s7+$0xE1D0] =	vst.add.f32.msk $0xffff, v14  }
0x276: {  	[tilespmem:s7+$0xE1E0] =	vst.add.f32.msk $0xffff, v15  }
0x277: {  	[tilespmem:s7+$0xE1F0] =	vst.add.f32.msk $0xffff, v16  }
0x278: {  	[tilespmem:s7+$0xE200] =	vst.add.f32.msk $0xffff, v17  }
0x279: {  	[tilespmem:s7+$0xE210] =	vst.add.f32.msk $0xffff, v18  }
0x27a: {  	[tilespmem:s7+$0xE220] =	vst.add.f32.msk $0xffff, v19  }
0x27b: {  	[tilespmem:s7+$0xE230] =	vst.add.f32.msk $0xffff, v20  }
0x27c: {  	[tilespmem:s7+$0xE240] =	vst.add.f32.msk $0xffff, v21  }
0x27d: {  	[tilespmem:s7+$0xE250] =	vst.add.f32.msk $0xffff, v22  }
0x27e: {  	[tilespmem:s7+$0xE260] =	vst.add.f32.msk $0xffff, v23  }
0x27f: {  	[tilespmem:s7+$0xE270] =	vst.add.f32.msk $0xffff, v24  }
0x280: {  	[tilespmem:s7+$0xE280] =	vst.add.f32.msk $0xffff, v25  }
0x281: {  	[tilespmem:s7+$0xE290] =	vst.add.f32.msk $0xffff, v26  }
0x282: {  	[tilespmem:s7+$0xE2A0] =	vst.add.f32.msk $0xffff, v27  }
0x283: {  	[tilespmem:s7+$0xE2B0] =	vst.add.f32.msk $0xffff, v28  }
0x284: {  	[tilespmem:s7+$0xE2C0] =	vst.add.f32.msk $0xffff, v29  }
0x285: {  	s8 =	simm.s32 $0x0;
	s9 =	simm.s32 $0x800;
	[tilespmem:s7+$0xE2D0] =	vst.add.f32.msk $0xffff, v30  }
.LBB2_10:
0x286: {  	s8 =	sadd.s32 $0x8, s8;
	[tilespmem:s7+$0xE2E0] =	vst.add.f32.msk $0xffff, v0;
	s7 =	sshra.s32 s9, $0x2  }
0x287: {  	v0 =	vld [tilespmem:s7+$0x1F0];
	p0 =	slt.u32 s8, $0x188  }
0x288: {  	v1 =	vld [tilespmem:s7+$0x0]  }
0x289: {  	v2 =	vld [tilespmem:s7+$0x10]  }
0x28a: {  	v3 =	vld [tilespmem:s7+$0x20]  }
0x28b: {  	v4 =	vld [tilespmem:s7+$0x30]  }
0x28c: {  	[tilespmem:s7+$0xE2F0] =	vst.add.f32.msk $0xffff, v0  }
0x28d: {  	v5 =	vld [tilespmem:s7+$0x40]  }
0x28e: {  	v6 =	vld [tilespmem:s7+$0x50]  }
0x28f: {  	v7 =	vld [tilespmem:s7+$0x60]  }
0x290: {  	v8 =	vld [tilespmem:s7+$0x70]  }
0x291: {  	v9 =	vld [tilespmem:s7+$0x80]  }
0x292: {  	v10 =	vld [tilespmem:s7+$0x90]  }
0x293: {  	v11 =	vld [tilespmem:s7+$0xA0]  }
0x294: {  	v12 =	vld [tilespmem:s7+$0xB0]  }
0x295: {  	v13 =	vld [tilespmem:s7+$0xC0]  }
0x296: {  	v14 =	vld [tilespmem:s7+$0xD0]  }
0x297: {  	v15 =	vld [tilespmem:s7+$0xE0]  }
0x298: {  	v16 =	vld [tilespmem:s7+$0xF0]  }
0x299: {  	v17 =	vld [tilespmem:s7+$0x100]  }
0x29a: {  	v18 =	vld [tilespmem:s7+$0x110]  }
0x29b: {  	v19 =	vld [tilespmem:s7+$0x120]  }
0x29c: {  	v20 =	vld [tilespmem:s7+$0x130]  }
0x29d: {  	v21 =	vld [tilespmem:s7+$0x140]  }
0x29e: {  	v22 =	vld [tilespmem:s7+$0x150]  }
0x29f: {  	v23 =	vld [tilespmem:s7+$0x160]  }
0x2a0: {  	v24 =	vld [tilespmem:s7+$0x170]  }
0x2a1: {  	v25 =	vld [tilespmem:s7+$0x180]  }
0x2a2: {  	v26 =	vld [tilespmem:s7+$0x190]  }
0x2a3: {  	v27 =	vld [tilespmem:s7+$0x1A0]  }
0x2a4: {  	v28 =	vld [tilespmem:s7+$0x1B0]  }
0x2a5: {  	v29 =	vld [tilespmem:s7+$0x1C0]  }
0x2a6: {  	v30 =	vld [tilespmem:s7+$0x1D0]  }
0x2a7: {  	v0 =	vld [tilespmem:s7+$0x1E0]  }
0x2a8: {  	[tilespmem:s7+$0xE100] =	vst.add.f32.msk $0xffff, v1  }
0x2a9: {  	[tilespmem:s7+$0xE110] =	vst.add.f32.msk $0xffff, v2  }
0x2aa: {  	[tilespmem:s7+$0xE120] =	vst.add.f32.msk $0xffff, v3  }
0x2ab: {  	[tilespmem:s7+$0xE130] =	vst.add.f32.msk $0xffff, v4  }
0x2ac: {  	[tilespmem:s7+$0xE140] =	vst.add.f32.msk $0xffff, v5  }
0x2ad: {  	[tilespmem:s7+$0xE150] =	vst.add.f32.msk $0xffff, v6  }
0x2ae: {  	[tilespmem:s7+$0xE160] =	vst.add.f32.msk $0xffff, v7  }
0x2af: {  	[tilespmem:s7+$0xE170] =	vst.add.f32.msk $0xffff, v8  }
0x2b0: {  	[tilespmem:s7+$0xE180] =	vst.add.f32.msk $0xffff, v9  }
0x2b1: {  	[tilespmem:s7+$0xE190] =	vst.add.f32.msk $0xffff, v10  }
0x2b2: {  	[tilespmem:s7+$0xE1A0] =	vst.add.f32.msk $0xffff, v11  }
0x2b3: {  	[tilespmem:s7+$0xE1B0] =	vst.add.f32.msk $0xffff, v12  }
0x2b4: {  	[tilespmem:s7+$0xE1C0] =	vst.add.f32.msk $0xffff, v13  }
0x2b5: {  	[tilespmem:s7+$0xE1D0] =	vst.add.f32.msk $0xffff, v14  }
0x2b6: {  	[tilespmem:s7+$0xE1E0] =	vst.add.f32.msk $0xffff, v15  }
0x2b7: {  	[tilespmem:s7+$0xE1F0] =	vst.add.f32.msk $0xffff, v16  }
0x2b8: {  	[tilespmem:s7+$0xE200] =	vst.add.f32.msk $0xffff, v17  }
0x2b9: {  	[tilespmem:s7+$0xE210] =	vst.add.f32.msk $0xffff, v18  }
0x2ba: {  	[tilespmem:s7+$0xE220] =	vst.add.f32.msk $0xffff, v19  }
0x2bb: {  	[tilespmem:s7+$0xE230] =	vst.add.f32.msk $0xffff, v20  }
0x2bc: {  	[tilespmem:s7+$0xE240] =	vst.add.f32.msk $0xffff, v21  }
0x2bd: {  	[tilespmem:s7+$0xE250] =	vst.add.f32.msk $0xffff, v22  }
0x2be: {  	[tilespmem:s7+$0xE260] =	vst.add.f32.msk $0xffff, v23  }
0x2bf: {  	[tilespmem:s7+$0xE270] =	vst.add.f32.msk $0xffff, v24  }
0x2c0: {  	[tilespmem:s7+$0xE280] =	vst.add.f32.msk $0xffff, v25  }
.Ltmp4:
0x2c1: {  	[tilespmem:s7+$0xE290] =	vst.add.f32.msk $0xffff, v26;
	(pc) =	sbr.rel @p0 .LBB2_10-.Ltmp4, $4  }
0x2c2: {  	[tilespmem:s7+$0xE2A0] =	vst.add.f32.msk $0xffff, v27  }
0x2c3: {  	[tilespmem:s7+$0xE2B0] =	vst.add.f32.msk $0xffff, v28  }
0x2c4: {  	[tilespmem:s7+$0xE2C0] =	vst.add.f32.msk $0xffff, v29  }
0x2c5: {  	s9 =	sadd.s32 $0x800, s9;
	[tilespmem:s7+$0xE2D0] =	vst.add.f32.msk $0xffff, v30  }
0x2c6: {  	[tilespmem:s7+$0xE2E0] =	vst.add.f32.msk $0xffff, v0;
	s8 =	simm.s32 $0x0  }
0x2c7: {  	[hbm4b:s10+s8] =	stream.linear.scatter [tilespmem:s31], [sflag:$0x5], $0x6400, $0x38;
	[tilespmem:$0x1A900] =	vst v63  }
0x2c8: {  	_ =	swait.ge [sflag:s30], $0x6400  }
0x2c9: {  	[sflag:s30] =	ssyncset.done $0x0  }
0x2ca: {  	[sflag:s30] =	ssyncadd.s32 $0xFFFF9C00  }
0x2cb: {  	_ =	swait.ge [sflag:s0], $0x6400  }
0x2cc: {  	[sflag:s0] =	ssyncset.done $0x0  }
0x2cd: {  	s9 =	simm.s32 $0x6D60;
	s7 =	simm.s32 $0x0;
	[sflag:s0] =	ssyncadd.s32 $0xFFFF9C00  }
0x2ce: {  	[tilespmem:s28], [sflag:$0x1] =	stream.indirect.gather [hbm4b:s3+s26], $0x40, s9, s26, $0xb8;
	[tilespmem:$0x1A900] =	vst v63  }
0x2cf: {  	v0 =	vld [tilespmem:s7+$0x1F0]  }
0x2d0: {  	v1 =	vld [tilespmem:s7+$0x0]  }
0x2d1: {  	v2 =	vld [tilespmem:s7+$0x10]  }
0x2d2: {  	v3 =	vld [tilespmem:s7+$0x20]  }
0x2d3: {  	v4 =	vld [tilespmem:s7+$0x30]  }
0x2d4: {  	v5 =	vld [tilespmem:s7+$0x40]  }
0x2d5: {  	v6 =	vld [tilespmem:s7+$0x50]  }
0x2d6: {  	v7 =	vld [tilespmem:s7+$0x60]  }
0x2d7: {  	v8 =	vld [tilespmem:s7+$0x70]  }
0x2d8: {  	v9 =	vld [tilespmem:s7+$0x80]  }
0x2d9: {  	v10 =	vld [tilespmem:s7+$0x90]  }
0x2da: {  	v11 =	vld [tilespmem:s7+$0xA0]  }
0x2db: {  	v12 =	vld [tilespmem:s7+$0xB0]  }
0x2dc: {  	v13 =	vld [tilespmem:s7+$0xC0]  }
0x2dd: {  	v14 =	vld [tilespmem:s7+$0xD0]  }
0x2de: {  	v15 =	vld [tilespmem:s7+$0xE0]  }
0x2df: {  	v16 =	vld [tilespmem:s7+$0xF0]  }
0x2e0: {  	v17 =	vld [tilespmem:s7+$0x100]  }
0x2e1: {  	v18 =	vld [tilespmem:s7+$0x110]  }
0x2e2: {  	v19 =	vld [tilespmem:s7+$0x120]  }
0x2e3: {  	v20 =	vld [tilespmem:s7+$0x130]  }
0x2e4: {  	v21 =	vld [tilespmem:s7+$0x140]  }
0x2e5: {  	v22 =	vld [tilespmem:s7+$0x150]  }
0x2e6: {  	v23 =	vld [tilespmem:s7+$0x160]  }
0x2e7: {  	v24 =	vld [tilespmem:s7+$0x170]  }
0x2e8: {  	v25 =	vld [tilespmem:s7+$0x180]  }
0x2e9: {  	v26 =	vld [tilespmem:s7+$0x190]  }
0x2ea: {  	v27 =	vld [tilespmem:s7+$0x1A0]  }
0x2eb: {  	v28 =	vld [tilespmem:s7+$0x1B0]  }
0x2ec: {  	v29 =	vld [tilespmem:s7+$0x1C0]  }
0x2ed: {  	v30 =	vld [tilespmem:s7+$0x1D0]  }
0x2ee: {  	[tilespmem:s7+$0x146F0] =	vst.add.f32.msk $0xffff, v0  }
0x2ef: {  	v0 =	vld [tilespmem:s7+$0x1E0]  }
0x2f0: {  	[tilespmem:s7+$0x14500] =	vst.add.f32.msk $0xffff, v1  }
0x2f1: {  	[tilespmem:s7+$0x14510] =	vst.add.f32.msk $0xffff, v2  }
0x2f2: {  	[tilespmem:s7+$0x14520] =	vst.add.f32.msk $0xffff, v3  }
0x2f3: {  	[tilespmem:s7+$0x14530] =	vst.add.f32.msk $0xffff, v4  }
0x2f4: {  	[tilespmem:s7+$0x14540] =	vst.add.f32.msk $0xffff, v5  }
0x2f5: {  	[tilespmem:s7+$0x14550] =	vst.add.f32.msk $0xffff, v6  }
0x2f6: {  	[tilespmem:s7+$0x14560] =	vst.add.f32.msk $0xffff, v7  }
0x2f7: {  	[tilespmem:s7+$0x14570] =	vst.add.f32.msk $0xffff, v8  }
0x2f8: {  	[tilespmem:s7+$0x14580] =	vst.add.f32.msk $0xffff, v9  }
0x2f9: {  	[tilespmem:s7+$0x14590] =	vst.add.f32.msk $0xffff, v10  }
0x2fa: {  	[tilespmem:s7+$0x145A0] =	vst.add.f32.msk $0xffff, v11  }
0x2fb: {  	[tilespmem:s7+$0x145B0] =	vst.add.f32.msk $0xffff, v12  }
0x2fc: {  	[tilespmem:s7+$0x145C0] =	vst.add.f32.msk $0xffff, v13  }
0x2fd: {  	[tilespmem:s7+$0x145D0] =	vst.add.f32.msk $0xffff, v14  }
0x2fe: {  	[tilespmem:s7+$0x145E0] =	vst.add.f32.msk $0xffff, v15  }
0x2ff: {  	[tilespmem:s7+$0x145F0] =	vst.add.f32.msk $0xffff, v16  }
0x300: {  	[tilespmem:s7+$0x14600] =	vst.add.f32.msk $0xffff, v17  }
0x301: {  	[tilespmem:s7+$0x14610] =	vst.add.f32.msk $0xffff, v18  }
0x302: {  	[tilespmem:s7+$0x14620] =	vst.add.f32.msk $0xffff, v19  }
0x303: {  	[tilespmem:s7+$0x14630] =	vst.add.f32.msk $0xffff, v20  }
0x304: {  	[tilespmem:s7+$0x14640] =	vst.add.f32.msk $0xffff, v21  }
0x305: {  	[tilespmem:s7+$0x14650] =	vst.add.f32.msk $0xffff, v22  }
0x306: {  	[tilespmem:s7+$0x14660] =	vst.add.f32.msk $0xffff, v23  }
0x307: {  	[tilespmem:s7+$0x14670] =	vst.add.f32.msk $0xffff, v24  }
0x308: {  	[tilespmem:s7+$0x14680] =	vst.add.f32.msk $0xffff, v25  }
0x309: {  	[tilespmem:s7+$0x14690] =	vst.add.f32.msk $0xffff, v26  }
0x30a: {  	[tilespmem:s7+$0x146A0] =	vst.add.f32.msk $0xffff, v27  }
0x30b: {  	[tilespmem:s7+$0x146B0] =	vst.add.f32.msk $0xffff, v28  }
0x30c: {  	[tilespmem:s7+$0x146C0] =	vst.add.f32.msk $0xffff, v29  }
0x30d: {  	s8 =	simm.s32 $0x0;
	s9 =	simm.s32 $0x800;
	[tilespmem:s7+$0x146D0] =	vst.add.f32.msk $0xffff, v30  }
.LBB2_12:
0x30e: {  	s8 =	sadd.s32 $0x8, s8;
	[tilespmem:s7+$0x146E0] =	vst.add.f32.msk $0xffff, v0;
	s7 =	sshra.s32 s9, $0x2  }
0x30f: {  	v0 =	vld [tilespmem:s7+$0x1F0];
	p0 =	slt.u32 s8, $0x188  }
0x310: {  	v1 =	vld [tilespmem:s7+$0x0]  }
0x311: {  	v2 =	vld [tilespmem:s7+$0x10]  }
0x312: {  	v3 =	vld [tilespmem:s7+$0x20]  }
0x313: {  	v4 =	vld [tilespmem:s7+$0x30]  }
0x314: {  	[tilespmem:s7+$0x146F0] =	vst.add.f32.msk $0xffff, v0  }
0x315: {  	v5 =	vld [tilespmem:s7+$0x40]  }
0x316: {  	v6 =	vld [tilespmem:s7+$0x50]  }
0x317: {  	v7 =	vld [tilespmem:s7+$0x60]  }
0x318: {  	v8 =	vld [tilespmem:s7+$0x70]  }
0x319: {  	v9 =	vld [tilespmem:s7+$0x80]  }
0x31a: {  	v10 =	vld [tilespmem:s7+$0x90]  }
0x31b: {  	v11 =	vld [tilespmem:s7+$0xA0]  }
0x31c: {  	v12 =	vld [tilespmem:s7+$0xB0]  }
0x31d: {  	v13 =	vld [tilespmem:s7+$0xC0]  }
0x31e: {  	v14 =	vld [tilespmem:s7+$0xD0]  }
0x31f: {  	v15 =	vld [tilespmem:s7+$0xE0]  }
0x320: {  	v16 =	vld [tilespmem:s7+$0xF0]  }
0x321: {  	v17 =	vld [tilespmem:s7+$0x100]  }
0x322: {  	v18 =	vld [tilespmem:s7+$0x110]  }
0x323: {  	v19 =	vld [tilespmem:s7+$0x120]  }
0x324: {  	v20 =	vld [tilespmem:s7+$0x130]  }
0x325: {  	v21 =	vld [tilespmem:s7+$0x140]  }
0x326: {  	v22 =	vld [tilespmem:s7+$0x150]  }
0x327: {  	v23 =	vld [tilespmem:s7+$0x160]  }
0x328: {  	v24 =	vld [tilespmem:s7+$0x170]  }
0x329: {  	v25 =	vld [tilespmem:s7+$0x180]  }
0x32a: {  	v26 =	vld [tilespmem:s7+$0x190]  }
0x32b: {  	v27 =	vld [tilespmem:s7+$0x1A0]  }
0x32c: {  	v28 =	vld [tilespmem:s7+$0x1B0]  }
0x32d: {  	v29 =	vld [tilespmem:s7+$0x1C0]  }
0x32e: {  	v30 =	vld [tilespmem:s7+$0x1D0]  }
0x32f: {  	v0 =	vld [tilespmem:s7+$0x1E0]  }
0x330: {  	[tilespmem:s7+$0x14500] =	vst.add.f32.msk $0xffff, v1  }
0x331: {  	[tilespmem:s7+$0x14510] =	vst.add.f32.msk $0xffff, v2  }
0x332: {  	[tilespmem:s7+$0x14520] =	vst.add.f32.msk $0xffff, v3  }
0x333: {  	[tilespmem:s7+$0x14530] =	vst.add.f32.msk $0xffff, v4  }
0x334: {  	[tilespmem:s7+$0x14540] =	vst.add.f32.msk $0xffff, v5  }
0x335: {  	[tilespmem:s7+$0x14550] =	vst.add.f32.msk $0xffff, v6  }
0x336: {  	[tilespmem:s7+$0x14560] =	vst.add.f32.msk $0xffff, v7  }
0x337: {  	[tilespmem:s7+$0x14570] =	vst.add.f32.msk $0xffff, v8  }
0x338: {  	[tilespmem:s7+$0x14580] =	vst.add.f32.msk $0xffff, v9  }
0x339: {  	[tilespmem:s7+$0x14590] =	vst.add.f32.msk $0xffff, v10  }
0x33a: {  	[tilespmem:s7+$0x145A0] =	vst.add.f32.msk $0xffff, v11  }
0x33b: {  	[tilespmem:s7+$0x145B0] =	vst.add.f32.msk $0xffff, v12  }
0x33c: {  	[tilespmem:s7+$0x145C0] =	vst.add.f32.msk $0xffff, v13  }
0x33d: {  	[tilespmem:s7+$0x145D0] =	vst.add.f32.msk $0xffff, v14  }
0x33e: {  	[tilespmem:s7+$0x145E0] =	vst.add.f32.msk $0xffff, v15  }
0x33f: {  	[tilespmem:s7+$0x145F0] =	vst.add.f32.msk $0xffff, v16  }
0x340: {  	[tilespmem:s7+$0x14600] =	vst.add.f32.msk $0xffff, v17  }
0x341: {  	[tilespmem:s7+$0x14610] =	vst.add.f32.msk $0xffff, v18  }
0x342: {  	[tilespmem:s7+$0x14620] =	vst.add.f32.msk $0xffff, v19  }
0x343: {  	[tilespmem:s7+$0x14630] =	vst.add.f32.msk $0xffff, v20  }
0x344: {  	[tilespmem:s7+$0x14640] =	vst.add.f32.msk $0xffff, v21  }
0x345: {  	[tilespmem:s7+$0x14650] =	vst.add.f32.msk $0xffff, v22  }
0x346: {  	[tilespmem:s7+$0x14660] =	vst.add.f32.msk $0xffff, v23  }
0x347: {  	[tilespmem:s7+$0x14670] =	vst.add.f32.msk $0xffff, v24  }
0x348: {  	[tilespmem:s7+$0x14680] =	vst.add.f32.msk $0xffff, v25  }
.Ltmp5:
0x349: {  	[tilespmem:s7+$0x14690] =	vst.add.f32.msk $0xffff, v26;
	(pc) =	sbr.rel @p0 .LBB2_12-.Ltmp5, $4  }
0x34a: {  	[tilespmem:s7+$0x146A0] =	vst.add.f32.msk $0xffff, v27  }
0x34b: {  	[tilespmem:s7+$0x146B0] =	vst.add.f32.msk $0xffff, v28  }
0x34c: {  	[tilespmem:s7+$0x146C0] =	vst.add.f32.msk $0xffff, v29  }
0x34d: {  	s9 =	sadd.s32 $0x800, s9;
	[tilespmem:s7+$0x146D0] =	vst.add.f32.msk $0xffff, v30  }
0x34e: {  	[tilespmem:s7+$0x146E0] =	vst.add.f32.msk $0xffff, v0;
	s8 =	simm.s32 $0x0  }
0x34f: {  	[hbm4b:s11+s8] =	stream.linear.scatter [tilespmem:s25], [sflag:$0x6], $0x6400, $0x38;
	[tilespmem:$0x1A900] =	vst v63  }
0x350: {  	_ =	swait.ge [sflag:s29], $0x6400  }
0x351: {  	[sflag:s29] =	ssyncset.done $0x0  }
0x352: {  	[sflag:s29] =	ssyncadd.s32 $0xFFFF9C00  }
0x353: {  	_ =	swait.ge [sflag:s23], $0x6400  }
0x354: {  	[sflag:s23] =	ssyncset.done $0x0  }
0x355: {  	s9 =	simm.s32 $0x6EF0;
	s7 =	simm.s32 $0x0;
	[sflag:s23] =	ssyncadd.s32 $0xFFFF9C00  }
0x356: {  	[tilespmem:s31], [sflag:$0x2] =	stream.indirect.gather [hbm4b:s3+s26], $0x40, s9, s26, $0xb8;
	[tilespmem:$0x1A900] =	vst v63  }
0x357: {  	v0 =	vld [tilespmem:s7+$0x1F0]  }
0x358: {  	v1 =	vld [tilespmem:s7+$0x0]  }
0x359: {  	v2 =	vld [tilespmem:s7+$0x10]  }
0x35a: {  	v3 =	vld [tilespmem:s7+$0x20]  }
0x35b: {  	v4 =	vld [tilespmem:s7+$0x30]  }
0x35c: {  	v5 =	vld [tilespmem:s7+$0x40]  }
0x35d: {  	v6 =	vld [tilespmem:s7+$0x50]  }
0x35e: {  	v7 =	vld [tilespmem:s7+$0x60]  }
0x35f: {  	v8 =	vld [tilespmem:s7+$0x70]  }
0x360: {  	v9 =	vld [tilespmem:s7+$0x80]  }
0x361: {  	v10 =	vld [tilespmem:s7+$0x90]  }
0x362: {  	v11 =	vld [tilespmem:s7+$0xA0]  }
0x363: {  	v12 =	vld [tilespmem:s7+$0xB0]  }
0x364: {  	v13 =	vld [tilespmem:s7+$0xC0]  }
0x365: {  	v14 =	vld [tilespmem:s7+$0xD0]  }
0x366: {  	v15 =	vld [tilespmem:s7+$0xE0]  }
0x367: {  	v16 =	vld [tilespmem:s7+$0xF0]  }
0x368: {  	v17 =	vld [tilespmem:s7+$0x100]  }
0x369: {  	v18 =	vld [tilespmem:s7+$0x110]  }
0x36a: {  	v19 =	vld [tilespmem:s7+$0x120]  }
0x36b: {  	v20 =	vld [tilespmem:s7+$0x130]  }
0x36c: {  	v21 =	vld [tilespmem:s7+$0x140]  }
0x36d: {  	v22 =	vld [tilespmem:s7+$0x150]  }
0x36e: {  	v23 =	vld [tilespmem:s7+$0x160]  }
0x36f: {  	v24 =	vld [tilespmem:s7+$0x170]  }
0x370: {  	v25 =	vld [tilespmem:s7+$0x180]  }
0x371: {  	v26 =	vld [tilespmem:s7+$0x190]  }
0x372: {  	v27 =	vld [tilespmem:s7+$0x1A0]  }
0x373: {  	v28 =	vld [tilespmem:s7+$0x1B0]  }
0x374: {  	v29 =	vld [tilespmem:s7+$0x1C0]  }
0x375: {  	v30 =	vld [tilespmem:s7+$0x1D0]  }
0x376: {  	[tilespmem:s7+$0x7EF0] =	vst.add.f32.msk $0xffff, v0  }
0x377: {  	v0 =	vld [tilespmem:s7+$0x1E0]  }
0x378: {  	[tilespmem:s7+$0x7D00] =	vst.add.f32.msk $0xffff, v1  }
0x379: {  	[tilespmem:s7+$0x7D10] =	vst.add.f32.msk $0xffff, v2  }
0x37a: {  	[tilespmem:s7+$0x7D20] =	vst.add.f32.msk $0xffff, v3  }
0x37b: {  	[tilespmem:s7+$0x7D30] =	vst.add.f32.msk $0xffff, v4  }
0x37c: {  	[tilespmem:s7+$0x7D40] =	vst.add.f32.msk $0xffff, v5  }
0x37d: {  	[tilespmem:s7+$0x7D50] =	vst.add.f32.msk $0xffff, v6  }
0x37e: {  	[tilespmem:s7+$0x7D60] =	vst.add.f32.msk $0xffff, v7  }
0x37f: {  	[tilespmem:s7+$0x7D70] =	vst.add.f32.msk $0xffff, v8  }
0x380: {  	[tilespmem:s7+$0x7D80] =	vst.add.f32.msk $0xffff, v9  }
0x381: {  	[tilespmem:s7+$0x7D90] =	vst.add.f32.msk $0xffff, v10  }
0x382: {  	[tilespmem:s7+$0x7DA0] =	vst.add.f32.msk $0xffff, v11  }
0x383: {  	[tilespmem:s7+$0x7DB0] =	vst.add.f32.msk $0xffff, v12  }
0x384: {  	[tilespmem:s7+$0x7DC0] =	vst.add.f32.msk $0xffff, v13  }
0x385: {  	[tilespmem:s7+$0x7DD0] =	vst.add.f32.msk $0xffff, v14  }
0x386: {  	[tilespmem:s7+$0x7DE0] =	vst.add.f32.msk $0xffff, v15  }
0x387: {  	[tilespmem:s7+$0x7DF0] =	vst.add.f32.msk $0xffff, v16  }
0x388: {  	[tilespmem:s7+$0x7E00] =	vst.add.f32.msk $0xffff, v17  }
0x389: {  	[tilespmem:s7+$0x7E10] =	vst.add.f32.msk $0xffff, v18  }
0x38a: {  	[tilespmem:s7+$0x7E20] =	vst.add.f32.msk $0xffff, v19  }
0x38b: {  	[tilespmem:s7+$0x7E30] =	vst.add.f32.msk $0xffff, v20  }
0x38c: {  	[tilespmem:s7+$0x7E40] =	vst.add.f32.msk $0xffff, v21  }
0x38d: {  	[tilespmem:s7+$0x7E50] =	vst.add.f32.msk $0xffff, v22  }
0x38e: {  	[tilespmem:s7+$0x7E60] =	vst.add.f32.msk $0xffff, v23  }
0x38f: {  	[tilespmem:s7+$0x7E70] =	vst.add.f32.msk $0xffff, v24  }
0x390: {  	[tilespmem:s7+$0x7E80] =	vst.add.f32.msk $0xffff, v25  }
0x391: {  	[tilespmem:s7+$0x7E90] =	vst.add.f32.msk $0xffff, v26  }
0x392: {  	[tilespmem:s7+$0x7EA0] =	vst.add.f32.msk $0xffff, v27  }
0x393: {  	[tilespmem:s7+$0x7EB0] =	vst.add.f32.msk $0xffff, v28  }
0x394: {  	[tilespmem:s7+$0x7EC0] =	vst.add.f32.msk $0xffff, v29  }
0x395: {  	s8 =	simm.s32 $0x0;
	s9 =	simm.s32 $0x800;
	[tilespmem:s7+$0x7ED0] =	vst.add.f32.msk $0xffff, v30  }
.LBB2_14:
0x396: {  	s8 =	sadd.s32 $0x8, s8;
	[tilespmem:s7+$0x7EE0] =	vst.add.f32.msk $0xffff, v0;
	s7 =	sshra.s32 s9, $0x2  }
0x397: {  	v0 =	vld [tilespmem:s7+$0x1F0];
	p0 =	slt.u32 s8, $0x188  }
0x398: {  	v1 =	vld [tilespmem:s7+$0x0]  }
0x399: {  	v2 =	vld [tilespmem:s7+$0x10]  }
0x39a: {  	v3 =	vld [tilespmem:s7+$0x20]  }
0x39b: {  	v4 =	vld [tilespmem:s7+$0x30]  }
0x39c: {  	[tilespmem:s7+$0x7EF0] =	vst.add.f32.msk $0xffff, v0  }
0x39d: {  	v5 =	vld [tilespmem:s7+$0x40]  }
0x39e: {  	v6 =	vld [tilespmem:s7+$0x50]  }
0x39f: {  	v7 =	vld [tilespmem:s7+$0x60]  }
0x3a0: {  	v8 =	vld [tilespmem:s7+$0x70]  }
0x3a1: {  	v9 =	vld [tilespmem:s7+$0x80]  }
0x3a2: {  	v10 =	vld [tilespmem:s7+$0x90]  }
0x3a3: {  	v11 =	vld [tilespmem:s7+$0xA0]  }
0x3a4: {  	v12 =	vld [tilespmem:s7+$0xB0]  }
0x3a5: {  	v13 =	vld [tilespmem:s7+$0xC0]  }
0x3a6: {  	v14 =	vld [tilespmem:s7+$0xD0]  }
0x3a7: {  	v15 =	vld [tilespmem:s7+$0xE0]  }
0x3a8: {  	v16 =	vld [tilespmem:s7+$0xF0]  }
0x3a9: {  	v17 =	vld [tilespmem:s7+$0x100]  }
0x3aa: {  	v18 =	vld [tilespmem:s7+$0x110]  }
0x3ab: {  	v19 =	vld [tilespmem:s7+$0x120]  }
0x3ac: {  	v20 =	vld [tilespmem:s7+$0x130]  }
0x3ad: {  	v21 =	vld [tilespmem:s7+$0x140]  }
0x3ae: {  	v22 =	vld [tilespmem:s7+$0x150]  }
0x3af: {  	v23 =	vld [tilespmem:s7+$0x160]  }
0x3b0: {  	v24 =	vld [tilespmem:s7+$0x170]  }
0x3b1: {  	v25 =	vld [tilespmem:s7+$0x180]  }
0x3b2: {  	v26 =	vld [tilespmem:s7+$0x190]  }
0x3b3: {  	v27 =	vld [tilespmem:s7+$0x1A0]  }
0x3b4: {  	v28 =	vld [tilespmem:s7+$0x1B0]  }
0x3b5: {  	v29 =	vld [tilespmem:s7+$0x1C0]  }
0x3b6: {  	v30 =	vld [tilespmem:s7+$0x1D0]  }
0x3b7: {  	v0 =	vld [tilespmem:s7+$0x1E0]  }
0x3b8: {  	[tilespmem:s7+$0x7D00] =	vst.add.f32.msk $0xffff, v1  }
0x3b9: {  	[tilespmem:s7+$0x7D10] =	vst.add.f32.msk $0xffff, v2  }
0x3ba: {  	[tilespmem:s7+$0x7D20] =	vst.add.f32.msk $0xffff, v3  }
0x3bb: {  	[tilespmem:s7+$0x7D30] =	vst.add.f32.msk $0xffff, v4  }
0x3bc: {  	[tilespmem:s7+$0x7D40] =	vst.add.f32.msk $0xffff, v5  }
0x3bd: {  	[tilespmem:s7+$0x7D50] =	vst.add.f32.msk $0xffff, v6  }
0x3be: {  	[tilespmem:s7+$0x7D60] =	vst.add.f32.msk $0xffff, v7  }
0x3bf: {  	[tilespmem:s7+$0x7D70] =	vst.add.f32.msk $0xffff, v8  }
0x3c0: {  	[tilespmem:s7+$0x7D80] =	vst.add.f32.msk $0xffff, v9  }
0x3c1: {  	[tilespmem:s7+$0x7D90] =	vst.add.f32.msk $0xffff, v10  }
0x3c2: {  	[tilespmem:s7+$0x7DA0] =	vst.add.f32.msk $0xffff, v11  }
0x3c3: {  	[tilespmem:s7+$0x7DB0] =	vst.add.f32.msk $0xffff, v12  }
0x3c4: {  	[tilespmem:s7+$0x7DC0] =	vst.add.f32.msk $0xffff, v13  }
0x3c5: {  	[tilespmem:s7+$0x7DD0] =	vst.add.f32.msk $0xffff, v14  }
0x3c6: {  	[tilespmem:s7+$0x7DE0] =	vst.add.f32.msk $0xffff, v15  }
0x3c7: {  	[tilespmem:s7+$0x7DF0] =	vst.add.f32.msk $0xffff, v16  }
0x3c8: {  	[tilespmem:s7+$0x7E00] =	vst.add.f32.msk $0xffff, v17  }
0x3c9: {  	[tilespmem:s7+$0x7E10] =	vst.add.f32.msk $0xffff, v18  }
0x3ca: {  	[tilespmem:s7+$0x7E20] =	vst.add.f32.msk $0xffff, v19  }
0x3cb: {  	[tilespmem:s7+$0x7E30] =	vst.add.f32.msk $0xffff, v20  }
0x3cc: {  	[tilespmem:s7+$0x7E40] =	vst.add.f32.msk $0xffff, v21  }
0x3cd: {  	[tilespmem:s7+$0x7E50] =	vst.add.f32.msk $0xffff, v22  }
0x3ce: {  	[tilespmem:s7+$0x7E60] =	vst.add.f32.msk $0xffff, v23  }
0x3cf: {  	[tilespmem:s7+$0x7E70] =	vst.add.f32.msk $0xffff, v24  }
0x3d0: {  	[tilespmem:s7+$0x7E80] =	vst.add.f32.msk $0xffff, v25  }
.Ltmp6:
0x3d1: {  	[tilespmem:s7+$0x7E90] =	vst.add.f32.msk $0xffff, v26;
	(pc) =	sbr.rel @p0 .LBB2_14-.Ltmp6, $4  }
0x3d2: {  	[tilespmem:s7+$0x7EA0] =	vst.add.f32.msk $0xffff, v27  }
0x3d3: {  	[tilespmem:s7+$0x7EB0] =	vst.add.f32.msk $0xffff, v28  }
0x3d4: {  	[tilespmem:s7+$0x7EC0] =	vst.add.f32.msk $0xffff, v29  }
0x3d5: {  	s9 =	sadd.s32 $0x800, s9;
	[tilespmem:s7+$0x7ED0] =	vst.add.f32.msk $0xffff, v30  }
0x3d6: {  	[tilespmem:s7+$0x7EE0] =	vst.add.f32.msk $0xffff, v0;
	s8 =	simm.s32 $0x0  }
0x3d7: {  	[hbm4b:s12+s8] =	stream.linear.scatter [tilespmem:s28], [sflag:$0x4], $0x6400, $0x38;
	[tilespmem:$0x1A900] =	vst v63  }
0x3d8: {  	_ =	swait.ge [sflag:s1], $0x6400  }
0x3d9: {  	[sflag:s1] =	ssyncset.done $0x0  }
0x3da: {  	[sflag:s1] =	ssyncadd.s32 $0xFFFF9C00  }
0x3db: {  	_ =	swait.ge [sflag:s5], $0x6400  }
0x3dc: {  	[sflag:s5] =	ssyncset.done $0x0  }
0x3dd: {  	s9 =	simm.s32 $0x7080;
	s7 =	simm.s32 $0x0;
	[sflag:s5] =	ssyncadd.s32 $0xFFFF9C00  }
0x3de: {  	[tilespmem:s25], [sflag:$0x3] =	stream.indirect.gather [hbm4b:s3+s26], $0x40, s9, s26, $0xb8;
	[tilespmem:$0x1A900] =	vst v63  }
0x3df: {  	v0 =	vld [tilespmem:s7+$0x1F0]  }
0x3e0: {  	v1 =	vld [tilespmem:s7+$0x0]  }
0x3e1: {  	v2 =	vld [tilespmem:s7+$0x10]  }
0x3e2: {  	v3 =	vld [tilespmem:s7+$0x20]  }
0x3e3: {  	v4 =	vld [tilespmem:s7+$0x30]  }
0x3e4: {  	v5 =	vld [tilespmem:s7+$0x40]  }
0x3e5: {  	v6 =	vld [tilespmem:s7+$0x50]  }
0x3e6: {  	v7 =	vld [tilespmem:s7+$0x60]  }
0x3e7: {  	v8 =	vld [tilespmem:s7+$0x70]  }
0x3e8: {  	v9 =	vld [tilespmem:s7+$0x80]  }
0x3e9: {  	v10 =	vld [tilespmem:s7+$0x90]  }
0x3ea: {  	v11 =	vld [tilespmem:s7+$0xA0]  }
0x3eb: {  	v12 =	vld [tilespmem:s7+$0xB0]  }
0x3ec: {  	v13 =	vld [tilespmem:s7+$0xC0]  }
0x3ed: {  	v14 =	vld [tilespmem:s7+$0xD0]  }
0x3ee: {  	v15 =	vld [tilespmem:s7+$0xE0]  }
0x3ef: {  	v16 =	vld [tilespmem:s7+$0xF0]  }
0x3f0: {  	v17 =	vld [tilespmem:s7+$0x100]  }
0x3f1: {  	v18 =	vld [tilespmem:s7+$0x110]  }
0x3f2: {  	v19 =	vld [tilespmem:s7+$0x120]  }
0x3f3: {  	v20 =	vld [tilespmem:s7+$0x130]  }
0x3f4: {  	v21 =	vld [tilespmem:s7+$0x140]  }
0x3f5: {  	v22 =	vld [tilespmem:s7+$0x150]  }
0x3f6: {  	v23 =	vld [tilespmem:s7+$0x160]  }
0x3f7: {  	v24 =	vld [tilespmem:s7+$0x170]  }
0x3f8: {  	v25 =	vld [tilespmem:s7+$0x180]  }
0x3f9: {  	v26 =	vld [tilespmem:s7+$0x190]  }
0x3fa: {  	v27 =	vld [tilespmem:s7+$0x1A0]  }
0x3fb: {  	v28 =	vld [tilespmem:s7+$0x1B0]  }
0x3fc: {  	v29 =	vld [tilespmem:s7+$0x1C0]  }
0x3fd: {  	v30 =	vld [tilespmem:s7+$0x1D0]  }
0x3fe: {  	[tilespmem:s7+$0xE2F0] =	vst.add.f32.msk $0xffff, v0  }
0x3ff: {  	v0 =	vld [tilespmem:s7+$0x1E0]  }
0x400: {  	[tilespmem:s7+$0xE100] =	vst.add.f32.msk $0xffff, v1  }
0x401: {  	[tilespmem:s7+$0xE110] =	vst.add.f32.msk $0xffff, v2  }
0x402: {  	[tilespmem:s7+$0xE120] =	vst.add.f32.msk $0xffff, v3  }
0x403: {  	[tilespmem:s7+$0xE130] =	vst.add.f32.msk $0xffff, v4  }
0x404: {  	[tilespmem:s7+$0xE140] =	vst.add.f32.msk $0xffff, v5  }
0x405: {  	[tilespmem:s7+$0xE150] =	vst.add.f32.msk $0xffff, v6  }
0x406: {  	[tilespmem:s7+$0xE160] =	vst.add.f32.msk $0xffff, v7  }
0x407: {  	[tilespmem:s7+$0xE170] =	vst.add.f32.msk $0xffff, v8  }
0x408: {  	[tilespmem:s7+$0xE180] =	vst.add.f32.msk $0xffff, v9  }
0x409: {  	[tilespmem:s7+$0xE190] =	vst.add.f32.msk $0xffff, v10  }
0x40a: {  	[tilespmem:s7+$0xE1A0] =	vst.add.f32.msk $0xffff, v11  }
0x40b: {  	[tilespmem:s7+$0xE1B0] =	vst.add.f32.msk $0xffff, v12  }
0x40c: {  	[tilespmem:s7+$0xE1C0] =	vst.add.f32.msk $0xffff, v13  }
0x40d: {  	[tilespmem:s7+$0xE1D0] =	vst.add.f32.msk $0xffff, v14  }
0x40e: {  	[tilespmem:s7+$0xE1E0] =	vst.add.f32.msk $0xffff, v15  }
0x40f: {  	[tilespmem:s7+$0xE1F0] =	vst.add.f32.msk $0xffff, v16  }
0x410: {  	[tilespmem:s7+$0xE200] =	vst.add.f32.msk $0xffff, v17  }
0x411: {  	[tilespmem:s7+$0xE210] =	vst.add.f32.msk $0xffff, v18  }
0x412: {  	[tilespmem:s7+$0xE220] =	vst.add.f32.msk $0xffff, v19  }
0x413: {  	[tilespmem:s7+$0xE230] =	vst.add.f32.msk $0xffff, v20  }
0x414: {  	[tilespmem:s7+$0xE240] =	vst.add.f32.msk $0xffff, v21  }
0x415: {  	[tilespmem:s7+$0xE250] =	vst.add.f32.msk $0xffff, v22  }
0x416: {  	[tilespmem:s7+$0xE260] =	vst.add.f32.msk $0xffff, v23  }
0x417: {  	[tilespmem:s7+$0xE270] =	vst.add.f32.msk $0xffff, v24  }
0x418: {  	[tilespmem:s7+$0xE280] =	vst.add.f32.msk $0xffff, v25  }
0x419: {  	[tilespmem:s7+$0xE290] =	vst.add.f32.msk $0xffff, v26  }
0x41a: {  	[tilespmem:s7+$0xE2A0] =	vst.add.f32.msk $0xffff, v27  }
0x41b: {  	[tilespmem:s7+$0xE2B0] =	vst.add.f32.msk $0xffff, v28  }
0x41c: {  	[tilespmem:s7+$0xE2C0] =	vst.add.f32.msk $0xffff, v29  }
0x41d: {  	s8 =	simm.s32 $0x0;
	s9 =	simm.s32 $0x800;
	[tilespmem:s7+$0xE2D0] =	vst.add.f32.msk $0xffff, v30  }
.LBB2_16:
0x41e: {  	s8 =	sadd.s32 $0x8, s8;
	[tilespmem:s7+$0xE2E0] =	vst.add.f32.msk $0xffff, v0;
	s7 =	sshra.s32 s9, $0x2  }
0x41f: {  	v0 =	vld [tilespmem:s7+$0x1F0];
	p0 =	slt.u32 s8, $0x188  }
0x420: {  	v1 =	vld [tilespmem:s7+$0x0]  }
0x421: {  	v2 =	vld [tilespmem:s7+$0x10]  }
0x422: {  	v3 =	vld [tilespmem:s7+$0x20]  }
0x423: {  	v4 =	vld [tilespmem:s7+$0x30]  }
0x424: {  	[tilespmem:s7+$0xE2F0] =	vst.add.f32.msk $0xffff, v0  }
0x425: {  	v5 =	vld [tilespmem:s7+$0x40]  }
0x426: {  	v6 =	vld [tilespmem:s7+$0x50]  }
0x427: {  	v7 =	vld [tilespmem:s7+$0x60]  }
0x428: {  	v8 =	vld [tilespmem:s7+$0x70]  }
0x429: {  	v9 =	vld [tilespmem:s7+$0x80]  }
0x42a: {  	v10 =	vld [tilespmem:s7+$0x90]  }
0x42b: {  	v11 =	vld [tilespmem:s7+$0xA0]  }
0x42c: {  	v12 =	vld [tilespmem:s7+$0xB0]  }
0x42d: {  	v13 =	vld [tilespmem:s7+$0xC0]  }
0x42e: {  	v14 =	vld [tilespmem:s7+$0xD0]  }
0x42f: {  	v15 =	vld [tilespmem:s7+$0xE0]  }
0x430: {  	v16 =	vld [tilespmem:s7+$0xF0]  }
0x431: {  	v17 =	vld [tilespmem:s7+$0x100]  }
0x432: {  	v18 =	vld [tilespmem:s7+$0x110]  }
0x433: {  	v19 =	vld [tilespmem:s7+$0x120]  }
0x434: {  	v20 =	vld [tilespmem:s7+$0x130]  }
0x435: {  	v21 =	vld [tilespmem:s7+$0x140]  }
0x436: {  	v22 =	vld [tilespmem:s7+$0x150]  }
0x437: {  	v23 =	vld [tilespmem:s7+$0x160]  }
0x438: {  	v24 =	vld [tilespmem:s7+$0x170]  }
0x439: {  	v25 =	vld [tilespmem:s7+$0x180]  }
0x43a: {  	v26 =	vld [tilespmem:s7+$0x190]  }
0x43b: {  	v27 =	vld [tilespmem:s7+$0x1A0]  }
0x43c: {  	v28 =	vld [tilespmem:s7+$0x1B0]  }
0x43d: {  	v29 =	vld [tilespmem:s7+$0x1C0]  }
0x43e: {  	v30 =	vld [tilespmem:s7+$0x1D0]  }
0x43f: {  	v0 =	vld [tilespmem:s7+$0x1E0]  }
0x440: {  	[tilespmem:s7+$0xE100] =	vst.add.f32.msk $0xffff, v1  }
0x441: {  	[tilespmem:s7+$0xE110] =	vst.add.f32.msk $0xffff, v2  }
0x442: {  	[tilespmem:s7+$0xE120] =	vst.add.f32.msk $0xffff, v3  }
0x443: {  	[tilespmem:s7+$0xE130] =	vst.add.f32.msk $0xffff, v4  }
0x444: {  	[tilespmem:s7+$0xE140] =	vst.add.f32.msk $0xffff, v5  }
0x445: {  	[tilespmem:s7+$0xE150] =	vst.add.f32.msk $0xffff, v6  }
0x446: {  	[tilespmem:s7+$0xE160] =	vst.add.f32.msk $0xffff, v7  }
0x447: {  	[tilespmem:s7+$0xE170] =	vst.add.f32.msk $0xffff, v8  }
0x448: {  	[tilespmem:s7+$0xE180] =	vst.add.f32.msk $0xffff, v9  }
0x449: {  	[tilespmem:s7+$0xE190] =	vst.add.f32.msk $0xffff, v10  }
0x44a: {  	[tilespmem:s7+$0xE1A0] =	vst.add.f32.msk $0xffff, v11  }
0x44b: {  	[tilespmem:s7+$0xE1B0] =	vst.add.f32.msk $0xffff, v12  }
0x44c: {  	[tilespmem:s7+$0xE1C0] =	vst.add.f32.msk $0xffff, v13  }
0x44d: {  	[tilespmem:s7+$0xE1D0] =	vst.add.f32.msk $0xffff, v14  }
0x44e: {  	[tilespmem:s7+$0xE1E0] =	vst.add.f32.msk $0xffff, v15  }
0x44f: {  	[tilespmem:s7+$0xE1F0] =	vst.add.f32.msk $0xffff, v16  }
0x450: {  	[tilespmem:s7+$0xE200] =	vst.add.f32.msk $0xffff, v17  }
0x451: {  	[tilespmem:s7+$0xE210] =	vst.add.f32.msk $0xffff, v18  }
0x452: {  	[tilespmem:s7+$0xE220] =	vst.add.f32.msk $0xffff, v19  }
0x453: {  	[tilespmem:s7+$0xE230] =	vst.add.f32.msk $0xffff, v20  }
0x454: {  	[tilespmem:s7+$0xE240] =	vst.add.f32.msk $0xffff, v21  }
0x455: {  	[tilespmem:s7+$0xE250] =	vst.add.f32.msk $0xffff, v22  }
0x456: {  	[tilespmem:s7+$0xE260] =	vst.add.f32.msk $0xffff, v23  }
0x457: {  	[tilespmem:s7+$0xE270] =	vst.add.f32.msk $0xffff, v24  }
0x458: {  	[tilespmem:s7+$0xE280] =	vst.add.f32.msk $0xffff, v25  }
.Ltmp7:
0x459: {  	[tilespmem:s7+$0xE290] =	vst.add.f32.msk $0xffff, v26;
	(pc) =	sbr.rel @p0 .LBB2_16-.Ltmp7, $4  }
0x45a: {  	[tilespmem:s7+$0xE2A0] =	vst.add.f32.msk $0xffff, v27  }
0x45b: {  	[tilespmem:s7+$0xE2B0] =	vst.add.f32.msk $0xffff, v28  }
0x45c: {  	[tilespmem:s7+$0xE2C0] =	vst.add.f32.msk $0xffff, v29  }
0x45d: {  	s9 =	sadd.s32 $0x800, s9;
	[tilespmem:s7+$0xE2D0] =	vst.add.f32.msk $0xffff, v30  }
0x45e: {  	[tilespmem:s7+$0xE2E0] =	vst.add.f32.msk $0xffff, v0;
	s8 =	simm.s32 $0x0  }
0x45f: {  	[hbm4b:s13+s8] =	stream.linear.scatter [tilespmem:s31], [sflag:$0x5], $0x6400, $0x38;
	[tilespmem:$0x1A900] =	vst v63  }
0x460: {  	_ =	swait.ge [sflag:s30], $0x6400  }
0x461: {  	[sflag:s30] =	ssyncset.done $0x0  }
0x462: {  	[sflag:s30] =	ssyncadd.s32 $0xFFFF9C00  }
0x463: {  	_ =	swait.ge [sflag:s0], $0x6400  }
0x464: {  	[sflag:s0] =	ssyncset.done $0x0  }
0x465: {  	s9 =	simm.s32 $0x7210;
	s7 =	simm.s32 $0x0;
	[sflag:s0] =	ssyncadd.s32 $0xFFFF9C00  }
0x466: {  	[tilespmem:s28], [sflag:$0x1] =	stream.indirect.gather [hbm4b:s3+s26], $0x40, s9, s26, $0xb8;
	[tilespmem:$0x1A900] =	vst v63  }
0x467: {  	v0 =	vld [tilespmem:s7+$0x1F0]  }
0x468: {  	v1 =	vld [tilespmem:s7+$0x0]  }
0x469: {  	v2 =	vld [tilespmem:s7+$0x10]  }
0x46a: {  	v3 =	vld [tilespmem:s7+$0x20]  }
0x46b: {  	v4 =	vld [tilespmem:s7+$0x30]  }
0x46c: {  	v5 =	vld [tilespmem:s7+$0x40]  }
0x46d: {  	v6 =	vld [tilespmem:s7+$0x50]  }
0x46e: {  	v7 =	vld [tilespmem:s7+$0x60]  }
0x46f: {  	v8 =	vld [tilespmem:s7+$0x70]  }
0x470: {  	v9 =	vld [tilespmem:s7+$0x80]  }
0x471: {  	v10 =	vld [tilespmem:s7+$0x90]  }
0x472: {  	v11 =	vld [tilespmem:s7+$0xA0]  }
0x473: {  	v12 =	vld [tilespmem:s7+$0xB0]  }
0x474: {  	v13 =	vld [tilespmem:s7+$0xC0]  }
0x475: {  	v14 =	vld [tilespmem:s7+$0xD0]  }
0x476: {  	v15 =	vld [tilespmem:s7+$0xE0]  }
0x477: {  	v16 =	vld [tilespmem:s7+$0xF0]  }
0x478: {  	v17 =	vld [tilespmem:s7+$0x100]  }
0x479: {  	v18 =	vld [tilespmem:s7+$0x110]  }
0x47a: {  	v19 =	vld [tilespmem:s7+$0x120]  }
0x47b: {  	v20 =	vld [tilespmem:s7+$0x130]  }
0x47c: {  	v21 =	vld [tilespmem:s7+$0x140]  }
0x47d: {  	v22 =	vld [tilespmem:s7+$0x150]  }
0x47e: {  	v23 =	vld [tilespmem:s7+$0x160]  }
0x47f: {  	v24 =	vld [tilespmem:s7+$0x170]  }
0x480: {  	v25 =	vld [tilespmem:s7+$0x180]  }
0x481: {  	v26 =	vld [tilespmem:s7+$0x190]  }
0x482: {  	v27 =	vld [tilespmem:s7+$0x1A0]  }
0x483: {  	v28 =	vld [tilespmem:s7+$0x1B0]  }
0x484: {  	v29 =	vld [tilespmem:s7+$0x1C0]  }
0x485: {  	v30 =	vld [tilespmem:s7+$0x1D0]  }
0x486: {  	[tilespmem:s7+$0x146F0] =	vst.add.f32.msk $0xffff, v0  }
0x487: {  	v0 =	vld [tilespmem:s7+$0x1E0]  }
0x488: {  	[tilespmem:s7+$0x14500] =	vst.add.f32.msk $0xffff, v1  }
0x489: {  	[tilespmem:s7+$0x14510] =	vst.add.f32.msk $0xffff, v2  }
0x48a: {  	[tilespmem:s7+$0x14520] =	vst.add.f32.msk $0xffff, v3  }
0x48b: {  	[tilespmem:s7+$0x14530] =	vst.add.f32.msk $0xffff, v4  }
0x48c: {  	[tilespmem:s7+$0x14540] =	vst.add.f32.msk $0xffff, v5  }
0x48d: {  	[tilespmem:s7+$0x14550] =	vst.add.f32.msk $0xffff, v6  }
0x48e: {  	[tilespmem:s7+$0x14560] =	vst.add.f32.msk $0xffff, v7  }
0x48f: {  	[tilespmem:s7+$0x14570] =	vst.add.f32.msk $0xffff, v8  }
0x490: {  	[tilespmem:s7+$0x14580] =	vst.add.f32.msk $0xffff, v9  }
0x491: {  	[tilespmem:s7+$0x14590] =	vst.add.f32.msk $0xffff, v10  }
0x492: {  	[tilespmem:s7+$0x145A0] =	vst.add.f32.msk $0xffff, v11  }
0x493: {  	[tilespmem:s7+$0x145B0] =	vst.add.f32.msk $0xffff, v12  }
0x494: {  	[tilespmem:s7+$0x145C0] =	vst.add.f32.msk $0xffff, v13  }
0x495: {  	[tilespmem:s7+$0x145D0] =	vst.add.f32.msk $0xffff, v14  }
0x496: {  	[tilespmem:s7+$0x145E0] =	vst.add.f32.msk $0xffff, v15  }
0x497: {  	[tilespmem:s7+$0x145F0] =	vst.add.f32.msk $0xffff, v16  }
0x498: {  	[tilespmem:s7+$0x14600] =	vst.add.f32.msk $0xffff, v17  }
0x499: {  	[tilespmem:s7+$0x14610] =	vst.add.f32.msk $0xffff, v18  }
0x49a: {  	[tilespmem:s7+$0x14620] =	vst.add.f32.msk $0xffff, v19  }
0x49b: {  	[tilespmem:s7+$0x14630] =	vst.add.f32.msk $0xffff, v20  }
0x49c: {  	[tilespmem:s7+$0x14640] =	vst.add.f32.msk $0xffff, v21  }
0x49d: {  	[tilespmem:s7+$0x14650] =	vst.add.f32.msk $0xffff, v22  }
0x49e: {  	[tilespmem:s7+$0x14660] =	vst.add.f32.msk $0xffff, v23  }
0x49f: {  	[tilespmem:s7+$0x14670] =	vst.add.f32.msk $0xffff, v24  }
0x4a0: {  	[tilespmem:s7+$0x14680] =	vst.add.f32.msk $0xffff, v25  }
0x4a1: {  	[tilespmem:s7+$0x14690] =	vst.add.f32.msk $0xffff, v26  }
0x4a2: {  	[tilespmem:s7+$0x146A0] =	vst.add.f32.msk $0xffff, v27  }
0x4a3: {  	[tilespmem:s7+$0x146B0] =	vst.add.f32.msk $0xffff, v28  }
0x4a4: {  	[tilespmem:s7+$0x146C0] =	vst.add.f32.msk $0xffff, v29  }
0x4a5: {  	s8 =	simm.s32 $0x0;
	s9 =	simm.s32 $0x800;
	[tilespmem:s7+$0x146D0] =	vst.add.f32.msk $0xffff, v30  }
.LBB2_18:
0x4a6: {  	s8 =	sadd.s32 $0x8, s8;
	[tilespmem:s7+$0x146E0] =	vst.add.f32.msk $0xffff, v0;
	s7 =	sshra.s32 s9, $0x2  }
0x4a7: {  	v0 =	vld [tilespmem:s7+$0x1F0];
	p0 =	slt.u32 s8, $0x188  }
0x4a8: {  	v1 =	vld [tilespmem:s7+$0x0]  }
0x4a9: {  	v2 =	vld [tilespmem:s7+$0x10]  }
0x4aa: {  	v3 =	vld [tilespmem:s7+$0x20]  }
0x4ab: {  	v4 =	vld [tilespmem:s7+$0x30]  }
0x4ac: {  	[tilespmem:s7+$0x146F0] =	vst.add.f32.msk $0xffff, v0  }
0x4ad: {  	v5 =	vld [tilespmem:s7+$0x40]  }
0x4ae: {  	v6 =	vld [tilespmem:s7+$0x50]  }
0x4af: {  	v7 =	vld [tilespmem:s7+$0x60]  }
0x4b0: {  	v8 =	vld [tilespmem:s7+$0x70]  }
0x4b1: {  	v9 =	vld [tilespmem:s7+$0x80]  }
0x4b2: {  	v10 =	vld [tilespmem:s7+$0x90]  }
0x4b3: {  	v11 =	vld [tilespmem:s7+$0xA0]  }
0x4b4: {  	v12 =	vld [tilespmem:s7+$0xB0]  }
0x4b5: {  	v13 =	vld [tilespmem:s7+$0xC0]  }
0x4b6: {  	v14 =	vld [tilespmem:s7+$0xD0]  }
0x4b7: {  	v15 =	vld [tilespmem:s7+$0xE0]  }
0x4b8: {  	v16 =	vld [tilespmem:s7+$0xF0]  }
0x4b9: {  	v17 =	vld [tilespmem:s7+$0x100]  }
0x4ba: {  	v18 =	vld [tilespmem:s7+$0x110]  }
0x4bb: {  	v19 =	vld [tilespmem:s7+$0x120]  }
0x4bc: {  	v20 =	vld [tilespmem:s7+$0x130]  }
0x4bd: {  	v21 =	vld [tilespmem:s7+$0x140]  }
0x4be: {  	v22 =	vld [tilespmem:s7+$0x150]  }
0x4bf: {  	v23 =	vld [tilespmem:s7+$0x160]  }
0x4c0: {  	v24 =	vld [tilespmem:s7+$0x170]  }
0x4c1: {  	v25 =	vld [tilespmem:s7+$0x180]  }
0x4c2: {  	v26 =	vld [tilespmem:s7+$0x190]  }
0x4c3: {  	v27 =	vld [tilespmem:s7+$0x1A0]  }
0x4c4: {  	v28 =	vld [tilespmem:s7+$0x1B0]  }
0x4c5: {  	v29 =	vld [tilespmem:s7+$0x1C0]  }
0x4c6: {  	v30 =	vld [tilespmem:s7+$0x1D0]  }
0x4c7: {  	v0 =	vld [tilespmem:s7+$0x1E0]  }
0x4c8: {  	[tilespmem:s7+$0x14500] =	vst.add.f32.msk $0xffff, v1  }
0x4c9: {  	[tilespmem:s7+$0x14510] =	vst.add.f32.msk $0xffff, v2  }
0x4ca: {  	[tilespmem:s7+$0x14520] =	vst.add.f32.msk $0xffff, v3  }
0x4cb: {  	[tilespmem:s7+$0x14530] =	vst.add.f32.msk $0xffff, v4  }
0x4cc: {  	[tilespmem:s7+$0x14540] =	vst.add.f32.msk $0xffff, v5  }
0x4cd: {  	[tilespmem:s7+$0x14550] =	vst.add.f32.msk $0xffff, v6  }
0x4ce: {  	[tilespmem:s7+$0x14560] =	vst.add.f32.msk $0xffff, v7  }
0x4cf: {  	[tilespmem:s7+$0x14570] =	vst.add.f32.msk $0xffff, v8  }
0x4d0: {  	[tilespmem:s7+$0x14580] =	vst.add.f32.msk $0xffff, v9  }
0x4d1: {  	[tilespmem:s7+$0x14590] =	vst.add.f32.msk $0xffff, v10  }
0x4d2: {  	[tilespmem:s7+$0x145A0] =	vst.add.f32.msk $0xffff, v11  }
0x4d3: {  	[tilespmem:s7+$0x145B0] =	vst.add.f32.msk $0xffff, v12  }
0x4d4: {  	[tilespmem:s7+$0x145C0] =	vst.add.f32.msk $0xffff, v13  }
0x4d5: {  	[tilespmem:s7+$0x145D0] =	vst.add.f32.msk $0xffff, v14  }
0x4d6: {  	[tilespmem:s7+$0x145E0] =	vst.add.f32.msk $0xffff, v15  }
0x4d7: {  	[tilespmem:s7+$0x145F0] =	vst.add.f32.msk $0xffff, v16  }
0x4d8: {  	[tilespmem:s7+$0x14600] =	vst.add.f32.msk $0xffff, v17  }
0x4d9: {  	[tilespmem:s7+$0x14610] =	vst.add.f32.msk $0xffff, v18  }
0x4da: {  	[tilespmem:s7+$0x14620] =	vst.add.f32.msk $0xffff, v19  }
0x4db: {  	[tilespmem:s7+$0x14630] =	vst.add.f32.msk $0xffff, v20  }
0x4dc: {  	[tilespmem:s7+$0x14640] =	vst.add.f32.msk $0xffff, v21  }
0x4dd: {  	[tilespmem:s7+$0x14650] =	vst.add.f32.msk $0xffff, v22  }
0x4de: {  	[tilespmem:s7+$0x14660] =	vst.add.f32.msk $0xffff, v23  }
0x4df: {  	[tilespmem:s7+$0x14670] =	vst.add.f32.msk $0xffff, v24  }
0x4e0: {  	[tilespmem:s7+$0x14680] =	vst.add.f32.msk $0xffff, v25  }
.Ltmp8:
0x4e1: {  	[tilespmem:s7+$0x14690] =	vst.add.f32.msk $0xffff, v26;
	(pc) =	sbr.rel @p0 .LBB2_18-.Ltmp8, $4  }
0x4e2: {  	[tilespmem:s7+$0x146A0] =	vst.add.f32.msk $0xffff, v27  }
0x4e3: {  	[tilespmem:s7+$0x146B0] =	vst.add.f32.msk $0xffff, v28  }
0x4e4: {  	[tilespmem:s7+$0x146C0] =	vst.add.f32.msk $0xffff, v29  }
0x4e5: {  	s9 =	sadd.s32 $0x800, s9;
	[tilespmem:s7+$0x146D0] =	vst.add.f32.msk $0xffff, v30  }
0x4e6: {  	[tilespmem:s7+$0x146E0] =	vst.add.f32.msk $0xffff, v0;
	s8 =	simm.s32 $0x0  }
0x4e7: {  	[hbm4b:s14+s8] =	stream.linear.scatter [tilespmem:s25], [sflag:$0x6], $0x6400, $0x38;
	[tilespmem:$0x1A900] =	vst v63  }
0x4e8: {  	_ =	swait.ge [sflag:s29], $0x6400  }
0x4e9: {  	[sflag:s29] =	ssyncset.done $0x0  }
0x4ea: {  	[sflag:s29] =	ssyncadd.s32 $0xFFFF9C00  }
0x4eb: {  	_ =	swait.ge [sflag:s23], $0x6400  }
0x4ec: {  	[sflag:s23] =	ssyncset.done $0x0  }
0x4ed: {  	s9 =	simm.s32 $0x73A0;
	s7 =	simm.s32 $0x0;
	[sflag:s23] =	ssyncadd.s32 $0xFFFF9C00  }
0x4ee: {  	[tilespmem:s31], [sflag:$0x2] =	stream.indirect.gather [hbm4b:s3+s26], $0x40, s9, s26, $0xb8;
	[tilespmem:$0x1A900] =	vst v63  }
0x4ef: {  	v0 =	vld [tilespmem:s7+$0x1F0]  }
0x4f0: {  	v1 =	vld [tilespmem:s7+$0x0]  }
0x4f1: {  	v2 =	vld [tilespmem:s7+$0x10]  }
0x4f2: {  	v3 =	vld [tilespmem:s7+$0x20]  }
0x4f3: {  	v4 =	vld [tilespmem:s7+$0x30]  }
0x4f4: {  	v5 =	vld [tilespmem:s7+$0x40]  }
0x4f5: {  	v6 =	vld [tilespmem:s7+$0x50]  }
0x4f6: {  	v7 =	vld [tilespmem:s7+$0x60]  }
0x4f7: {  	v8 =	vld [tilespmem:s7+$0x70]  }
0x4f8: {  	v9 =	vld [tilespmem:s7+$0x80]  }
0x4f9: {  	v10 =	vld [tilespmem:s7+$0x90]  }
0x4fa: {  	v11 =	vld [tilespmem:s7+$0xA0]  }
0x4fb: {  	v12 =	vld [tilespmem:s7+$0xB0]  }
0x4fc: {  	v13 =	vld [tilespmem:s7+$0xC0]  }
0x4fd: {  	v14 =	vld [tilespmem:s7+$0xD0]  }
0x4fe: {  	v15 =	vld [tilespmem:s7+$0xE0]  }
0x4ff: {  	v16 =	vld [tilespmem:s7+$0xF0]  }
0x500: {  	v17 =	vld [tilespmem:s7+$0x100]  }
0x501: {  	v18 =	vld [tilespmem:s7+$0x110]  }
0x502: {  	v19 =	vld [tilespmem:s7+$0x120]  }
0x503: {  	v20 =	vld [tilespmem:s7+$0x130]  }
0x504: {  	v21 =	vld [tilespmem:s7+$0x140]  }
0x505: {  	v22 =	vld [tilespmem:s7+$0x150]  }
0x506: {  	v23 =	vld [tilespmem:s7+$0x160]  }
0x507: {  	v24 =	vld [tilespmem:s7+$0x170]  }
0x508: {  	v25 =	vld [tilespmem:s7+$0x180]  }
0x509: {  	v26 =	vld [tilespmem:s7+$0x190]  }
0x50a: {  	v27 =	vld [tilespmem:s7+$0x1A0]  }
0x50b: {  	v28 =	vld [tilespmem:s7+$0x1B0]  }
0x50c: {  	v29 =	vld [tilespmem:s7+$0x1C0]  }
0x50d: {  	v30 =	vld [tilespmem:s7+$0x1D0]  }
0x50e: {  	[tilespmem:s7+$0x7EF0] =	vst.add.f32.msk $0xffff, v0  }
0x50f: {  	v0 =	vld [tilespmem:s7+$0x1E0]  }
0x510: {  	[tilespmem:s7+$0x7D00] =	vst.add.f32.msk $0xffff, v1  }
0x511: {  	[tilespmem:s7+$0x7D10] =	vst.add.f32.msk $0xffff, v2  }
0x512: {  	[tilespmem:s7+$0x7D20] =	vst.add.f32.msk $0xffff, v3  }
0x513: {  	[tilespmem:s7+$0x7D30] =	vst.add.f32.msk $0xffff, v4  }
0x514: {  	[tilespmem:s7+$0x7D40] =	vst.add.f32.msk $0xffff, v5  }
0x515: {  	[tilespmem:s7+$0x7D50] =	vst.add.f32.msk $0xffff, v6  }
0x516: {  	[tilespmem:s7+$0x7D60] =	vst.add.f32.msk $0xffff, v7  }
0x517: {  	[tilespmem:s7+$0x7D70] =	vst.add.f32.msk $0xffff, v8  }
0x518: {  	[tilespmem:s7+$0x7D80] =	vst.add.f32.msk $0xffff, v9  }
0x519: {  	[tilespmem:s7+$0x7D90] =	vst.add.f32.msk $0xffff, v10  }
0x51a: {  	[tilespmem:s7+$0x7DA0] =	vst.add.f32.msk $0xffff, v11  }
0x51b: {  	[tilespmem:s7+$0x7DB0] =	vst.add.f32.msk $0xffff, v12  }
0x51c: {  	[tilespmem:s7+$0x7DC0] =	vst.add.f32.msk $0xffff, v13  }
0x51d: {  	[tilespmem:s7+$0x7DD0] =	vst.add.f32.msk $0xffff, v14  }
0x51e: {  	[tilespmem:s7+$0x7DE0] =	vst.add.f32.msk $0xffff, v15  }
0x51f: {  	[tilespmem:s7+$0x7DF0] =	vst.add.f32.msk $0xffff, v16  }
0x520: {  	[tilespmem:s7+$0x7E00] =	vst.add.f32.msk $0xffff, v17  }
0x521: {  	[tilespmem:s7+$0x7E10] =	vst.add.f32.msk $0xffff, v18  }
0x522: {  	[tilespmem:s7+$0x7E20] =	vst.add.f32.msk $0xffff, v19  }
0x523: {  	[tilespmem:s7+$0x7E30] =	vst.add.f32.msk $0xffff, v20  }
0x524: {  	[tilespmem:s7+$0x7E40] =	vst.add.f32.msk $0xffff, v21  }
0x525: {  	[tilespmem:s7+$0x7E50] =	vst.add.f32.msk $0xffff, v22  }
0x526: {  	[tilespmem:s7+$0x7E60] =	vst.add.f32.msk $0xffff, v23  }
0x527: {  	[tilespmem:s7+$0x7E70] =	vst.add.f32.msk $0xffff, v24  }
0x528: {  	[tilespmem:s7+$0x7E80] =	vst.add.f32.msk $0xffff, v25  }
0x529: {  	[tilespmem:s7+$0x7E90] =	vst.add.f32.msk $0xffff, v26  }
0x52a: {  	[tilespmem:s7+$0x7EA0] =	vst.add.f32.msk $0xffff, v27  }
0x52b: {  	[tilespmem:s7+$0x7EB0] =	vst.add.f32.msk $0xffff, v28  }
0x52c: {  	[tilespmem:s7+$0x7EC0] =	vst.add.f32.msk $0xffff, v29  }
0x52d: {  	s8 =	simm.s32 $0x0;
	s9 =	simm.s32 $0x800;
	[tilespmem:s7+$0x7ED0] =	vst.add.f32.msk $0xffff, v30  }
.LBB2_20:
0x52e: {  	s8 =	sadd.s32 $0x8, s8;
	[tilespmem:s7+$0x7EE0] =	vst.add.f32.msk $0xffff, v0;
	s7 =	sshra.s32 s9, $0x2  }
0x52f: {  	v0 =	vld [tilespmem:s7+$0x1F0];
	p0 =	slt.u32 s8, $0x188  }
0x530: {  	v1 =	vld [tilespmem:s7+$0x0]  }
0x531: {  	v2 =	vld [tilespmem:s7+$0x10]  }
0x532: {  	v3 =	vld [tilespmem:s7+$0x20]  }
0x533: {  	v4 =	vld [tilespmem:s7+$0x30]  }
0x534: {  	[tilespmem:s7+$0x7EF0] =	vst.add.f32.msk $0xffff, v0  }
0x535: {  	v5 =	vld [tilespmem:s7+$0x40]  }
0x536: {  	v6 =	vld [tilespmem:s7+$0x50]  }
0x537: {  	v7 =	vld [tilespmem:s7+$0x60]  }
0x538: {  	v8 =	vld [tilespmem:s7+$0x70]  }
0x539: {  	v9 =	vld [tilespmem:s7+$0x80]  }
0x53a: {  	v10 =	vld [tilespmem:s7+$0x90]  }
0x53b: {  	v11 =	vld [tilespmem:s7+$0xA0]  }
0x53c: {  	v12 =	vld [tilespmem:s7+$0xB0]  }
0x53d: {  	v13 =	vld [tilespmem:s7+$0xC0]  }
0x53e: {  	v14 =	vld [tilespmem:s7+$0xD0]  }
0x53f: {  	v15 =	vld [tilespmem:s7+$0xE0]  }
0x540: {  	v16 =	vld [tilespmem:s7+$0xF0]  }
0x541: {  	v17 =	vld [tilespmem:s7+$0x100]  }
0x542: {  	v18 =	vld [tilespmem:s7+$0x110]  }
0x543: {  	v19 =	vld [tilespmem:s7+$0x120]  }
0x544: {  	v20 =	vld [tilespmem:s7+$0x130]  }
0x545: {  	v21 =	vld [tilespmem:s7+$0x140]  }
0x546: {  	v22 =	vld [tilespmem:s7+$0x150]  }
0x547: {  	v23 =	vld [tilespmem:s7+$0x160]  }
0x548: {  	v24 =	vld [tilespmem:s7+$0x170]  }
0x549: {  	v25 =	vld [tilespmem:s7+$0x180]  }
0x54a: {  	v26 =	vld [tilespmem:s7+$0x190]  }
0x54b: {  	v27 =	vld [tilespmem:s7+$0x1A0]  }
0x54c: {  	v28 =	vld [tilespmem:s7+$0x1B0]  }
0x54d: {  	v29 =	vld [tilespmem:s7+$0x1C0]  }
0x54e: {  	v30 =	vld [tilespmem:s7+$0x1D0]  }
0x54f: {  	v0 =	vld [tilespmem:s7+$0x1E0]  }
0x550: {  	[tilespmem:s7+$0x7D00] =	vst.add.f32.msk $0xffff, v1  }
0x551: {  	[tilespmem:s7+$0x7D10] =	vst.add.f32.msk $0xffff, v2  }
0x552: {  	[tilespmem:s7+$0x7D20] =	vst.add.f32.msk $0xffff, v3  }
0x553: {  	[tilespmem:s7+$0x7D30] =	vst.add.f32.msk $0xffff, v4  }
0x554: {  	[tilespmem:s7+$0x7D40] =	vst.add.f32.msk $0xffff, v5  }
0x555: {  	[tilespmem:s7+$0x7D50] =	vst.add.f32.msk $0xffff, v6  }
0x556: {  	[tilespmem:s7+$0x7D60] =	vst.add.f32.msk $0xffff, v7  }
0x557: {  	[tilespmem:s7+$0x7D70] =	vst.add.f32.msk $0xffff, v8  }
0x558: {  	[tilespmem:s7+$0x7D80] =	vst.add.f32.msk $0xffff, v9  }
0x559: {  	[tilespmem:s7+$0x7D90] =	vst.add.f32.msk $0xffff, v10  }
0x55a: {  	[tilespmem:s7+$0x7DA0] =	vst.add.f32.msk $0xffff, v11  }
0x55b: {  	[tilespmem:s7+$0x7DB0] =	vst.add.f32.msk $0xffff, v12  }
0x55c: {  	[tilespmem:s7+$0x7DC0] =	vst.add.f32.msk $0xffff, v13  }
0x55d: {  	[tilespmem:s7+$0x7DD0] =	vst.add.f32.msk $0xffff, v14  }
0x55e: {  	[tilespmem:s7+$0x7DE0] =	vst.add.f32.msk $0xffff, v15  }
0x55f: {  	[tilespmem:s7+$0x7DF0] =	vst.add.f32.msk $0xffff, v16  }
0x560: {  	[tilespmem:s7+$0x7E00] =	vst.add.f32.msk $0xffff, v17  }
0x561: {  	[tilespmem:s7+$0x7E10] =	vst.add.f32.msk $0xffff, v18  }
0x562: {  	[tilespmem:s7+$0x7E20] =	vst.add.f32.msk $0xffff, v19  }
0x563: {  	[tilespmem:s7+$0x7E30] =	vst.add.f32.msk $0xffff, v20  }
0x564: {  	[tilespmem:s7+$0x7E40] =	vst.add.f32.msk $0xffff, v21  }
0x565: {  	[tilespmem:s7+$0x7E50] =	vst.add.f32.msk $0xffff, v22  }
0x566: {  	[tilespmem:s7+$0x7E60] =	vst.add.f32.msk $0xffff, v23  }
0x567: {  	[tilespmem:s7+$0x7E70] =	vst.add.f32.msk $0xffff, v24  }
0x568: {  	[tilespmem:s7+$0x7E80] =	vst.add.f32.msk $0xffff, v25  }
.Ltmp9:
0x569: {  	[tilespmem:s7+$0x7E90] =	vst.add.f32.msk $0xffff, v26;
	(pc) =	sbr.rel @p0 .LBB2_20-.Ltmp9, $4  }
0x56a: {  	[tilespmem:s7+$0x7EA0] =	vst.add.f32.msk $0xffff, v27  }
0x56b: {  	[tilespmem:s7+$0x7EB0] =	vst.add.f32.msk $0xffff, v28  }
0x56c: {  	[tilespmem:s7+$0x7EC0] =	vst.add.f32.msk $0xffff, v29  }
0x56d: {  	s9 =	sadd.s32 $0x800, s9;
	[tilespmem:s7+$0x7ED0] =	vst.add.f32.msk $0xffff, v30  }
0x56e: {  	[tilespmem:s7+$0x7EE0] =	vst.add.f32.msk $0xffff, v0;
	s8 =	simm.s32 $0x0  }
0x56f: {  	[hbm4b:s15+s8] =	stream.linear.scatter [tilespmem:s28], [sflag:$0x4], $0x6400, $0x38;
	[tilespmem:$0x1A900] =	vst v63  }
0x570: {  	_ =	swait.ge [sflag:s1], $0x6400  }
0x571: {  	[sflag:s1] =	ssyncset.done $0x0  }
0x572: {  	[sflag:s1] =	ssyncadd.s32 $0xFFFF9C00  }
0x573: {  	_ =	swait.ge [sflag:s5], $0x6400  }
0x574: {  	[sflag:s5] =	ssyncset.done $0x0  }
0x575: {  	s9 =	simm.s32 $0x7530;
	s7 =	simm.s32 $0x0;
	[sflag:s5] =	ssyncadd.s32 $0xFFFF9C00  }
0x576: {  	[tilespmem:s25], [sflag:$0x3] =	stream.indirect.gather [hbm4b:s3+s26], $0x40, s9, s26, $0xb8;
	[tilespmem:$0x1A900] =	vst v63  }
0x577: {  	v0 =	vld [tilespmem:s7+$0x1F0]  }
0x578: {  	v1 =	vld [tilespmem:s7+$0x0]  }
0x579: {  	v2 =	vld [tilespmem:s7+$0x10]  }
0x57a: {  	v3 =	vld [tilespmem:s7+$0x20]  }
0x57b: {  	v4 =	vld [tilespmem:s7+$0x30]  }
0x57c: {  	v5 =	vld [tilespmem:s7+$0x40]  }
0x57d: {  	v6 =	vld [tilespmem:s7+$0x50]  }
0x57e: {  	v7 =	vld [tilespmem:s7+$0x60]  }
0x57f: {  	v8 =	vld [tilespmem:s7+$0x70]  }
0x580: {  	v9 =	vld [tilespmem:s7+$0x80]  }
0x581: {  	v10 =	vld [tilespmem:s7+$0x90]  }
0x582: {  	v11 =	vld [tilespmem:s7+$0xA0]  }
0x583: {  	v12 =	vld [tilespmem:s7+$0xB0]  }
0x584: {  	v13 =	vld [tilespmem:s7+$0xC0]  }
0x585: {  	v14 =	vld [tilespmem:s7+$0xD0]  }
0x586: {  	v15 =	vld [tilespmem:s7+$0xE0]  }
0x587: {  	v16 =	vld [tilespmem:s7+$0xF0]  }
0x588: {  	v17 =	vld [tilespmem:s7+$0x100]  }
0x589: {  	v18 =	vld [tilespmem:s7+$0x110]  }
0x58a: {  	v19 =	vld [tilespmem:s7+$0x120]  }
0x58b: {  	v20 =	vld [tilespmem:s7+$0x130]  }
0x58c: {  	v21 =	vld [tilespmem:s7+$0x140]  }
0x58d: {  	v22 =	vld [tilespmem:s7+$0x150]  }
0x58e: {  	v23 =	vld [tilespmem:s7+$0x160]  }
0x58f: {  	v24 =	vld [tilespmem:s7+$0x170]  }
0x590: {  	v25 =	vld [tilespmem:s7+$0x180]  }
0x591: {  	v26 =	vld [tilespmem:s7+$0x190]  }
0x592: {  	v27 =	vld [tilespmem:s7+$0x1A0]  }
0x593: {  	v28 =	vld [tilespmem:s7+$0x1B0]  }
0x594: {  	v29 =	vld [tilespmem:s7+$0x1C0]  }
0x595: {  	v30 =	vld [tilespmem:s7+$0x1D0]  }
0x596: {  	[tilespmem:s7+$0xE2F0] =	vst.add.f32.msk $0xffff, v0  }
0x597: {  	v0 =	vld [tilespmem:s7+$0x1E0]  }
0x598: {  	[tilespmem:s7+$0xE100] =	vst.add.f32.msk $0xffff, v1  }
0x599: {  	[tilespmem:s7+$0xE110] =	vst.add.f32.msk $0xffff, v2  }
0x59a: {  	[tilespmem:s7+$0xE120] =	vst.add.f32.msk $0xffff, v3  }
0x59b: {  	[tilespmem:s7+$0xE130] =	vst.add.f32.msk $0xffff, v4  }
0x59c: {  	[tilespmem:s7+$0xE140] =	vst.add.f32.msk $0xffff, v5  }
0x59d: {  	[tilespmem:s7+$0xE150] =	vst.add.f32.msk $0xffff, v6  }
0x59e: {  	[tilespmem:s7+$0xE160] =	vst.add.f32.msk $0xffff, v7  }
0x59f: {  	[tilespmem:s7+$0xE170] =	vst.add.f32.msk $0xffff, v8  }
0x5a0: {  	[tilespmem:s7+$0xE180] =	vst.add.f32.msk $0xffff, v9  }
0x5a1: {  	[tilespmem:s7+$0xE190] =	vst.add.f32.msk $0xffff, v10  }
0x5a2: {  	[tilespmem:s7+$0xE1A0] =	vst.add.f32.msk $0xffff, v11  }
0x5a3: {  	[tilespmem:s7+$0xE1B0] =	vst.add.f32.msk $0xffff, v12  }
0x5a4: {  	[tilespmem:s7+$0xE1C0] =	vst.add.f32.msk $0xffff, v13  }
0x5a5: {  	[tilespmem:s7+$0xE1D0] =	vst.add.f32.msk $0xffff, v14  }
0x5a6: {  	[tilespmem:s7+$0xE1E0] =	vst.add.f32.msk $0xffff, v15  }
0x5a7: {  	[tilespmem:s7+$0xE1F0] =	vst.add.f32.msk $0xffff, v16  }
0x5a8: {  	[tilespmem:s7+$0xE200] =	vst.add.f32.msk $0xffff, v17  }
0x5a9: {  	[tilespmem:s7+$0xE210] =	vst.add.f32.msk $0xffff, v18  }
0x5aa: {  	[tilespmem:s7+$0xE220] =	vst.add.f32.msk $0xffff, v19  }
0x5ab: {  	[tilespmem:s7+$0xE230] =	vst.add.f32.msk $0xffff, v20  }
0x5ac: {  	[tilespmem:s7+$0xE240] =	vst.add.f32.msk $0xffff, v21  }
0x5ad: {  	[tilespmem:s7+$0xE250] =	vst.add.f32.msk $0xffff, v22  }
0x5ae: {  	[tilespmem:s7+$0xE260] =	vst.add.f32.msk $0xffff, v23  }
0x5af: {  	[tilespmem:s7+$0xE270] =	vst.add.f32.msk $0xffff, v24  }
0x5b0: {  	[tilespmem:s7+$0xE280] =	vst.add.f32.msk $0xffff, v25  }
0x5b1: {  	[tilespmem:s7+$0xE290] =	vst.add.f32.msk $0xffff, v26  }
0x5b2: {  	[tilespmem:s7+$0xE2A0] =	vst.add.f32.msk $0xffff, v27  }
0x5b3: {  	[tilespmem:s7+$0xE2B0] =	vst.add.f32.msk $0xffff, v28  }
0x5b4: {  	[tilespmem:s7+$0xE2C0] =	vst.add.f32.msk $0xffff, v29  }
0x5b5: {  	s8 =	simm.s32 $0x0;
	s9 =	simm.s32 $0x800;
	[tilespmem:s7+$0xE2D0] =	vst.add.f32.msk $0xffff, v30  }
.LBB2_22:
0x5b6: {  	s8 =	sadd.s32 $0x8, s8;
	[tilespmem:s7+$0xE2E0] =	vst.add.f32.msk $0xffff, v0;
	s7 =	sshra.s32 s9, $0x2  }
0x5b7: {  	v0 =	vld [tilespmem:s7+$0x1F0];
	p0 =	slt.u32 s8, $0x188  }
0x5b8: {  	v1 =	vld [tilespmem:s7+$0x0]  }
0x5b9: {  	v2 =	vld [tilespmem:s7+$0x10]  }
0x5ba: {  	v3 =	vld [tilespmem:s7+$0x20]  }
0x5bb: {  	v4 =	vld [tilespmem:s7+$0x30]  }
0x5bc: {  	[tilespmem:s7+$0xE2F0] =	vst.add.f32.msk $0xffff, v0  }
0x5bd: {  	v5 =	vld [tilespmem:s7+$0x40]  }
0x5be: {  	v6 =	vld [tilespmem:s7+$0x50]  }
0x5bf: {  	v7 =	vld [tilespmem:s7+$0x60]  }
0x5c0: {  	v8 =	vld [tilespmem:s7+$0x70]  }
0x5c1: {  	v9 =	vld [tilespmem:s7+$0x80]  }
0x5c2: {  	v10 =	vld [tilespmem:s7+$0x90]  }
0x5c3: {  	v11 =	vld [tilespmem:s7+$0xA0]  }
0x5c4: {  	v12 =	vld [tilespmem:s7+$0xB0]  }
0x5c5: {  	v13 =	vld [tilespmem:s7+$0xC0]  }
0x5c6: {  	v14 =	vld [tilespmem:s7+$0xD0]  }
0x5c7: {  	v15 =	vld [tilespmem:s7+$0xE0]  }
0x5c8: {  	v16 =	vld [tilespmem:s7+$0xF0]  }
0x5c9: {  	v17 =	vld [tilespmem:s7+$0x100]  }
0x5ca: {  	v18 =	vld [tilespmem:s7+$0x110]  }
0x5cb: {  	v19 =	vld [tilespmem:s7+$0x120]  }
0x5cc: {  	v20 =	vld [tilespmem:s7+$0x130]  }
0x5cd: {  	v21 =	vld [tilespmem:s7+$0x140]  }
0x5ce: {  	v22 =	vld [tilespmem:s7+$0x150]  }
0x5cf: {  	v23 =	vld [tilespmem:s7+$0x160]  }
0x5d0: {  	v24 =	vld [tilespmem:s7+$0x170]  }
0x5d1: {  	v25 =	vld [tilespmem:s7+$0x180]  }
0x5d2: {  	v26 =	vld [tilespmem:s7+$0x190]  }
0x5d3: {  	v27 =	vld [tilespmem:s7+$0x1A0]  }
0x5d4: {  	v28 =	vld [tilespmem:s7+$0x1B0]  }
0x5d5: {  	v29 =	vld [tilespmem:s7+$0x1C0]  }
0x5d6: {  	v30 =	vld [tilespmem:s7+$0x1D0]  }
0x5d7: {  	v0 =	vld [tilespmem:s7+$0x1E0]  }
0x5d8: {  	[tilespmem:s7+$0xE100] =	vst.add.f32.msk $0xffff, v1  }
0x5d9: {  	[tilespmem:s7+$0xE110] =	vst.add.f32.msk $0xffff, v2  }
0x5da: {  	[tilespmem:s7+$0xE120] =	vst.add.f32.msk $0xffff, v3  }
0x5db: {  	[tilespmem:s7+$0xE130] =	vst.add.f32.msk $0xffff, v4  }
0x5dc: {  	[tilespmem:s7+$0xE140] =	vst.add.f32.msk $0xffff, v5  }
0x5dd: {  	[tilespmem:s7+$0xE150] =	vst.add.f32.msk $0xffff, v6  }
0x5de: {  	[tilespmem:s7+$0xE160] =	vst.add.f32.msk $0xffff, v7  }
0x5df: {  	[tilespmem:s7+$0xE170] =	vst.add.f32.msk $0xffff, v8  }
0x5e0: {  	[tilespmem:s7+$0xE180] =	vst.add.f32.msk $0xffff, v9  }
0x5e1: {  	[tilespmem:s7+$0xE190] =	vst.add.f32.msk $0xffff, v10  }
0x5e2: {  	[tilespmem:s7+$0xE1A0] =	vst.add.f32.msk $0xffff, v11  }
0x5e3: {  	[tilespmem:s7+$0xE1B0] =	vst.add.f32.msk $0xffff, v12  }
0x5e4: {  	[tilespmem:s7+$0xE1C0] =	vst.add.f32.msk $0xffff, v13  }
0x5e5: {  	[tilespmem:s7+$0xE1D0] =	vst.add.f32.msk $0xffff, v14  }
0x5e6: {  	[tilespmem:s7+$0xE1E0] =	vst.add.f32.msk $0xffff, v15  }
0x5e7: {  	[tilespmem:s7+$0xE1F0] =	vst.add.f32.msk $0xffff, v16  }
0x5e8: {  	[tilespmem:s7+$0xE200] =	vst.add.f32.msk $0xffff, v17  }
0x5e9: {  	[tilespmem:s7+$0xE210] =	vst.add.f32.msk $0xffff, v18  }
0x5ea: {  	[tilespmem:s7+$0xE220] =	vst.add.f32.msk $0xffff, v19  }
0x5eb: {  	[tilespmem:s7+$0xE230] =	vst.add.f32.msk $0xffff, v20  }
0x5ec: {  	[tilespmem:s7+$0xE240] =	vst.add.f32.msk $0xffff, v21  }
0x5ed: {  	[tilespmem:s7+$0xE250] =	vst.add.f32.msk $0xffff, v22  }
0x5ee: {  	[tilespmem:s7+$0xE260] =	vst.add.f32.msk $0xffff, v23  }
0x5ef: {  	[tilespmem:s7+$0xE270] =	vst.add.f32.msk $0xffff, v24  }
0x5f0: {  	[tilespmem:s7+$0xE280] =	vst.add.f32.msk $0xffff, v25  }
.Ltmp10:
0x5f1: {  	[tilespmem:s7+$0xE290] =	vst.add.f32.msk $0xffff, v26;
	(pc) =	sbr.rel @p0 .LBB2_22-.Ltmp10, $4  }
0x5f2: {  	[tilespmem:s7+$0xE2A0] =	vst.add.f32.msk $0xffff, v27  }
0x5f3: {  	[tilespmem:s7+$0xE2B0] =	vst.add.f32.msk $0xffff, v28  }
0x5f4: {  	[tilespmem:s7+$0xE2C0] =	vst.add.f32.msk $0xffff, v29  }
0x5f5: {  	s9 =	sadd.s32 $0x800, s9;
	[tilespmem:s7+$0xE2D0] =	vst.add.f32.msk $0xffff, v30  }
0x5f6: {  	[tilespmem:s7+$0xE2E0] =	vst.add.f32.msk $0xffff, v0;
	s8 =	simm.s32 $0x0  }
0x5f7: {  	[hbm4b:s16+s8] =	stream.linear.scatter [tilespmem:s31], [sflag:$0x5], $0x6400, $0x38;
	[tilespmem:$0x1A900] =	vst v63  }
0x5f8: {  	_ =	swait.ge [sflag:s30], $0x6400  }
0x5f9: {  	[sflag:s30] =	ssyncset.done $0x0  }
0x5fa: {  	[sflag:s30] =	ssyncadd.s32 $0xFFFF9C00  }
0x5fb: {  	_ =	swait.ge [sflag:s0], $0x6400  }
0x5fc: {  	[sflag:s0] =	ssyncset.done $0x0  }
0x5fd: {  	s9 =	simm.s32 $0x76C0;
	s7 =	simm.s32 $0x0;
	[sflag:s0] =	ssyncadd.s32 $0xFFFF9C00  }
0x5fe: {  	[tilespmem:s28], [sflag:$0x1] =	stream.indirect.gather [hbm4b:s3+s26], $0x40, s9, s26, $0xb8;
	[tilespmem:$0x1A900] =	vst v63  }
0x5ff: {  	v0 =	vld [tilespmem:s7+$0x1F0]  }
0x600: {  	v1 =	vld [tilespmem:s7+$0x0]  }
0x601: {  	v2 =	vld [tilespmem:s7+$0x10]  }
0x602: {  	v3 =	vld [tilespmem:s7+$0x20]  }
0x603: {  	v4 =	vld [tilespmem:s7+$0x30]  }
0x604: {  	v5 =	vld [tilespmem:s7+$0x40]  }
0x605: {  	v6 =	vld [tilespmem:s7+$0x50]  }
0x606: {  	v7 =	vld [tilespmem:s7+$0x60]  }
0x607: {  	v8 =	vld [tilespmem:s7+$0x70]  }
0x608: {  	v9 =	vld [tilespmem:s7+$0x80]  }
0x609: {  	v10 =	vld [tilespmem:s7+$0x90]  }
0x60a: {  	v11 =	vld [tilespmem:s7+$0xA0]  }
0x60b: {  	v12 =	vld [tilespmem:s7+$0xB0]  }
0x60c: {  	v13 =	vld [tilespmem:s7+$0xC0]  }
0x60d: {  	v14 =	vld [tilespmem:s7+$0xD0]  }
0x60e: {  	v15 =	vld [tilespmem:s7+$0xE0]  }
0x60f: {  	v16 =	vld [tilespmem:s7+$0xF0]  }
0x610: {  	v17 =	vld [tilespmem:s7+$0x100]  }
0x611: {  	v18 =	vld [tilespmem:s7+$0x110]  }
0x612: {  	v19 =	vld [tilespmem:s7+$0x120]  }
0x613: {  	v20 =	vld [tilespmem:s7+$0x130]  }
0x614: {  	v21 =	vld [tilespmem:s7+$0x140]  }
0x615: {  	v22 =	vld [tilespmem:s7+$0x150]  }
0x616: {  	v23 =	vld [tilespmem:s7+$0x160]  }
0x617: {  	v24 =	vld [tilespmem:s7+$0x170]  }
0x618: {  	v25 =	vld [tilespmem:s7+$0x180]  }
0x619: {  	v26 =	vld [tilespmem:s7+$0x190]  }
0x61a: {  	v27 =	vld [tilespmem:s7+$0x1A0]  }
0x61b: {  	v28 =	vld [tilespmem:s7+$0x1B0]  }
0x61c: {  	v29 =	vld [tilespmem:s7+$0x1C0]  }
0x61d: {  	v30 =	vld [tilespmem:s7+$0x1D0]  }
0x61e: {  	[tilespmem:s7+$0x146F0] =	vst.add.f32.msk $0xffff, v0  }
0x61f: {  	v0 =	vld [tilespmem:s7+$0x1E0]  }
0x620: {  	[tilespmem:s7+$0x14500] =	vst.add.f32.msk $0xffff, v1  }
0x621: {  	[tilespmem:s7+$0x14510] =	vst.add.f32.msk $0xffff, v2  }
0x622: {  	[tilespmem:s7+$0x14520] =	vst.add.f32.msk $0xffff, v3  }
0x623: {  	[tilespmem:s7+$0x14530] =	vst.add.f32.msk $0xffff, v4  }
0x624: {  	[tilespmem:s7+$0x14540] =	vst.add.f32.msk $0xffff, v5  }
0x625: {  	[tilespmem:s7+$0x14550] =	vst.add.f32.msk $0xffff, v6  }
0x626: {  	[tilespmem:s7+$0x14560] =	vst.add.f32.msk $0xffff, v7  }
0x627: {  	[tilespmem:s7+$0x14570] =	vst.add.f32.msk $0xffff, v8  }
0x628: {  	[tilespmem:s7+$0x14580] =	vst.add.f32.msk $0xffff, v9  }
0x629: {  	[tilespmem:s7+$0x14590] =	vst.add.f32.msk $0xffff, v10  }
0x62a: {  	[tilespmem:s7+$0x145A0] =	vst.add.f32.msk $0xffff, v11  }
0x62b: {  	[tilespmem:s7+$0x145B0] =	vst.add.f32.msk $0xffff, v12  }
0x62c: {  	[tilespmem:s7+$0x145C0] =	vst.add.f32.msk $0xffff, v13  }
0x62d: {  	[tilespmem:s7+$0x145D0] =	vst.add.f32.msk $0xffff, v14  }
0x62e: {  	[tilespmem:s7+$0x145E0] =	vst.add.f32.msk $0xffff, v15  }
0x62f: {  	[tilespmem:s7+$0x145F0] =	vst.add.f32.msk $0xffff, v16  }
0x630: {  	[tilespmem:s7+$0x14600] =	vst.add.f32.msk $0xffff, v17  }
0x631: {  	[tilespmem:s7+$0x14610] =	vst.add.f32.msk $0xffff, v18  }
0x632: {  	[tilespmem:s7+$0x14620] =	vst.add.f32.msk $0xffff, v19  }
0x633: {  	[tilespmem:s7+$0x14630] =	vst.add.f32.msk $0xffff, v20  }
0x634: {  	[tilespmem:s7+$0x14640] =	vst.add.f32.msk $0xffff, v21  }
0x635: {  	[tilespmem:s7+$0x14650] =	vst.add.f32.msk $0xffff, v22  }
0x636: {  	[tilespmem:s7+$0x14660] =	vst.add.f32.msk $0xffff, v23  }
0x637: {  	[tilespmem:s7+$0x14670] =	vst.add.f32.msk $0xffff, v24  }
0x638: {  	[tilespmem:s7+$0x14680] =	vst.add.f32.msk $0xffff, v25  }
0x639: {  	[tilespmem:s7+$0x14690] =	vst.add.f32.msk $0xffff, v26  }
0x63a: {  	[tilespmem:s7+$0x146A0] =	vst.add.f32.msk $0xffff, v27  }
0x63b: {  	[tilespmem:s7+$0x146B0] =	vst.add.f32.msk $0xffff, v28  }
0x63c: {  	[tilespmem:s7+$0x146C0] =	vst.add.f32.msk $0xffff, v29  }
0x63d: {  	s8 =	simm.s32 $0x0;
	s9 =	simm.s32 $0x800;
	[tilespmem:s7+$0x146D0] =	vst.add.f32.msk $0xffff, v30  }
.LBB2_24:
0x63e: {  	s8 =	sadd.s32 $0x8, s8;
	[tilespmem:s7+$0x146E0] =	vst.add.f32.msk $0xffff, v0;
	s7 =	sshra.s32 s9, $0x2  }
0x63f: {  	v0 =	vld [tilespmem:s7+$0x1F0];
	p0 =	slt.u32 s8, $0x188  }
0x640: {  	v1 =	vld [tilespmem:s7+$0x0]  }
0x641: {  	v2 =	vld [tilespmem:s7+$0x10]  }
0x642: {  	v3 =	vld [tilespmem:s7+$0x20]  }
0x643: {  	v4 =	vld [tilespmem:s7+$0x30]  }
0x644: {  	[tilespmem:s7+$0x146F0] =	vst.add.f32.msk $0xffff, v0  }
0x645: {  	v5 =	vld [tilespmem:s7+$0x40]  }
0x646: {  	v6 =	vld [tilespmem:s7+$0x50]  }
0x647: {  	v7 =	vld [tilespmem:s7+$0x60]  }
0x648: {  	v8 =	vld [tilespmem:s7+$0x70]  }
0x649: {  	v9 =	vld [tilespmem:s7+$0x80]  }
0x64a: {  	v10 =	vld [tilespmem:s7+$0x90]  }
0x64b: {  	v11 =	vld [tilespmem:s7+$0xA0]  }
0x64c: {  	v12 =	vld [tilespmem:s7+$0xB0]  }
0x64d: {  	v13 =	vld [tilespmem:s7+$0xC0]  }
0x64e: {  	v14 =	vld [tilespmem:s7+$0xD0]  }
0x64f: {  	v15 =	vld [tilespmem:s7+$0xE0]  }
0x650: {  	v16 =	vld [tilespmem:s7+$0xF0]  }
0x651: {  	v17 =	vld [tilespmem:s7+$0x100]  }
0x652: {  	v18 =	vld [tilespmem:s7+$0x110]  }
0x653: {  	v19 =	vld [tilespmem:s7+$0x120]  }
0x654: {  	v20 =	vld [tilespmem:s7+$0x130]  }
0x655: {  	v21 =	vld [tilespmem:s7+$0x140]  }
0x656: {  	v22 =	vld [tilespmem:s7+$0x150]  }
0x657: {  	v23 =	vld [tilespmem:s7+$0x160]  }
0x658: {  	v24 =	vld [tilespmem:s7+$0x170]  }
0x659: {  	v25 =	vld [tilespmem:s7+$0x180]  }
0x65a: {  	v26 =	vld [tilespmem:s7+$0x190]  }
0x65b: {  	v27 =	vld [tilespmem:s7+$0x1A0]  }
0x65c: {  	v28 =	vld [tilespmem:s7+$0x1B0]  }
0x65d: {  	v29 =	vld [tilespmem:s7+$0x1C0]  }
0x65e: {  	v30 =	vld [tilespmem:s7+$0x1D0]  }
0x65f: {  	v0 =	vld [tilespmem:s7+$0x1E0]  }
0x660: {  	[tilespmem:s7+$0x14500] =	vst.add.f32.msk $0xffff, v1  }
0x661: {  	[tilespmem:s7+$0x14510] =	vst.add.f32.msk $0xffff, v2  }
0x662: {  	[tilespmem:s7+$0x14520] =	vst.add.f32.msk $0xffff, v3  }
0x663: {  	[tilespmem:s7+$0x14530] =	vst.add.f32.msk $0xffff, v4  }
0x664: {  	[tilespmem:s7+$0x14540] =	vst.add.f32.msk $0xffff, v5  }
0x665: {  	[tilespmem:s7+$0x14550] =	vst.add.f32.msk $0xffff, v6  }
0x666: {  	[tilespmem:s7+$0x14560] =	vst.add.f32.msk $0xffff, v7  }
0x667: {  	[tilespmem:s7+$0x14570] =	vst.add.f32.msk $0xffff, v8  }
0x668: {  	[tilespmem:s7+$0x14580] =	vst.add.f32.msk $0xffff, v9  }
0x669: {  	[tilespmem:s7+$0x14590] =	vst.add.f32.msk $0xffff, v10  }
0x66a: {  	[tilespmem:s7+$0x145A0] =	vst.add.f32.msk $0xffff, v11  }
0x66b: {  	[tilespmem:s7+$0x145B0] =	vst.add.f32.msk $0xffff, v12  }
0x66c: {  	[tilespmem:s7+$0x145C0] =	vst.add.f32.msk $0xffff, v13  }
0x66d: {  	[tilespmem:s7+$0x145D0] =	vst.add.f32.msk $0xffff, v14  }
0x66e: {  	[tilespmem:s7+$0x145E0] =	vst.add.f32.msk $0xffff, v15  }
0x66f: {  	[tilespmem:s7+$0x145F0] =	vst.add.f32.msk $0xffff, v16  }
0x670: {  	[tilespmem:s7+$0x14600] =	vst.add.f32.msk $0xffff, v17  }
0x671: {  	[tilespmem:s7+$0x14610] =	vst.add.f32.msk $0xffff, v18  }
0x672: {  	[tilespmem:s7+$0x14620] =	vst.add.f32.msk $0xffff, v19  }
0x673: {  	[tilespmem:s7+$0x14630] =	vst.add.f32.msk $0xffff, v20  }
0x674: {  	[tilespmem:s7+$0x14640] =	vst.add.f32.msk $0xffff, v21  }
0x675: {  	[tilespmem:s7+$0x14650] =	vst.add.f32.msk $0xffff, v22  }
0x676: {  	[tilespmem:s7+$0x14660] =	vst.add.f32.msk $0xffff, v23  }
0x677: {  	[tilespmem:s7+$0x14670] =	vst.add.f32.msk $0xffff, v24  }
0x678: {  	[tilespmem:s7+$0x14680] =	vst.add.f32.msk $0xffff, v25  }
.Ltmp11:
0x679: {  	[tilespmem:s7+$0x14690] =	vst.add.f32.msk $0xffff, v26;
	(pc) =	sbr.rel @p0 .LBB2_24-.Ltmp11, $4  }
0x67a: {  	[tilespmem:s7+$0x146A0] =	vst.add.f32.msk $0xffff, v27  }
0x67b: {  	[tilespmem:s7+$0x146B0] =	vst.add.f32.msk $0xffff, v28  }
0x67c: {  	[tilespmem:s7+$0x146C0] =	vst.add.f32.msk $0xffff, v29  }
0x67d: {  	s9 =	sadd.s32 $0x800, s9;
	[tilespmem:s7+$0x146D0] =	vst.add.f32.msk $0xffff, v30  }
0x67e: {  	[tilespmem:s7+$0x146E0] =	vst.add.f32.msk $0xffff, v0;
	s8 =	simm.s32 $0x0  }
0x67f: {  	[hbm4b:s17+s8] =	stream.linear.scatter [tilespmem:s25], [sflag:$0x6], $0x6400, $0x38;
	[tilespmem:$0x1A900] =	vst v63  }
0x680: {  	_ =	swait.ge [sflag:s29], $0x6400  }
0x681: {  	[sflag:s29] =	ssyncset.done $0x0  }
0x682: {  	[sflag:s29] =	ssyncadd.s32 $0xFFFF9C00  }
0x683: {  	_ =	swait.ge [sflag:s23], $0x6400  }
0x684: {  	[sflag:s23] =	ssyncset.done $0x0  }
0x685: {  	s9 =	simm.s32 $0x7850;
	s7 =	simm.s32 $0x0;
	[sflag:s23] =	ssyncadd.s32 $0xFFFF9C00  }
0x686: {  	[tilespmem:s31], [sflag:$0x2] =	stream.indirect.gather [hbm4b:s3+s26], $0x40, s9, s26, $0xb8;
	[tilespmem:$0x1A900] =	vst v63  }
0x687: {  	v0 =	vld [tilespmem:s7+$0x1F0]  }
0x688: {  	v1 =	vld [tilespmem:s7+$0x0]  }
0x689: {  	v2 =	vld [tilespmem:s7+$0x10]  }
0x68a: {  	v3 =	vld [tilespmem:s7+$0x20]  }
0x68b: {  	v4 =	vld [tilespmem:s7+$0x30]  }
0x68c: {  	v5 =	vld [tilespmem:s7+$0x40]  }
0x68d: {  	v6 =	vld [tilespmem:s7+$0x50]  }
0x68e: {  	v7 =	vld [tilespmem:s7+$0x60]  }
0x68f: {  	v8 =	vld [tilespmem:s7+$0x70]  }
0x690: {  	v9 =	vld [tilespmem:s7+$0x80]  }
0x691: {  	v10 =	vld [tilespmem:s7+$0x90]  }
0x692: {  	v11 =	vld [tilespmem:s7+$0xA0]  }
0x693: {  	v12 =	vld [tilespmem:s7+$0xB0]  }
0x694: {  	v13 =	vld [tilespmem:s7+$0xC0]  }
0x695: {  	v14 =	vld [tilespmem:s7+$0xD0]  }
0x696: {  	v15 =	vld [tilespmem:s7+$0xE0]  }
0x697: {  	v16 =	vld [tilespmem:s7+$0xF0]  }
0x698: {  	v17 =	vld [tilespmem:s7+$0x100]  }
0x699: {  	v18 =	vld [tilespmem:s7+$0x110]  }
0x69a: {  	v19 =	vld [tilespmem:s7+$0x120]  }
0x69b: {  	v20 =	vld [tilespmem:s7+$0x130]  }
0x69c: {  	v21 =	vld [tilespmem:s7+$0x140]  }
0x69d: {  	v22 =	vld [tilespmem:s7+$0x150]  }
0x69e: {  	v23 =	vld [tilespmem:s7+$0x160]  }
0x69f: {  	v24 =	vld [tilespmem:s7+$0x170]  }
0x6a0: {  	v25 =	vld [tilespmem:s7+$0x180]  }
0x6a1: {  	v26 =	vld [tilespmem:s7+$0x190]  }
0x6a2: {  	v27 =	vld [tilespmem:s7+$0x1A0]  }
0x6a3: {  	v28 =	vld [tilespmem:s7+$0x1B0]  }
0x6a4: {  	v29 =	vld [tilespmem:s7+$0x1C0]  }
0x6a5: {  	v30 =	vld [tilespmem:s7+$0x1D0]  }
0x6a6: {  	[tilespmem:s7+$0x7EF0] =	vst.add.f32.msk $0xffff, v0  }
0x6a7: {  	v0 =	vld [tilespmem:s7+$0x1E0]  }
0x6a8: {  	[tilespmem:s7+$0x7D00] =	vst.add.f32.msk $0xffff, v1  }
0x6a9: {  	[tilespmem:s7+$0x7D10] =	vst.add.f32.msk $0xffff, v2  }
0x6aa: {  	[tilespmem:s7+$0x7D20] =	vst.add.f32.msk $0xffff, v3  }
0x6ab: {  	[tilespmem:s7+$0x7D30] =	vst.add.f32.msk $0xffff, v4  }
0x6ac: {  	[tilespmem:s7+$0x7D40] =	vst.add.f32.msk $0xffff, v5  }
0x6ad: {  	[tilespmem:s7+$0x7D50] =	vst.add.f32.msk $0xffff, v6  }
0x6ae: {  	[tilespmem:s7+$0x7D60] =	vst.add.f32.msk $0xffff, v7  }
0x6af: {  	[tilespmem:s7+$0x7D70] =	vst.add.f32.msk $0xffff, v8  }
0x6b0: {  	[tilespmem:s7+$0x7D80] =	vst.add.f32.msk $0xffff, v9  }
0x6b1: {  	[tilespmem:s7+$0x7D90] =	vst.add.f32.msk $0xffff, v10  }
0x6b2: {  	[tilespmem:s7+$0x7DA0] =	vst.add.f32.msk $0xffff, v11  }
0x6b3: {  	[tilespmem:s7+$0x7DB0] =	vst.add.f32.msk $0xffff, v12  }
0x6b4: {  	[tilespmem:s7+$0x7DC0] =	vst.add.f32.msk $0xffff, v13  }
0x6b5: {  	[tilespmem:s7+$0x7DD0] =	vst.add.f32.msk $0xffff, v14  }
0x6b6: {  	[tilespmem:s7+$0x7DE0] =	vst.add.f32.msk $0xffff, v15  }
0x6b7: {  	[tilespmem:s7+$0x7DF0] =	vst.add.f32.msk $0xffff, v16  }
0x6b8: {  	[tilespmem:s7+$0x7E00] =	vst.add.f32.msk $0xffff, v17  }
0x6b9: {  	[tilespmem:s7+$0x7E10] =	vst.add.f32.msk $0xffff, v18  }
0x6ba: {  	[tilespmem:s7+$0x7E20] =	vst.add.f32.msk $0xffff, v19  }
0x6bb: {  	[tilespmem:s7+$0x7E30] =	vst.add.f32.msk $0xffff, v20  }
0x6bc: {  	[tilespmem:s7+$0x7E40] =	vst.add.f32.msk $0xffff, v21  }
0x6bd: {  	[tilespmem:s7+$0x7E50] =	vst.add.f32.msk $0xffff, v22  }
0x6be: {  	[tilespmem:s7+$0x7E60] =	vst.add.f32.msk $0xffff, v23  }
0x6bf: {  	[tilespmem:s7+$0x7E70] =	vst.add.f32.msk $0xffff, v24  }
0x6c0: {  	[tilespmem:s7+$0x7E80] =	vst.add.f32.msk $0xffff, v25  }
0x6c1: {  	[tilespmem:s7+$0x7E90] =	vst.add.f32.msk $0xffff, v26  }
0x6c2: {  	[tilespmem:s7+$0x7EA0] =	vst.add.f32.msk $0xffff, v27  }
0x6c3: {  	[tilespmem:s7+$0x7EB0] =	vst.add.f32.msk $0xffff, v28  }
0x6c4: {  	[tilespmem:s7+$0x7EC0] =	vst.add.f32.msk $0xffff, v29  }
0x6c5: {  	s8 =	simm.s32 $0x0;
	s9 =	simm.s32 $0x800;
	[tilespmem:s7+$0x7ED0] =	vst.add.f32.msk $0xffff, v30  }
.LBB2_26:
0x6c6: {  	s8 =	sadd.s32 $0x8, s8;
	[tilespmem:s7+$0x7EE0] =	vst.add.f32.msk $0xffff, v0;
	s7 =	sshra.s32 s9, $0x2  }
0x6c7: {  	v0 =	vld [tilespmem:s7+$0x1F0];
	p0 =	slt.u32 s8, $0x188  }
0x6c8: {  	v1 =	vld [tilespmem:s7+$0x0]  }
0x6c9: {  	v2 =	vld [tilespmem:s7+$0x10]  }
0x6ca: {  	v3 =	vld [tilespmem:s7+$0x20]  }
0x6cb: {  	v4 =	vld [tilespmem:s7+$0x30]  }
0x6cc: {  	[tilespmem:s7+$0x7EF0] =	vst.add.f32.msk $0xffff, v0  }
0x6cd: {  	v5 =	vld [tilespmem:s7+$0x40]  }
0x6ce: {  	v6 =	vld [tilespmem:s7+$0x50]  }
0x6cf: {  	v7 =	vld [tilespmem:s7+$0x60]  }
0x6d0: {  	v8 =	vld [tilespmem:s7+$0x70]  }
0x6d1: {  	v9 =	vld [tilespmem:s7+$0x80]  }
0x6d2: {  	v10 =	vld [tilespmem:s7+$0x90]  }
0x6d3: {  	v11 =	vld [tilespmem:s7+$0xA0]  }
0x6d4: {  	v12 =	vld [tilespmem:s7+$0xB0]  }
0x6d5: {  	v13 =	vld [tilespmem:s7+$0xC0]  }
0x6d6: {  	v14 =	vld [tilespmem:s7+$0xD0]  }
0x6d7: {  	v15 =	vld [tilespmem:s7+$0xE0]  }
0x6d8: {  	v16 =	vld [tilespmem:s7+$0xF0]  }
0x6d9: {  	v17 =	vld [tilespmem:s7+$0x100]  }
0x6da: {  	v18 =	vld [tilespmem:s7+$0x110]  }
0x6db: {  	v19 =	vld [tilespmem:s7+$0x120]  }
0x6dc: {  	v20 =	vld [tilespmem:s7+$0x130]  }
0x6dd: {  	v21 =	vld [tilespmem:s7+$0x140]  }
0x6de: {  	v22 =	vld [tilespmem:s7+$0x150]  }
0x6df: {  	v23 =	vld [tilespmem:s7+$0x160]  }
0x6e0: {  	v24 =	vld [tilespmem:s7+$0x170]  }
0x6e1: {  	v25 =	vld [tilespmem:s7+$0x180]  }
0x6e2: {  	v26 =	vld [tilespmem:s7+$0x190]  }
0x6e3: {  	v27 =	vld [tilespmem:s7+$0x1A0]  }
0x6e4: {  	v28 =	vld [tilespmem:s7+$0x1B0]  }
0x6e5: {  	v29 =	vld [tilespmem:s7+$0x1C0]  }
0x6e6: {  	v30 =	vld [tilespmem:s7+$0x1D0]  }
0x6e7: {  	v0 =	vld [tilespmem:s7+$0x1E0]  }
0x6e8: {  	[tilespmem:s7+$0x7D00] =	vst.add.f32.msk $0xffff, v1  }
0x6e9: {  	[tilespmem:s7+$0x7D10] =	vst.add.f32.msk $0xffff, v2  }
0x6ea: {  	[tilespmem:s7+$0x7D20] =	vst.add.f32.msk $0xffff, v3  }
0x6eb: {  	[tilespmem:s7+$0x7D30] =	vst.add.f32.msk $0xffff, v4  }
0x6ec: {  	[tilespmem:s7+$0x7D40] =	vst.add.f32.msk $0xffff, v5  }
0x6ed: {  	[tilespmem:s7+$0x7D50] =	vst.add.f32.msk $0xffff, v6  }
0x6ee: {  	[tilespmem:s7+$0x7D60] =	vst.add.f32.msk $0xffff, v7  }
0x6ef: {  	[tilespmem:s7+$0x7D70] =	vst.add.f32.msk $0xffff, v8  }
0x6f0: {  	[tilespmem:s7+$0x7D80] =	vst.add.f32.msk $0xffff, v9  }
0x6f1: {  	[tilespmem:s7+$0x7D90] =	vst.add.f32.msk $0xffff, v10  }
0x6f2: {  	[tilespmem:s7+$0x7DA0] =	vst.add.f32.msk $0xffff, v11  }
0x6f3: {  	[tilespmem:s7+$0x7DB0] =	vst.add.f32.msk $0xffff, v12  }
0x6f4: {  	[tilespmem:s7+$0x7DC0] =	vst.add.f32.msk $0xffff, v13  }
0x6f5: {  	[tilespmem:s7+$0x7DD0] =	vst.add.f32.msk $0xffff, v14  }
0x6f6: {  	[tilespmem:s7+$0x7DE0] =	vst.add.f32.msk $0xffff, v15  }
0x6f7: {  	[tilespmem:s7+$0x7DF0] =	vst.add.f32.msk $0xffff, v16  }
0x6f8: {  	[tilespmem:s7+$0x7E00] =	vst.add.f32.msk $0xffff, v17  }
0x6f9: {  	[tilespmem:s7+$0x7E10] =	vst.add.f32.msk $0xffff, v18  }
0x6fa: {  	[tilespmem:s7+$0x7E20] =	vst.add.f32.msk $0xffff, v19  }
0x6fb: {  	[tilespmem:s7+$0x7E30] =	vst.add.f32.msk $0xffff, v20  }
0x6fc: {  	[tilespmem:s7+$0x7E40] =	vst.add.f32.msk $0xffff, v21  }
0x6fd: {  	[tilespmem:s7+$0x7E50] =	vst.add.f32.msk $0xffff, v22  }
0x6fe: {  	[tilespmem:s7+$0x7E60] =	vst.add.f32.msk $0xffff, v23  }
0x6ff: {  	[tilespmem:s7+$0x7E70] =	vst.add.f32.msk $0xffff, v24  }
0x700: {  	[tilespmem:s7+$0x7E80] =	vst.add.f32.msk $0xffff, v25  }
.Ltmp12:
0x701: {  	[tilespmem:s7+$0x7E90] =	vst.add.f32.msk $0xffff, v26;
	(pc) =	sbr.rel @p0 .LBB2_26-.Ltmp12, $4  }
0x702: {  	[tilespmem:s7+$0x7EA0] =	vst.add.f32.msk $0xffff, v27  }
0x703: {  	[tilespmem:s7+$0x7EB0] =	vst.add.f32.msk $0xffff, v28  }
0x704: {  	[tilespmem:s7+$0x7EC0] =	vst.add.f32.msk $0xffff, v29  }
0x705: {  	s9 =	sadd.s32 $0x800, s9;
	[tilespmem:s7+$0x7ED0] =	vst.add.f32.msk $0xffff, v30  }
0x706: {  	[tilespmem:s7+$0x7EE0] =	vst.add.f32.msk $0xffff, v0;
	s8 =	simm.s32 $0x0  }
0x707: {  	[hbm4b:s18+s8] =	stream.linear.scatter [tilespmem:s28], [sflag:$0x4], $0x6400, $0x38;
	[tilespmem:$0x1A900] =	vst v63  }
0x708: {  	_ =	swait.ge [sflag:s1], $0x6400  }
0x709: {  	[sflag:s1] =	ssyncset.done $0x0  }
0x70a: {  	[sflag:s1] =	ssyncadd.s32 $0xFFFF9C00  }
0x70b: {  	_ =	swait.ge [sflag:s5], $0x6400  }
0x70c: {  	[sflag:s5] =	ssyncset.done $0x0  }
0x70d: {  	s9 =	simm.s32 $0x79E0;
	s7 =	simm.s32 $0x0;
	[sflag:s5] =	ssyncadd.s32 $0xFFFF9C00  }
0x70e: {  	[tilespmem:s25], [sflag:$0x3] =	stream.indirect.gather [hbm4b:s3+s26], $0x40, s9, s26, $0xb8;
	[tilespmem:$0x1A900] =	vst v63  }
0x70f: {  	v0 =	vld [tilespmem:s7+$0x1F0]  }
0x710: {  	v1 =	vld [tilespmem:s7+$0x0]  }
0x711: {  	v2 =	vld [tilespmem:s7+$0x10]  }
0x712: {  	v3 =	vld [tilespmem:s7+$0x20]  }
0x713: {  	v4 =	vld [tilespmem:s7+$0x30]  }
0x714: {  	v5 =	vld [tilespmem:s7+$0x40]  }
0x715: {  	v6 =	vld [tilespmem:s7+$0x50]  }
0x716: {  	v7 =	vld [tilespmem:s7+$0x60]  }
0x717: {  	v8 =	vld [tilespmem:s7+$0x70]  }
0x718: {  	v9 =	vld [tilespmem:s7+$0x80]  }
0x719: {  	v10 =	vld [tilespmem:s7+$0x90]  }
0x71a: {  	v11 =	vld [tilespmem:s7+$0xA0]  }
0x71b: {  	v12 =	vld [tilespmem:s7+$0xB0]  }
0x71c: {  	v13 =	vld [tilespmem:s7+$0xC0]  }
0x71d: {  	v14 =	vld [tilespmem:s7+$0xD0]  }
0x71e: {  	v15 =	vld [tilespmem:s7+$0xE0]  }
0x71f: {  	v16 =	vld [tilespmem:s7+$0xF0]  }
0x720: {  	v17 =	vld [tilespmem:s7+$0x100]  }
0x721: {  	v18 =	vld [tilespmem:s7+$0x110]  }
0x722: {  	v19 =	vld [tilespmem:s7+$0x120]  }
0x723: {  	v20 =	vld [tilespmem:s7+$0x130]  }
0x724: {  	v21 =	vld [tilespmem:s7+$0x140]  }
0x725: {  	v22 =	vld [tilespmem:s7+$0x150]  }
0x726: {  	v23 =	vld [tilespmem:s7+$0x160]  }
0x727: {  	v24 =	vld [tilespmem:s7+$0x170]  }
0x728: {  	v25 =	vld [tilespmem:s7+$0x180]  }
0x729: {  	v26 =	vld [tilespmem:s7+$0x190]  }
0x72a: {  	v27 =	vld [tilespmem:s7+$0x1A0]  }
0x72b: {  	v28 =	vld [tilespmem:s7+$0x1B0]  }
0x72c: {  	v29 =	vld [tilespmem:s7+$0x1C0]  }
0x72d: {  	v30 =	vld [tilespmem:s7+$0x1D0]  }
0x72e: {  	[tilespmem:s7+$0xE2F0] =	vst.add.f32.msk $0xffff, v0  }
0x72f: {  	v0 =	vld [tilespmem:s7+$0x1E0]  }
0x730: {  	[tilespmem:s7+$0xE100] =	vst.add.f32.msk $0xffff, v1  }
0x731: {  	[tilespmem:s7+$0xE110] =	vst.add.f32.msk $0xffff, v2  }
0x732: {  	[tilespmem:s7+$0xE120] =	vst.add.f32.msk $0xffff, v3  }
0x733: {  	[tilespmem:s7+$0xE130] =	vst.add.f32.msk $0xffff, v4  }
0x734: {  	[tilespmem:s7+$0xE140] =	vst.add.f32.msk $0xffff, v5  }
0x735: {  	[tilespmem:s7+$0xE150] =	vst.add.f32.msk $0xffff, v6  }
0x736: {  	[tilespmem:s7+$0xE160] =	vst.add.f32.msk $0xffff, v7  }
0x737: {  	[tilespmem:s7+$0xE170] =	vst.add.f32.msk $0xffff, v8  }
0x738: {  	[tilespmem:s7+$0xE180] =	vst.add.f32.msk $0xffff, v9  }
0x739: {  	[tilespmem:s7+$0xE190] =	vst.add.f32.msk $0xffff, v10  }
0x73a: {  	[tilespmem:s7+$0xE1A0] =	vst.add.f32.msk $0xffff, v11  }
0x73b: {  	[tilespmem:s7+$0xE1B0] =	vst.add.f32.msk $0xffff, v12  }
0x73c: {  	[tilespmem:s7+$0xE1C0] =	vst.add.f32.msk $0xffff, v13  }
0x73d: {  	[tilespmem:s7+$0xE1D0] =	vst.add.f32.msk $0xffff, v14  }
0x73e: {  	[tilespmem:s7+$0xE1E0] =	vst.add.f32.msk $0xffff, v15  }
0x73f: {  	[tilespmem:s7+$0xE1F0] =	vst.add.f32.msk $0xffff, v16  }
0x740: {  	[tilespmem:s7+$0xE200] =	vst.add.f32.msk $0xffff, v17  }
0x741: {  	[tilespmem:s7+$0xE210] =	vst.add.f32.msk $0xffff, v18  }
0x742: {  	[tilespmem:s7+$0xE220] =	vst.add.f32.msk $0xffff, v19  }
0x743: {  	[tilespmem:s7+$0xE230] =	vst.add.f32.msk $0xffff, v20  }
0x744: {  	[tilespmem:s7+$0xE240] =	vst.add.f32.msk $0xffff, v21  }
0x745: {  	[tilespmem:s7+$0xE250] =	vst.add.f32.msk $0xffff, v22  }
0x746: {  	[tilespmem:s7+$0xE260] =	vst.add.f32.msk $0xffff, v23  }
0x747: {  	[tilespmem:s7+$0xE270] =	vst.add.f32.msk $0xffff, v24  }
0x748: {  	[tilespmem:s7+$0xE280] =	vst.add.f32.msk $0xffff, v25  }
0x749: {  	[tilespmem:s7+$0xE290] =	vst.add.f32.msk $0xffff, v26  }
0x74a: {  	[tilespmem:s7+$0xE2A0] =	vst.add.f32.msk $0xffff, v27  }
0x74b: {  	[tilespmem:s7+$0xE2B0] =	vst.add.f32.msk $0xffff, v28  }
0x74c: {  	[tilespmem:s7+$0xE2C0] =	vst.add.f32.msk $0xffff, v29  }
0x74d: {  	s8 =	simm.s32 $0x0;
	s9 =	simm.s32 $0x800;
	[tilespmem:s7+$0xE2D0] =	vst.add.f32.msk $0xffff, v30  }
.LBB2_28:
0x74e: {  	s8 =	sadd.s32 $0x8, s8;
	[tilespmem:s7+$0xE2E0] =	vst.add.f32.msk $0xffff, v0;
	s7 =	sshra.s32 s9, $0x2  }
0x74f: {  	v0 =	vld [tilespmem:s7+$0x1F0];
	p0 =	slt.u32 s8, $0x188  }
0x750: {  	v1 =	vld [tilespmem:s7+$0x0]  }
0x751: {  	v2 =	vld [tilespmem:s7+$0x10]  }
0x752: {  	v3 =	vld [tilespmem:s7+$0x20]  }
0x753: {  	v4 =	vld [tilespmem:s7+$0x30]  }
0x754: {  	[tilespmem:s7+$0xE2F0] =	vst.add.f32.msk $0xffff, v0  }
0x755: {  	v5 =	vld [tilespmem:s7+$0x40]  }
0x756: {  	v6 =	vld [tilespmem:s7+$0x50]  }
0x757: {  	v7 =	vld [tilespmem:s7+$0x60]  }
0x758: {  	v8 =	vld [tilespmem:s7+$0x70]  }
0x759: {  	v9 =	vld [tilespmem:s7+$0x80]  }
0x75a: {  	v10 =	vld [tilespmem:s7+$0x90]  }
0x75b: {  	v11 =	vld [tilespmem:s7+$0xA0]  }
0x75c: {  	v12 =	vld [tilespmem:s7+$0xB0]  }
0x75d: {  	v13 =	vld [tilespmem:s7+$0xC0]  }
0x75e: {  	v14 =	vld [tilespmem:s7+$0xD0]  }
0x75f: {  	v15 =	vld [tilespmem:s7+$0xE0]  }
0x760: {  	v16 =	vld [tilespmem:s7+$0xF0]  }
0x761: {  	v17 =	vld [tilespmem:s7+$0x100]  }
0x762: {  	v18 =	vld [tilespmem:s7+$0x110]  }
0x763: {  	v19 =	vld [tilespmem:s7+$0x120]  }
0x764: {  	v20 =	vld [tilespmem:s7+$0x130]  }
0x765: {  	v21 =	vld [tilespmem:s7+$0x140]  }
0x766: {  	v22 =	vld [tilespmem:s7+$0x150]  }
0x767: {  	v23 =	vld [tilespmem:s7+$0x160]  }
0x768: {  	v24 =	vld [tilespmem:s7+$0x170]  }
0x769: {  	v25 =	vld [tilespmem:s7+$0x180]  }
0x76a: {  	v26 =	vld [tilespmem:s7+$0x190]  }
0x76b: {  	v27 =	vld [tilespmem:s7+$0x1A0]  }
0x76c: {  	v28 =	vld [tilespmem:s7+$0x1B0]  }
0x76d: {  	v29 =	vld [tilespmem:s7+$0x1C0]  }
0x76e: {  	v30 =	vld [tilespmem:s7+$0x1D0]  }
0x76f: {  	v0 =	vld [tilespmem:s7+$0x1E0]  }
0x770: {  	[tilespmem:s7+$0xE100] =	vst.add.f32.msk $0xffff, v1  }
0x771: {  	[tilespmem:s7+$0xE110] =	vst.add.f32.msk $0xffff, v2  }
0x772: {  	[tilespmem:s7+$0xE120] =	vst.add.f32.msk $0xffff, v3  }
0x773: {  	[tilespmem:s7+$0xE130] =	vst.add.f32.msk $0xffff, v4  }
0x774: {  	[tilespmem:s7+$0xE140] =	vst.add.f32.msk $0xffff, v5  }
0x775: {  	[tilespmem:s7+$0xE150] =	vst.add.f32.msk $0xffff, v6  }
0x776: {  	[tilespmem:s7+$0xE160] =	vst.add.f32.msk $0xffff, v7  }
0x777: {  	[tilespmem:s7+$0xE170] =	vst.add.f32.msk $0xffff, v8  }
0x778: {  	[tilespmem:s7+$0xE180] =	vst.add.f32.msk $0xffff, v9  }
0x779: {  	[tilespmem:s7+$0xE190] =	vst.add.f32.msk $0xffff, v10  }
0x77a: {  	[tilespmem:s7+$0xE1A0] =	vst.add.f32.msk $0xffff, v11  }
0x77b: {  	[tilespmem:s7+$0xE1B0] =	vst.add.f32.msk $0xffff, v12  }
0x77c: {  	[tilespmem:s7+$0xE1C0] =	vst.add.f32.msk $0xffff, v13  }
0x77d: {  	[tilespmem:s7+$0xE1D0] =	vst.add.f32.msk $0xffff, v14  }
0x77e: {  	[tilespmem:s7+$0xE1E0] =	vst.add.f32.msk $0xffff, v15  }
0x77f: {  	[tilespmem:s7+$0xE1F0] =	vst.add.f32.msk $0xffff, v16  }
0x780: {  	[tilespmem:s7+$0xE200] =	vst.add.f32.msk $0xffff, v17  }
0x781: {  	[tilespmem:s7+$0xE210] =	vst.add.f32.msk $0xffff, v18  }
0x782: {  	[tilespmem:s7+$0xE220] =	vst.add.f32.msk $0xffff, v19  }
0x783: {  	[tilespmem:s7+$0xE230] =	vst.add.f32.msk $0xffff, v20  }
0x784: {  	[tilespmem:s7+$0xE240] =	vst.add.f32.msk $0xffff, v21  }
0x785: {  	[tilespmem:s7+$0xE250] =	vst.add.f32.msk $0xffff, v22  }
0x786: {  	[tilespmem:s7+$0xE260] =	vst.add.f32.msk $0xffff, v23  }
0x787: {  	[tilespmem:s7+$0xE270] =	vst.add.f32.msk $0xffff, v24  }
0x788: {  	[tilespmem:s7+$0xE280] =	vst.add.f32.msk $0xffff, v25  }
.Ltmp13:
0x789: {  	[tilespmem:s7+$0xE290] =	vst.add.f32.msk $0xffff, v26;
	(pc) =	sbr.rel @p0 .LBB2_28-.Ltmp13, $4  }
0x78a: {  	[tilespmem:s7+$0xE2A0] =	vst.add.f32.msk $0xffff, v27  }
0x78b: {  	[tilespmem:s7+$0xE2B0] =	vst.add.f32.msk $0xffff, v28  }
0x78c: {  	[tilespmem:s7+$0xE2C0] =	vst.add.f32.msk $0xffff, v29  }
0x78d: {  	s9 =	sadd.s32 $0x800, s9;
	[tilespmem:s7+$0xE2D0] =	vst.add.f32.msk $0xffff, v30  }
0x78e: {  	[tilespmem:s7+$0xE2E0] =	vst.add.f32.msk $0xffff, v0;
	s8 =	simm.s32 $0x0  }
0x78f: {  	[hbm4b:s19+s8] =	stream.linear.scatter [tilespmem:s31], [sflag:$0x5], $0x6400, $0x38;
	[tilespmem:$0x1A900] =	vst v63  }
0x790: {  	_ =	swait.ge [sflag:s30], $0x6400  }
0x791: {  	[sflag:s30] =	ssyncset.done $0x0  }
0x792: {  	[sflag:s30] =	ssyncadd.s32 $0xFFFF9C00  }
0x793: {  	_ =	swait.ge [sflag:s0], $0x6400  }
0x794: {  	[sflag:s0] =	ssyncset.done $0x0  }
0x795: {  	s9 =	simm.s32 $0x7B70;
	s7 =	simm.s32 $0x0;
	[sflag:s0] =	ssyncadd.s32 $0xFFFF9C00  }
0x796: {  	[tilespmem:s28], [sflag:$0x1] =	stream.indirect.gather [hbm4b:s3+s26], $0x40, s9, s26, $0xb8;
	[tilespmem:$0x1A900] =	vst v63  }
0x797: {  	v0 =	vld [tilespmem:s7+$0x1F0]  }
0x798: {  	v1 =	vld [tilespmem:s7+$0x0]  }
0x799: {  	v2 =	vld [tilespmem:s7+$0x10]  }
0x79a: {  	v3 =	vld [tilespmem:s7+$0x20]  }
0x79b: {  	v4 =	vld [tilespmem:s7+$0x30]  }
0x79c: {  	v5 =	vld [tilespmem:s7+$0x40]  }
0x79d: {  	v6 =	vld [tilespmem:s7+$0x50]  }
0x79e: {  	v7 =	vld [tilespmem:s7+$0x60]  }
0x79f: {  	v8 =	vld [tilespmem:s7+$0x70]  }
0x7a0: {  	v9 =	vld [tilespmem:s7+$0x80]  }
0x7a1: {  	v10 =	vld [tilespmem:s7+$0x90]  }
0x7a2: {  	v11 =	vld [tilespmem:s7+$0xA0]  }
0x7a3: {  	v12 =	vld [tilespmem:s7+$0xB0]  }
0x7a4: {  	v13 =	vld [tilespmem:s7+$0xC0]  }
0x7a5: {  	v14 =	vld [tilespmem:s7+$0xD0]  }
0x7a6: {  	v15 =	vld [tilespmem:s7+$0xE0]  }
0x7a7: {  	v16 =	vld [tilespmem:s7+$0xF0]  }
0x7a8: {  	v17 =	vld [tilespmem:s7+$0x100]  }
0x7a9: {  	v18 =	vld [tilespmem:s7+$0x110]  }
0x7aa: {  	v19 =	vld [tilespmem:s7+$0x120]  }
0x7ab: {  	v20 =	vld [tilespmem:s7+$0x130]  }
0x7ac: {  	v21 =	vld [tilespmem:s7+$0x140]  }
0x7ad: {  	v22 =	vld [tilespmem:s7+$0x150]  }
0x7ae: {  	v23 =	vld [tilespmem:s7+$0x160]  }
0x7af: {  	v24 =	vld [tilespmem:s7+$0x170]  }
0x7b0: {  	v25 =	vld [tilespmem:s7+$0x180]  }
0x7b1: {  	v26 =	vld [tilespmem:s7+$0x190]  }
0x7b2: {  	v27 =	vld [tilespmem:s7+$0x1A0]  }
0x7b3: {  	v28 =	vld [tilespmem:s7+$0x1B0]  }
0x7b4: {  	v29 =	vld [tilespmem:s7+$0x1C0]  }
0x7b5: {  	v30 =	vld [tilespmem:s7+$0x1D0]  }
0x7b6: {  	[tilespmem:s7+$0x146F0] =	vst.add.f32.msk $0xffff, v0  }
0x7b7: {  	v0 =	vld [tilespmem:s7+$0x1E0]  }
0x7b8: {  	[tilespmem:s7+$0x14500] =	vst.add.f32.msk $0xffff, v1  }
0x7b9: {  	[tilespmem:s7+$0x14510] =	vst.add.f32.msk $0xffff, v2  }
0x7ba: {  	[tilespmem:s7+$0x14520] =	vst.add.f32.msk $0xffff, v3  }
0x7bb: {  	[tilespmem:s7+$0x14530] =	vst.add.f32.msk $0xffff, v4  }
0x7bc: {  	[tilespmem:s7+$0x14540] =	vst.add.f32.msk $0xffff, v5  }
0x7bd: {  	[tilespmem:s7+$0x14550] =	vst.add.f32.msk $0xffff, v6  }
0x7be: {  	[tilespmem:s7+$0x14560] =	vst.add.f32.msk $0xffff, v7  }
0x7bf: {  	[tilespmem:s7+$0x14570] =	vst.add.f32.msk $0xffff, v8  }
0x7c0: {  	[tilespmem:s7+$0x14580] =	vst.add.f32.msk $0xffff, v9  }
0x7c1: {  	[tilespmem:s7+$0x14590] =	vst.add.f32.msk $0xffff, v10  }
0x7c2: {  	[tilespmem:s7+$0x145A0] =	vst.add.f32.msk $0xffff, v11  }
0x7c3: {  	[tilespmem:s7+$0x145B0] =	vst.add.f32.msk $0xffff, v12  }
0x7c4: {  	[tilespmem:s7+$0x145C0] =	vst.add.f32.msk $0xffff, v13  }
0x7c5: {  	[tilespmem:s7+$0x145D0] =	vst.add.f32.msk $0xffff, v14  }
0x7c6: {  	[tilespmem:s7+$0x145E0] =	vst.add.f32.msk $0xffff, v15  }
0x7c7: {  	[tilespmem:s7+$0x145F0] =	vst.add.f32.msk $0xffff, v16  }
0x7c8: {  	[tilespmem:s7+$0x14600] =	vst.add.f32.msk $0xffff, v17  }
0x7c9: {  	[tilespmem:s7+$0x14610] =	vst.add.f32.msk $0xffff, v18  }
0x7ca: {  	[tilespmem:s7+$0x14620] =	vst.add.f32.msk $0xffff, v19  }
0x7cb: {  	[tilespmem:s7+$0x14630] =	vst.add.f32.msk $0xffff, v20  }
0x7cc: {  	[tilespmem:s7+$0x14640] =	vst.add.f32.msk $0xffff, v21  }
0x7cd: {  	[tilespmem:s7+$0x14650] =	vst.add.f32.msk $0xffff, v22  }
0x7ce: {  	[tilespmem:s7+$0x14660] =	vst.add.f32.msk $0xffff, v23  }
0x7cf: {  	[tilespmem:s7+$0x14670] =	vst.add.f32.msk $0xffff, v24  }
0x7d0: {  	[tilespmem:s7+$0x14680] =	vst.add.f32.msk $0xffff, v25  }
0x7d1: {  	[tilespmem:s7+$0x14690] =	vst.add.f32.msk $0xffff, v26  }
0x7d2: {  	[tilespmem:s7+$0x146A0] =	vst.add.f32.msk $0xffff, v27  }
0x7d3: {  	[tilespmem:s7+$0x146B0] =	vst.add.f32.msk $0xffff, v28  }
0x7d4: {  	[tilespmem:s7+$0x146C0] =	vst.add.f32.msk $0xffff, v29  }
0x7d5: {  	s8 =	simm.s32 $0x0;
	s9 =	simm.s32 $0x800;
	[tilespmem:s7+$0x146D0] =	vst.add.f32.msk $0xffff, v30  }
.LBB2_30:
0x7d6: {  	s8 =	sadd.s32 $0x8, s8;
	[tilespmem:s7+$0x146E0] =	vst.add.f32.msk $0xffff, v0;
	s7 =	sshra.s32 s9, $0x2  }
0x7d7: {  	v0 =	vld [tilespmem:s7+$0x1F0];
	p0 =	slt.u32 s8, $0x188  }
0x7d8: {  	v1 =	vld [tilespmem:s7+$0x0]  }
0x7d9: {  	v2 =	vld [tilespmem:s7+$0x10]  }
0x7da: {  	v3 =	vld [tilespmem:s7+$0x20]  }
0x7db: {  	v4 =	vld [tilespmem:s7+$0x30]  }
0x7dc: {  	[tilespmem:s7+$0x146F0] =	vst.add.f32.msk $0xffff, v0  }
0x7dd: {  	v5 =	vld [tilespmem:s7+$0x40]  }
0x7de: {  	v6 =	vld [tilespmem:s7+$0x50]  }
0x7df: {  	v7 =	vld [tilespmem:s7+$0x60]  }
0x7e0: {  	v8 =	vld [tilespmem:s7+$0x70]  }
0x7e1: {  	v9 =	vld [tilespmem:s7+$0x80]  }
0x7e2: {  	v10 =	vld [tilespmem:s7+$0x90]  }
0x7e3: {  	v11 =	vld [tilespmem:s7+$0xA0]  }
0x7e4: {  	v12 =	vld [tilespmem:s7+$0xB0]  }
0x7e5: {  	v13 =	vld [tilespmem:s7+$0xC0]  }
0x7e6: {  	v14 =	vld [tilespmem:s7+$0xD0]  }
0x7e7: {  	v15 =	vld [tilespmem:s7+$0xE0]  }
0x7e8: {  	v16 =	vld [tilespmem:s7+$0xF0]  }
0x7e9: {  	v17 =	vld [tilespmem:s7+$0x100]  }
0x7ea: {  	v18 =	vld [tilespmem:s7+$0x110]  }
0x7eb: {  	v19 =	vld [tilespmem:s7+$0x120]  }
0x7ec: {  	v20 =	vld [tilespmem:s7+$0x130]  }
0x7ed: {  	v21 =	vld [tilespmem:s7+$0x140]  }
0x7ee: {  	v22 =	vld [tilespmem:s7+$0x150]  }
0x7ef: {  	v23 =	vld [tilespmem:s7+$0x160]  }
0x7f0: {  	v24 =	vld [tilespmem:s7+$0x170]  }
0x7f1: {  	v25 =	vld [tilespmem:s7+$0x180]  }
0x7f2: {  	v26 =	vld [tilespmem:s7+$0x190]  }
0x7f3: {  	v27 =	vld [tilespmem:s7+$0x1A0]  }
0x7f4: {  	v28 =	vld [tilespmem:s7+$0x1B0]  }
0x7f5: {  	v29 =	vld [tilespmem:s7+$0x1C0]  }
0x7f6: {  	v30 =	vld [tilespmem:s7+$0x1D0]  }
0x7f7: {  	v0 =	vld [tilespmem:s7+$0x1E0]  }
0x7f8: {  	[tilespmem:s7+$0x14500] =	vst.add.f32.msk $0xffff, v1  }
0x7f9: {  	[tilespmem:s7+$0x14510] =	vst.add.f32.msk $0xffff, v2  }
0x7fa: {  	[tilespmem:s7+$0x14520] =	vst.add.f32.msk $0xffff, v3  }
0x7fb: {  	[tilespmem:s7+$0x14530] =	vst.add.f32.msk $0xffff, v4  }
0x7fc: {  	[tilespmem:s7+$0x14540] =	vst.add.f32.msk $0xffff, v5  }
0x7fd: {  	[tilespmem:s7+$0x14550] =	vst.add.f32.msk $0xffff, v6  }
0x7fe: {  	[tilespmem:s7+$0x14560] =	vst.add.f32.msk $0xffff, v7  }
0x7ff: {  	[tilespmem:s7+$0x14570] =	vst.add.f32.msk $0xffff, v8  }
0x800: {  	[tilespmem:s7+$0x14580] =	vst.add.f32.msk $0xffff, v9  }
0x801: {  	[tilespmem:s7+$0x14590] =	vst.add.f32.msk $0xffff, v10  }
0x802: {  	[tilespmem:s7+$0x145A0] =	vst.add.f32.msk $0xffff, v11  }
0x803: {  	[tilespmem:s7+$0x145B0] =	vst.add.f32.msk $0xffff, v12  }
0x804: {  	[tilespmem:s7+$0x145C0] =	vst.add.f32.msk $0xffff, v13  }
0x805: {  	[tilespmem:s7+$0x145D0] =	vst.add.f32.msk $0xffff, v14  }
0x806: {  	[tilespmem:s7+$0x145E0] =	vst.add.f32.msk $0xffff, v15  }
0x807: {  	[tilespmem:s7+$0x145F0] =	vst.add.f32.msk $0xffff, v16  }
0x808: {  	[tilespmem:s7+$0x14600] =	vst.add.f32.msk $0xffff, v17  }
0x809: {  	[tilespmem:s7+$0x14610] =	vst.add.f32.msk $0xffff, v18  }
0x80a: {  	[tilespmem:s7+$0x14620] =	vst.add.f32.msk $0xffff, v19  }
0x80b: {  	[tilespmem:s7+$0x14630] =	vst.add.f32.msk $0xffff, v20  }
0x80c: {  	[tilespmem:s7+$0x14640] =	vst.add.f32.msk $0xffff, v21  }
0x80d: {  	[tilespmem:s7+$0x14650] =	vst.add.f32.msk $0xffff, v22  }
0x80e: {  	[tilespmem:s7+$0x14660] =	vst.add.f32.msk $0xffff, v23  }
0x80f: {  	[tilespmem:s7+$0x14670] =	vst.add.f32.msk $0xffff, v24  }
0x810: {  	[tilespmem:s7+$0x14680] =	vst.add.f32.msk $0xffff, v25  }
.Ltmp14:
0x811: {  	[tilespmem:s7+$0x14690] =	vst.add.f32.msk $0xffff, v26;
	(pc) =	sbr.rel @p0 .LBB2_30-.Ltmp14, $4  }
0x812: {  	[tilespmem:s7+$0x146A0] =	vst.add.f32.msk $0xffff, v27  }
0x813: {  	[tilespmem:s7+$0x146B0] =	vst.add.f32.msk $0xffff, v28  }
0x814: {  	[tilespmem:s7+$0x146C0] =	vst.add.f32.msk $0xffff, v29  }
0x815: {  	s9 =	sadd.s32 $0x800, s9;
	[tilespmem:s7+$0x146D0] =	vst.add.f32.msk $0xffff, v30  }
0x816: {  	[tilespmem:s7+$0x146E0] =	vst.add.f32.msk $0xffff, v0;
	s9 =	simm.s32 $0x0  }
0x817: {  	[hbm4b:s20+s9] =	stream.linear.scatter [tilespmem:s25], [sflag:$0x6], $0x6400, $0x38;
	[tilespmem:$0x1A900] =	vst v63  }
0x818: {  	_ =	swait.ge [sflag:s29], $0x6400  }
0x819: {  	[sflag:s29] =	ssyncset.done $0x0  }
0x81a: {  	s7 =	simm.s32 $0x0;
	[sflag:s29] =	ssyncadd.s32 $0xFFFF9C00  }
0x81b: {  	v0 =	vld [tilespmem:s7+$0x1F0]  }
0x81c: {  	v1 =	vld [tilespmem:s7+$0x0]  }
0x81d: {  	v2 =	vld [tilespmem:s7+$0x10]  }
0x81e: {  	v3 =	vld [tilespmem:s7+$0x20]  }
0x81f: {  	v4 =	vld [tilespmem:s7+$0x30]  }
0x820: {  	v5 =	vld [tilespmem:s7+$0x40]  }
0x821: {  	v6 =	vld [tilespmem:s7+$0x50]  }
0x822: {  	v7 =	vld [tilespmem:s7+$0x60]  }
0x823: {  	v8 =	vld [tilespmem:s7+$0x70]  }
0x824: {  	v9 =	vld [tilespmem:s7+$0x80]  }
0x825: {  	v10 =	vld [tilespmem:s7+$0x90]  }
0x826: {  	v11 =	vld [tilespmem:s7+$0xA0]  }
0x827: {  	v12 =	vld [tilespmem:s7+$0xB0]  }
0x828: {  	v13 =	vld [tilespmem:s7+$0xC0]  }
0x829: {  	v14 =	vld [tilespmem:s7+$0xD0]  }
0x82a: {  	v15 =	vld [tilespmem:s7+$0xE0]  }
0x82b: {  	v16 =	vld [tilespmem:s7+$0xF0]  }
0x82c: {  	v17 =	vld [tilespmem:s7+$0x100]  }
0x82d: {  	v18 =	vld [tilespmem:s7+$0x110]  }
0x82e: {  	v19 =	vld [tilespmem:s7+$0x120]  }
0x82f: {  	v20 =	vld [tilespmem:s7+$0x130]  }
0x830: {  	v21 =	vld [tilespmem:s7+$0x140]  }
0x831: {  	v22 =	vld [tilespmem:s7+$0x150]  }
0x832: {  	v23 =	vld [tilespmem:s7+$0x160]  }
0x833: {  	v24 =	vld [tilespmem:s7+$0x170]  }
0x834: {  	v25 =	vld [tilespmem:s7+$0x180]  }
0x835: {  	v26 =	vld [tilespmem:s7+$0x190]  }
0x836: {  	v27 =	vld [tilespmem:s7+$0x1A0]  }
0x837: {  	v28 =	vld [tilespmem:s7+$0x1B0]  }
0x838: {  	v29 =	vld [tilespmem:s7+$0x1C0]  }
0x839: {  	v30 =	vld [tilespmem:s7+$0x1D0]  }
0x83a: {  	[tilespmem:s7+$0x7EF0] =	vst.add.f32.msk $0xffff, v0  }
0x83b: {  	v0 =	vld [tilespmem:s7+$0x1E0]  }
0x83c: {  	[tilespmem:s7+$0x7D00] =	vst.add.f32.msk $0xffff, v1  }
0x83d: {  	[tilespmem:s7+$0x7D10] =	vst.add.f32.msk $0xffff, v2  }
0x83e: {  	[tilespmem:s7+$0x7D20] =	vst.add.f32.msk $0xffff, v3  }
0x83f: {  	[tilespmem:s7+$0x7D30] =	vst.add.f32.msk $0xffff, v4  }
0x840: {  	[tilespmem:s7+$0x7D40] =	vst.add.f32.msk $0xffff, v5  }
0x841: {  	[tilespmem:s7+$0x7D50] =	vst.add.f32.msk $0xffff, v6  }
0x842: {  	[tilespmem:s7+$0x7D60] =	vst.add.f32.msk $0xffff, v7  }
0x843: {  	[tilespmem:s7+$0x7D70] =	vst.add.f32.msk $0xffff, v8  }
0x844: {  	[tilespmem:s7+$0x7D80] =	vst.add.f32.msk $0xffff, v9  }
0x845: {  	[tilespmem:s7+$0x7D90] =	vst.add.f32.msk $0xffff, v10  }
0x846: {  	[tilespmem:s7+$0x7DA0] =	vst.add.f32.msk $0xffff, v11  }
0x847: {  	[tilespmem:s7+$0x7DB0] =	vst.add.f32.msk $0xffff, v12  }
0x848: {  	[tilespmem:s7+$0x7DC0] =	vst.add.f32.msk $0xffff, v13  }
0x849: {  	[tilespmem:s7+$0x7DD0] =	vst.add.f32.msk $0xffff, v14  }
0x84a: {  	[tilespmem:s7+$0x7DE0] =	vst.add.f32.msk $0xffff, v15  }
0x84b: {  	[tilespmem:s7+$0x7DF0] =	vst.add.f32.msk $0xffff, v16  }
0x84c: {  	[tilespmem:s7+$0x7E00] =	vst.add.f32.msk $0xffff, v17  }
0x84d: {  	[tilespmem:s7+$0x7E10] =	vst.add.f32.msk $0xffff, v18  }
0x84e: {  	[tilespmem:s7+$0x7E20] =	vst.add.f32.msk $0xffff, v19  }
0x84f: {  	[tilespmem:s7+$0x7E30] =	vst.add.f32.msk $0xffff, v20  }
0x850: {  	[tilespmem:s7+$0x7E40] =	vst.add.f32.msk $0xffff, v21  }
0x851: {  	[tilespmem:s7+$0x7E50] =	vst.add.f32.msk $0xffff, v22  }
0x852: {  	[tilespmem:s7+$0x7E60] =	vst.add.f32.msk $0xffff, v23  }
0x853: {  	[tilespmem:s7+$0x7E70] =	vst.add.f32.msk $0xffff, v24  }
0x854: {  	[tilespmem:s7+$0x7E80] =	vst.add.f32.msk $0xffff, v25  }
0x855: {  	[tilespmem:s7+$0x7E90] =	vst.add.f32.msk $0xffff, v26  }
0x856: {  	[tilespmem:s7+$0x7EA0] =	vst.add.f32.msk $0xffff, v27  }
0x857: {  	[tilespmem:s7+$0x7EB0] =	vst.add.f32.msk $0xffff, v28  }
0x858: {  	[tilespmem:s7+$0x7EC0] =	vst.add.f32.msk $0xffff, v29  }
0x859: {  	s8 =	simm.s32 $0x0;
	s9 =	simm.s32 $0x800;
	[tilespmem:s7+$0x7ED0] =	vst.add.f32.msk $0xffff, v30  }
.LBB2_32:
0x85a: {  	s8 =	sadd.s32 $0x8, s8;
	[tilespmem:s7+$0x7EE0] =	vst.add.f32.msk $0xffff, v0;
	s7 =	sshra.s32 s9, $0x2  }
0x85b: {  	v0 =	vld [tilespmem:s7+$0x1F0];
	p0 =	slt.u32 s8, $0x188  }
0x85c: {  	v1 =	vld [tilespmem:s7+$0x0]  }
0x85d: {  	v2 =	vld [tilespmem:s7+$0x10]  }
0x85e: {  	v3 =	vld [tilespmem:s7+$0x20]  }
0x85f: {  	v4 =	vld [tilespmem:s7+$0x30]  }
0x860: {  	[tilespmem:s7+$0x7EF0] =	vst.add.f32.msk $0xffff, v0  }
0x861: {  	v5 =	vld [tilespmem:s7+$0x40]  }
0x862: {  	v6 =	vld [tilespmem:s7+$0x50]  }
0x863: {  	v7 =	vld [tilespmem:s7+$0x60]  }
0x864: {  	v8 =	vld [tilespmem:s7+$0x70]  }
0x865: {  	v9 =	vld [tilespmem:s7+$0x80]  }
0x866: {  	v10 =	vld [tilespmem:s7+$0x90]  }
0x867: {  	v11 =	vld [tilespmem:s7+$0xA0]  }
0x868: {  	v12 =	vld [tilespmem:s7+$0xB0]  }
0x869: {  	v13 =	vld [tilespmem:s7+$0xC0]  }
0x86a: {  	v14 =	vld [tilespmem:s7+$0xD0]  }
0x86b: {  	v15 =	vld [tilespmem:s7+$0xE0]  }
0x86c: {  	v16 =	vld [tilespmem:s7+$0xF0]  }
0x86d: {  	v17 =	vld [tilespmem:s7+$0x100]  }
0x86e: {  	v18 =	vld [tilespmem:s7+$0x110]  }
0x86f: {  	v19 =	vld [tilespmem:s7+$0x120]  }
0x870: {  	v20 =	vld [tilespmem:s7+$0x130]  }
0x871: {  	v21 =	vld [tilespmem:s7+$0x140]  }
0x872: {  	v22 =	vld [tilespmem:s7+$0x150]  }
0x873: {  	v23 =	vld [tilespmem:s7+$0x160]  }
0x874: {  	v24 =	vld [tilespmem:s7+$0x170]  }
0x875: {  	v25 =	vld [tilespmem:s7+$0x180]  }
0x876: {  	v26 =	vld [tilespmem:s7+$0x190]  }
0x877: {  	v27 =	vld [tilespmem:s7+$0x1A0]  }
0x878: {  	v28 =	vld [tilespmem:s7+$0x1B0]  }
0x879: {  	v29 =	vld [tilespmem:s7+$0x1C0]  }
0x87a: {  	v30 =	vld [tilespmem:s7+$0x1D0]  }
0x87b: {  	v0 =	vld [tilespmem:s7+$0x1E0]  }
0x87c: {  	[tilespmem:s7+$0x7D00] =	vst.add.f32.msk $0xffff, v1  }
0x87d: {  	[tilespmem:s7+$0x7D10] =	vst.add.f32.msk $0xffff, v2  }
0x87e: {  	[tilespmem:s7+$0x7D20] =	vst.add.f32.msk $0xffff, v3  }
0x87f: {  	[tilespmem:s7+$0x7D30] =	vst.add.f32.msk $0xffff, v4  }
0x880: {  	[tilespmem:s7+$0x7D40] =	vst.add.f32.msk $0xffff, v5  }
0x881: {  	[tilespmem:s7+$0x7D50] =	vst.add.f32.msk $0xffff, v6  }
0x882: {  	[tilespmem:s7+$0x7D60] =	vst.add.f32.msk $0xffff, v7  }
0x883: {  	[tilespmem:s7+$0x7D70] =	vst.add.f32.msk $0xffff, v8  }
0x884: {  	[tilespmem:s7+$0x7D80] =	vst.add.f32.msk $0xffff, v9  }
0x885: {  	[tilespmem:s7+$0x7D90] =	vst.add.f32.msk $0xffff, v10  }
0x886: {  	[tilespmem:s7+$0x7DA0] =	vst.add.f32.msk $0xffff, v11  }
0x887: {  	[tilespmem:s7+$0x7DB0] =	vst.add.f32.msk $0xffff, v12  }
0x888: {  	[tilespmem:s7+$0x7DC0] =	vst.add.f32.msk $0xffff, v13  }
0x889: {  	[tilespmem:s7+$0x7DD0] =	vst.add.f32.msk $0xffff, v14  }
0x88a: {  	[tilespmem:s7+$0x7DE0] =	vst.add.f32.msk $0xffff, v15  }
0x88b: {  	[tilespmem:s7+$0x7DF0] =	vst.add.f32.msk $0xffff, v16  }
0x88c: {  	[tilespmem:s7+$0x7E00] =	vst.add.f32.msk $0xffff, v17  }
0x88d: {  	[tilespmem:s7+$0x7E10] =	vst.add.f32.msk $0xffff, v18  }
0x88e: {  	[tilespmem:s7+$0x7E20] =	vst.add.f32.msk $0xffff, v19  }
0x88f: {  	[tilespmem:s7+$0x7E30] =	vst.add.f32.msk $0xffff, v20  }
0x890: {  	[tilespmem:s7+$0x7E40] =	vst.add.f32.msk $0xffff, v21  }
0x891: {  	[tilespmem:s7+$0x7E50] =	vst.add.f32.msk $0xffff, v22  }
0x892: {  	[tilespmem:s7+$0x7E60] =	vst.add.f32.msk $0xffff, v23  }
0x893: {  	[tilespmem:s7+$0x7E70] =	vst.add.f32.msk $0xffff, v24  }
0x894: {  	[tilespmem:s7+$0x7E80] =	vst.add.f32.msk $0xffff, v25  }
.Ltmp15:
0x895: {  	[tilespmem:s7+$0x7E90] =	vst.add.f32.msk $0xffff, v26;
	(pc) =	sbr.rel @p0 .LBB2_32-.Ltmp15, $4  }
0x896: {  	[tilespmem:s7+$0x7EA0] =	vst.add.f32.msk $0xffff, v27  }
0x897: {  	[tilespmem:s7+$0x7EB0] =	vst.add.f32.msk $0xffff, v28  }
0x898: {  	[tilespmem:s7+$0x7EC0] =	vst.add.f32.msk $0xffff, v29  }
0x899: {  	s9 =	sadd.s32 $0x800, s9;
	[tilespmem:s7+$0x7ED0] =	vst.add.f32.msk $0xffff, v30  }
0x89a: {  	[tilespmem:s7+$0x7EE0] =	vst.add.f32.msk $0xffff, v0  }
0x89b: {  	[hbm4b:s21+s2] =	stream.linear.scatter [tilespmem:s28], [sflag:$0x4], $0x6400, $0x38;
	[tilespmem:$0x1A900] =	vst v63  }
0x89c: {  	_ =	swait.ge [sflag:s23], $0x6400  }
0x89d: {  	[sflag:s23] =	ssyncset.done $0x0  }
0x89e: {  	s6 =	sadd.s32 $0x1, s6;
	[sflag:s23] =	ssyncadd.s32 $0xFFFF9C00  }
0x89f: {  	p0 =	sne.s32 s6, s22;
	_ =	swait.ge [sflag:s5], $0x6400  }
.Ltmp16:
0x8a0: {  	[sflag:s5] =	ssyncset.done $0x0;
	(pc) =	sbr.rel @p0 .LBB2_1-.Ltmp16, $4  }
0x8a1: {  	[sflag:s5] =	ssyncadd.s32 $0xFFFF9C00  }
0x8a2: {  	_ =	swait.ge [sflag:s0], $0x6400  }
0x8a3: {  	[sflag:s0] =	ssyncset.done $0x0  }
0x8a4: {  	[sflag:s0] =	ssyncadd.s32 $0xFFFF9C00  }
0x8a5: {  	_ =	sfence.sel $0x180000  }
0x8a6: {  	[bflag:$0x0] =	sbarrier.arrive $0xFFFF  }
0x8a7: {  	_ =	strace $0x90000047  }
0x8a8: {  	s0 =	stileid.u32;
	[bflag:$0x2] =	sbarrier.arrive $0xFFFF  }
0x8a9: {  	p0 =	sne.s32 s0, $0x0;
	s0 =	rddreg [dreg:$0x2]  }
0x8aa: {  	s0 =	sadd.s32 @!p0 $0x100000, s0  }
0x8ab: {  	[sflag:s0] =	ssyncadd.tile.s32 @!p0 $0x1;
	_ =	shalt  }
.Lfunc_end2:
_tile_overlayer_lowered:
.L_overlay_start_2:
0x8ac: {  	(tag) =	ssettag $0x2  }
0x8ad: {  	s0 =	rddreg [dreg:$0x0];
	s2 =	stileid.u32  }
0x8ae: {  	s1 =	rddreg [dreg:$0x1];
	p0 =	sne.s32 s2, $0x0  }
0x8af: {  	s3 =	rddreg [dreg:$0x2];
	[bflag:$0x3] =	sbarrier.arrive $0xFFFF;
	s2 =	simm.s32 @!p0 $0x1C07  }
0x8b0: {  	[timem:s3], [sflag:s2] =	dma.local @!p0 [hbm:s0], s1  }
0x8b1: {  	s0 =	simm.s32 @!p0 $0x7  }
0x8b2: {  	_ =	swait.ge @!p0 [sflag:s0], s1  }
0x8b3: {  	s1 =	ssub.s32 @!p0 $0x0, s1;
	[sflag:s0] =	ssyncset.done @!p0 $0x0  }
0x8b4: {  	[sflag:s0] =	ssyncadd.s32 @!p0 s1  }
0x8b5: {  	[bflag:$0x3] =	sbarrier.arrive $0xFFFF  }
0x8b6: {  	_ =	shalt  }

// kernel: sparse-core-data-format-call.cloned.1.call-start
scs
called_computation_lowered:
.L_overlay_start_0:
0x0: {  	s2 =	sld [smem:$0x3FD9]  }
0x1: {  	s3 =	sld [smem:$0x3FFE];
	_ =	sdelay $0x1  }
0x2: {  	s1 =	srdreg.scid  }
0x3: {  	s0 =	sand.u32 $0x1, s1  }
0x4: {  	s18 =	sshll.u32 s0, $0xA;
	s2 =	sadd.s32 s3, s2  }
0x5: {  	s2 =	sadd.s32 s2, s18  }
0x6: {  	[smem:$0x3FC5] =	sst s2  }
0x7: {  	_ = 	snop  }
0x8: {  	s2 =	sld [smem:$0x3FD0];
	(tm) =	ssettm $0x1  }
0x9: {  	s19 =	sld [smem:$0x3FFB];
	_ =	sdelay $0x3  }
0xa: {  	_ =	strace s19  }
0xb: {  	s3 =	sld [smem:$0x3FFC];
	_ =	sdelay $0x3  }
0xc: {  	_ =	strace s3  }
0xd: {  	s3 =	sld [smem:$0x3FFD];
	_ =	sdelay $0x3  }
0xe: {  	_ =	strace s3  }
0xf: {  	_ =	strace $0x8FFFFFFF  }
0x10: {  	s20 =	sld [smem:$0x3FDB];
	_ =	sdelay $0x1  }
0x11: {  	s4 =	simm.s32 $_scs_section_size  }
0x12: {  	s5 =	simm.s32 $_size__tile_overlayer_lowered;
	s6 =	simm.s32 $_tile_overlayer_lowered  }
0x13: {  	s23 =	simm.s32 $0x1BFF;
	s22 =	sshll.u32 s6, $0x1;
	s3 =	sadd.s32 s4, s20  }
0x14: {  	s7 =	simm.s32 $0x0;
	s21 =	sshll.u32 s5, $0x1;
	s5 =	sadd.s32 s22, s3  }
0x15: {  	[timem:s7], [sflag:s23] =	dma.local [hbm:s5], s21  }
0x16: {  	_ =	swait.ge [sflag:s23], s21  }
0x17: {  	s4 =	ssub.s32 $0x0, s21;
	[sflag:s23] =	ssyncset.done $0x0  }
0x18: {  	[sflag:s23] =	ssyncadd.s32 s4;
	_ =	sdelay $0x1  }
0x19: {  	s24 =	simm.s32 $0x1B8B  }
0x1a: {  	_ =	swait.ge [sflag:s24], $0x1  }
0x1b: {  	[sflag:s24] =	ssyncset.done $0x0  }
0x1c: {  	s26 =	simm.s32 $0x1B8E;
	s25 =	sld [smem:$0x3FFE];
	[sflag:s24] =	ssyncadd.s32 $0xFFFFFFFF  }
0x1d: {  	s27 =	simm.s32 $execute0_lowered;
	[smem:$0x3FD2] =	sst s26  }
0x1e: {  	s5 =	sshll.u32 s27, $0x1;
	_ =	strace $0x80000049;
	[dreg:$0x1] =	wrdreg $0xFFFFFFFF  }
0x1f: {  	s28 =	simm.s32 $_size_execute0_lowered;
	s3 =	sadd.s32 s3, s5;
	[dreg:$0x0] =	wrdreg $0x0  }
0x20: {  	s5 =	sshll.u32 s28, $0x1;
	[dreg:$0x2] =	wrdreg s3  }
0x21: {  	[dreg:$0x3] =	wrdreg s5  }
0x22: {  	[dreg:$0x4] =	wrdreg $0xC0  }
0x23: {  	_ =	task [dreg:s7], $0x5FFFF  }
0x24: {  	[dreg:$0x1] =	wrdreg $0xFFFFFFFF  }
0x25: {  	[dreg:$0x0] =	wrdreg $0x60  }
0x26: {  	[dreg:$0x2] =	wrdreg s25  }
0x27: {  	[dreg:$0x3] =	wrdreg s2  }
0x28: {  	[dreg:$0x4] =	wrdreg $0x9  }
0x29: {  	_ =	task.clear_ibuf [dreg:s7], $0x5FFFF;
	_ =	strace $0x90000049  }
0x2a: {  	s29 =	simm.s32 $0x9;
	_ =	strace $0x8000004B  }
0x2b: {  	_ =	swait.ge [sflag:s29], $0x1  }
0x2c: {  	[sflag:s29] =	ssyncadd.s32 $0xFFFFFFFF  }
0x2d: {  	_ =	strace $0x9000004B  }
0x2e: {  	_ =	sfence  }
0x2f: {  	s30 =	sld [smem:$0x0];
	_ =	sdelay $0x2  }
0x30: {  	s31 =	sshll.u32 s1, $0xD;
	s1 =	sshrl.u32 s1, $0x2  }
0x31: {  	s3 =	sand.u32 $0x4000, s31;
	s1 =	sadd.s32 s1, s30  }
0x32: {  	s0 =	sor.u32 s3, s0;
	s1 =	sshll.u32 s1, $0x11  }
0x33: {  	s0 =	sor.u32 s1, s0  }
0x34: {  	s0 =	sadd.s32 $0x8F2B, s0  }
0x35: {  	[sflag:s0] =	ssyncadd.remote.s32 $0x1  }
0x36: {  	_ =	sfence.sel $0xFFFF  }
0x37: {  	[dreg:$0x0] =	wrdreg $0xFFFFFFFF;
	(pc) =	sbr.abs _section_cstart, $3  }
0x38: {  	[dreg:$0x1] =	wrdreg $0xFFFFFFFF  }
0x39: {  	_ =	task.clear_ibuf [dreg:s7], $0x2FFFF;
	_ =	strace $0x9FFFFFFF  }
0x3a: {  	(tm) =	ssettm $0x7FFFFFFF  }
0x3b: {  	_ =	shalt  }
tec
execute0_lowered:
.L_overlay_start_1:
0x0: {  	(tag) =	ssettag $0x1  }
0x1: {  	s0 =	stileid.u32;
	s6 =	rddreg [dreg:$0x0]  }
0x2: {  	s2 =	rddreg [dreg:$0x1];
	s5 =	srdreg.scid  }
0x3: {  	s31 =	simm.s32 $0x2;
	s13 =	simm.s32 $0x0;
	s1 =	sshll.u32 s0, $0x7  }
0x4: {  	s14 =	simm.s32 $0x0;
	s12 =	simm.s32 $0x0;
	s3 =	sand.u32 $0x380, s1  }
0x5: {  	s5 =	sshll.u32 s5, $0x4;
	s6 =	sadd.s32 $0x800, s6;
	s4 =	ssub.s32 $0x400, s3  }
0x6: {  	s1 =	rddreg [dreg:$0x2];
	_ =	strace $0x8000004A;
	s7 =	sand.u32 $0x380, s4  }
0x7: {  	s5 =	sand.u32 $0x10, s5;
	p0 =	sne.s32 s7, $0x0;
	s7 =	simm.s32 $0x1  }
.Ltmp0:
0x8: {  	s8 =	sshrl.u32 s4, $0xA;
	s7 =	simm.s32 @!p0 $0x0;
	(pc) =	sbr.rel .LBB1_1-.Ltmp0, $4  }
0x9: {  	s9 =	sor.u32 s0, s5;
	s4 =	simm.s32 $0x1;
	s30 =	sadd.s32 s7, s8  }
0xa: {  	s11 =	smov.u32 s3;
	[sflag:s4] =	ssyncpa.u1 $0x0;
	s5 =	smul.u32 $0x32, s30  }
0xb: {  	[sflag:s31] =	ssyncpa.u1 $0x0;
	p0 =	por $0x0, $0x0;
	s7 =	sshrl.u32 s9, $0x3  }
0xc: {  	s9 =	simm.s32 $0x2000;
	s10 =	smov.u32 s7;
	s8 =	sor.u32 $0x1, s5  }
.LBB1_4:
0xd: {  	s17 =	sand.u32 $0x1F80, s14;
	s13 =	sshll.u32 s13, $0xD  }
0xe: {  	[tilespmem:s16+$0x810 ss:$0x81] =	vst.msk $0xffff, v2;
	s18 =	sshrl.u32 s14, $0x3;
	s31 =	sand.u32 $0x7, s14;
	s17 =	sadd.s32 s2, s17  }
0xf: {  	[tilespmem:s16+$0x1020 ss:$0x81] =	vst.msk $0xffff, v0;
	s18 =	sand.u32 $0xF, s18;
	s14 =	sshll.u32 s31, $0x12;
	s13 =	sadd.s32 s13, s17  }
0x10: {  	[tilespmem:s16+$0x0 ss:$0x81] =	vst.msk $0xffff, v1;
	s14 =	sor.u32 $0x400, s14;
	s13 =	sadd.s32 s18, s13  }
0x11: {  	[hbm4b:s13+s14] =	stream.strided.scatter [tilespmem:s15], [sflag:$0x2], $0x2000, s9, s14, $0x20;
	[tilespmem:$0x8080] =	vst v63  }
.LBB1_5:
0x12: {  	s15 =	sadd.s32 $0x4, s10  }
0x13: {  	s13 =	sadd.s32 $0x400, s11;
	s17 =	smov.u32 s11;
	p2 =	sgt.s32 s15, $0xC7  }
0x14: {  	s17 =	smov.u32 @p2 s13  }
0x15: {  	s15 =	smov.u32 @p2 s7;
	p2 =	sgt.s32 s17, $0x3FF  }
0x16: {  	s17 =	smov.u32 @p2 s3;
	p2 =	sne.s32 s12, s8  }
.Ltmp1:
0x17: {  	p1 =	slt.u32 s12, $0x2;
	(pc) =	sbr.rel @!p2 .LBB1_6-.Ltmp1, $4  }
0x18: {  	s16 =	simm.s32 @!p1 $0x2  }
0x19: {  	s14 =	smov.u32 s11;
	p0 =	por !p0, !p0;
	_ =	swait.ge @!p1 [sflag:s16], $0x2000  }
0x1a: {  	s13 =	smov.u32 s10;
	[sflag:s16] =	ssyncset.done @!p1 $0x0;
	s10 =	smov.u32 s15  }
0x1b: {  	s12 =	sadd.s32 $0x1, s12;
	[sflag:s16] =	ssyncadd.s32 @!p1 $0xFFFFE000;
	s11 =	smov.u32 s17  }
.LBB1_1:
0x1c: {  	p1 =	sge.u32 s12, s5  }
0x1d: {  	s15 =	sand.u32 @!p1 $0x1FFFFFF, s10  }
0x1e: {  	s16 =	smulhi.u32 @!p1 $0x147AE15, s15;
	_ =	sdelay $0x1  }
0x1f: {  	s16 =	smul.u32 @!p1 $0xC8, s16  }
0x20: {  	s17 =	sxor.u32 @!p1 $0xFFFFFFFF, s12;
	s18 =	smul.u32 @!p1 $0xC80, s11  }
0x21: {  	s31 =	sadd.s32 $0xFFFFFFFF, s12;
	s17 =	sshll.u32 @!p1 s17, $0xD;
	s15 =	ssub.s32 @!p1 s15, s16  }
0x22: {  	s16 =	sand.u32 @!p1 $0x2000, s17;
	s17 =	sadd.s32 @!p1 s6, s18;
	s15 =	sshll.u32 @!p1 s15, $0x4  }
0x23: {  	s18 =	simm.s32 @!p1 $0x6400;
	s15 =	sadd.s32 @!p1 s15, s17;
	s17 =	simm.s32 @!p1 $0x40  }
0x24: {  	[tilespmem:s16], [sflag:$0x1] =	stream.strided.gather @!p1 [hbm4b:s15+s17], $0x2000, s18, s17, $0x38;
	[tilespmem:$0x8080] =	vst v63  }
0x25: {  	p1 =	sge.u32 s31, s5  }
.Ltmp2:
0x26: {  	_ = 	snop;
	(pc) =	sbr.rel @p1 .LBB1_5-.Ltmp2, $1  }
0x27: {  	_ =	sdelay $0x3  }
0x28: {  	s15 =	simm.s32 $0x1  }
0x29: {  	_ =	swait.ge [sflag:s4], $0x2000;
	s15 =	simm.s32 @!p0 $0x0  }
0x2a: {  	[sflag:s4] =	ssyncset.done $0x0;
	s16 =	sshll.u32 s15, $0xD  }
0x2b: {  	[sflag:s4] =	ssyncadd.s32 $0xFFFFE000;
	s19 =	sor.u32 $0x20, s16  }
0x2c: {  	s15 =	smul.u32 $0x8100, s15;
	v3 =	vld [tilespmem:s19+$0x10]  }
0x2d: {  	s30 =	sand.u32 $0x1, s12;
	v2 =	vld [tilespmem:s19+$0xFFFFFFF0]  }
0x2e: {  	s16 =	smul.u32 $0x8100, s30;
	s15 =	sshrl.u32 s15, $0x2;
	v0 =	vld [tilespmem:s19+$0x0]  }
0x2f: {  	v1 =	vld [tilespmem:s19+$0xFFFFFFE0];
	s17 =	sor.u32 $0x4000, s15  }
0x30: {  	s31 =	sshrl.u32 s16, $0x2;
	s16 =	sadd.s32 $0x0, s17  }
0x31: {  	s18 =	simm.s32 $0x4;
	s19 =	sadd.s32 $0x40, s19;
	s15 =	sor.u32 $0x4000, s31;
	[tilespmem:s16+$0x1830 ss:$0x81] =	vst.msk $0xffff, v3  }
.LBB1_3:
0x32: {  	v3 =	vld [tilespmem:s19+$0x10];
	p1 =	sne.s32 s18, $0x1FC;
	[tilespmem:s16+$0x810 ss:$0x81] =	vst.msk $0xffff, v2;
	s20 =	smov.u32 s18;
	s18 =	sadd.s32 $0x4, s18  }
.Ltmp3:
0x33: {  	v2 =	vld [tilespmem:s19+$0xFFFFFFF0];
	[tilespmem:s16+$0x1020 ss:$0x81] =	vst.msk $0xffff, v0;
	(pc) =	sbr.rel @p1 .LBB1_3-.Ltmp3, $4  }
0x34: {  	v0 =	vld [tilespmem:s19+$0x0];
	[tilespmem:s16+$0x0 ss:$0x81] =	vst.msk $0xffff, v1  }
0x35: {  	s16 =	sshra.s32 s20, $0x2;
	v1 =	vld [tilespmem:s19+$0xFFFFFFE0]  }
0x36: {  	s16 =	sadd.s32 s16, s17  }
0x37: {  	s19 =	sadd.s32 $0x40, s19;
	[tilespmem:s16+$0x1830 ss:$0x81] =	vst.msk $0xffff, v3  }
.Ltmp4:
0x38: {  	_ = 	snop;
	(pc) =	sbr.rel .LBB1_4-.Ltmp4, $1  }
0x39: {  	_ =	sdelay $0x3  }
.LBB1_6:
0x3a: {  	_ =	sfence.sel $0x180000  }
0x3b: {  	s2 =	simm.s32 $0x1;
	[bflag:$0x0] =	sbarrier.arrive $0xFFFF  }
0x3c: {  	s31 =	simm.s32 $0x2;
	[sflag:s2] =	ssyncpa.u1 $0x1  }
0x3d: {  	[sflag:s31] =	ssyncpa.u1 $0x1  }
0x3e: {  	p0 =	sne.s32 s0, $0x0;
	_ =	strace $0x9000004A  }
0x3f: {  	s0 =	sadd.s32 @!p0 $0x100000, s1;
	[bflag:$0x2] =	sbarrier.arrive $0xFFFF  }
0x40: {  	[sflag:s0] =	ssyncadd.tile.s32 @!p0 $0x1;
	_ =	shalt  }
.Lfunc_end1:
_tile_overlayer_lowered:
.L_overlay_start_2:
0x41: {  	(tag) =	ssettag $0x2  }
0x42: {  	s0 =	rddreg [dreg:$0x0];
	s2 =	stileid.u32  }
0x43: {  	s1 =	rddreg [dreg:$0x1];
	p0 =	sne.s32 s2, $0x0  }
0x44: {  	s3 =	rddreg [dreg:$0x2];
	[bflag:$0x3] =	sbarrier.arrive $0xFFFF;
	s2 =	simm.s32 @!p0 $0x1C01  }
0x45: {  	[timem:s3], [sflag:s2] =	dma.local @!p0 [hbm:s0], s1  }
0x46: {  	s0 =	simm.s32 @!p0 $0x1  }
0x47: {  	_ =	swait.ge @!p0 [sflag:s0], s1  }
0x48: {  	s1 =	ssub.s32 @!p0 $0x0, s1;
	[sflag:s0] =	ssyncset.done @!p0 $0x0  }
0x49: {  	[sflag:s0] =	ssyncadd.s32 @!p0 s1  }
0x4a: {  	[bflag:$0x3] =	sbarrier.arrive $0xFFFF  }
0x4b: {  	_ =	shalt  }

</sc_bundles>
